<compile_context>
chip_gen: v7x
topology: tpu7x:2x2x1
jax: 0.10.2.dev20260603
libtpu: 0.0.44.dev20260713+nightly
codegen_flags: <defaults>
</compile_context>

<pallas_src>
import jax
import jax.numpy as jnp
from jax import lax
from jax.experimental import pallas as pl
from jax.experimental.pallas import tpu as pltpu
from jax.experimental.pallas import tpu_sc as plsc

_D = 64
_SCALE = 8.0
_NC, _NS = 2, 16
_NW = _NC * _NS
_CHUNK = 128
_BLK = 256


def _mesh():
    return plsc.VectorSubcoreMesh(
        core_axis_name="c", subcore_axis_name="s",
        num_cores=_NC, num_subcores=_NS,
    )


def _repack_body(table_hbm, dup_hbm, va0, va1, vb0, vb1, rs0, rs1, ws0, ws1):
    c = lax.axis_index("c")
    s = lax.axis_index("s")
    wid = s * _NC + c
    v_rows = table_hbm.shape[0]
    n_full = v_rows // _BLK
    tail = v_rows - n_full * _BLK
    n_t = (n_full + _NW - 1) // _NW
    n_t = ((n_t + 1) // 2) * 2

    vas, vbs, rss, wss = (va0, va1), (vb0, vb1), (rs0, rs1), (ws0, ws1)

    def blk_of(t):
        return jnp.minimum(wid + t * _NW, n_full - 1)

    def start_read(t, b):
        pltpu.async_copy(table_hbm.at[pl.ds(blk_of(t) * _BLK, _BLK)], vas[b], rss[b])

    def wait_read(b):
        pltpu.make_async_copy(table_hbm.at[pl.ds(0, _BLK)], vas[b], rss[b]).wait()

    def start_write(t, b):
        pltpu.async_copy(vbs[b], dup_hbm.at[pl.ds(blk_of(t) * _BLK, _BLK)], wss[b])

    def wait_write(b):
        pltpu.make_async_copy(vbs[b], dup_hbm.at[pl.ds(0, _BLK)], wss[b]).wait()

    def repack(b):
        src, dst = vas[b], vbs[b]

        @pl.loop(0, _BLK, step=2, unroll=2)
        def _r(r):
            vals = [src[r + k, pl.ds(16 * j, 16)]
                    for k in range(2) for j in range(_D // 16)]
            for k in range(2):
                for j in range(_D // 16):
                    dst[r + k, pl.ds(16 * j, 16)] = vals[k * 4 + j] * _SCALE

    start_read(0, 0)
    start_read(1, 1)

    for b in range(2):
        wait_read(b)
        repack(b)
        start_read(2 + b, b)
        start_write(b, b)

    @pl.loop(2, n_t - 2, step=2)
    def _steady(t):
        for b in range(2):
            tt = t + b
            wait_read(b)
            wait_write(b)
            repack(b)
            start_read(tt + 2, b)
            start_write(tt, b)

    for b in range(2):
        tt = n_t - 2 + b
        wait_read(b)
        wait_write(b)
        repack(b)
        start_write(tt, b)

    for b in range(2):
        wait_write(b)

    if tail:
        @pl.when(wid == 0)
        def _():
            base = n_full * _BLK
            pltpu.sync_copy(table_hbm.at[pl.ds(base, tail)],
                            va0.at[pl.ds(0, tail)])

            @pl.loop(0, tail)
            def _r(r):
                for j in range(_D // 16):
                    sl = pl.ds(16 * j, 16)
                    vb0[r, sl] = va0[r, sl] * _SCALE

            pltpu.sync_copy(vb0.at[pl.ds(0, tail)],
                            dup_hbm.at[pl.ds(base, tail)])


def _gather_body(idx_hbm, dup_hbm, out_hbm,
                 idx_v, in0, in1, o0, o1, gs0, gs1, os0, os1):
    c = lax.axis_index("c")
    s = lax.axis_index("s")
    wid = s * _NC + c
    n_chunks = idx_hbm.shape[1]
    rows_per_w = n_chunks * _CHUNK

    ins, outs, gss, oss = (in0, in1), (o0, o1), (gs0, gs1), (os0, os1)

    def start_gather(ch, b):
        pltpu.async_copy(dup_hbm.at[idx_v.at[ch]], ins[b], gss[b])

    def wait_gather(b):
        pltpu.make_async_copy(dup_hbm.at[idx_v.at[0]], ins[b], gss[b]).wait()

    def start_out(ch, b):
        base = wid * rows_per_w + ch * _CHUNK
        pltpu.async_copy(outs[b], out_hbm.at[pl.ds(base, _CHUNK)], oss[b])

    def wait_out(b):
        pltpu.make_async_copy(outs[b], out_hbm.at[pl.ds(0, _CHUNK)], oss[b]).wait()

    def extract(b):
        src, dst = ins[b], outs[b]

        @pl.loop(0, _CHUNK, unroll=2)
        def _r(r):
            vals = [src[r, pl.ds(16 * j, 16)] for j in range(_D // 16)]
            for j in range(_D // 16):
                dst[r, pl.ds(16 * j, 16)] = vals[j]

    pltpu.sync_copy(idx_hbm.at[wid], idx_v)

    start_gather(0, 0)
    start_gather(1, 1)

    for b in range(2):
        wait_gather(b)
        extract(b)
        start_gather(2 + b, b)
        start_out(b, b)

    @pl.loop(2, n_chunks - 2, step=2)
    def _steady(i):
        for b in range(2):
            ch = i + b
            wait_gather(b)
            wait_out(b)
            extract(b)
            start_gather(ch + 2, b)
            start_out(ch, b)

    for b in range(2):
        ch = n_chunks - 2 + b
        wait_gather(b)
        wait_out(b)
        extract(b)
        start_out(ch, b)

    for b in range(2):
        wait_out(b)


def kernel(x, table):
    b0, b1 = x.shape
    total = b0 * b1
    n_chunks = total // (_NW * _CHUNK)
    assert n_chunks * _NW * _CHUNK == total and n_chunks >= 4 and n_chunks % 2 == 0
    v_rows = table.shape[0]

    x3 = x.astype(jnp.int32).reshape(_NW, n_chunks, _CHUNK)

    repack = pl.kernel(
        _repack_body,
        out_type=jax.ShapeDtypeStruct((v_rows, 2 * _D), jnp.float32),
        mesh=_mesh(),
        compiler_params=pltpu.CompilerParams(needs_layout_passes=False),
        scratch_types=[
            pltpu.VMEM((_BLK, _D), jnp.float32),
            pltpu.VMEM((_BLK, _D), jnp.float32),
            pltpu.VMEM((_BLK, 2 * _D), jnp.float32),
            pltpu.VMEM((_BLK, 2 * _D), jnp.float32),
            pltpu.SemaphoreType.DMA,
            pltpu.SemaphoreType.DMA,
            pltpu.SemaphoreType.DMA,
            pltpu.SemaphoreType.DMA,
        ],
    )
    gather = pl.kernel(
        _gather_body,
        out_type=jax.ShapeDtypeStruct((total, _D), jnp.float32),
        mesh=_mesh(),
        compiler_params=pltpu.CompilerParams(needs_layout_passes=False),
        scratch_types=[
            pltpu.VMEM((n_chunks, _CHUNK), jnp.int32),
            pltpu.VMEM((_CHUNK, 2 * _D), jnp.float32),
            pltpu.VMEM((_CHUNK, 2 * _D), jnp.float32),
            pltpu.VMEM((_CHUNK, _D), jnp.float32),
            pltpu.VMEM((_CHUNK, _D), jnp.float32),
            pltpu.SemaphoreType.DMA,
            pltpu.SemaphoreType.DMA,
            pltpu.SemaphoreType.DMA,
            pltpu.SemaphoreType.DMA,
        ],
    )

    dup = repack(table)
    out = gather(x3, dup)
    return out.reshape(b0, b1, _D)

# --- scband reference (transcript-rebuilt; emitter-appended) ---
"""Pipeline reference for scband-embedding-69449621176703 (READ-ONLY COPY).

The authoritative reference and input builder live on the scoring server;
editing this copy changes nothing except your own understanding.
"""

import jax, jax.numpy as jnp
import numpy as np
import math

VOCAB = 1000000
D_MODEL = 64

def setup_inputs(seed: int = 0) -> dict:
    key = jax.random.key(seed)
    k_idx, k_tab = jax.random.split(key)
    x = jax.random.randint(k_idx, (4096, 200), 0, VOCAB, dtype=jnp.int64 if jax.config.jax_enable_x64 else jnp.int32)
    table = jax.random.normal(k_tab, (VOCAB, D_MODEL), dtype=jnp.float32)
    return {"x": x, "table": table}

def reference(x, table):
    # Embedding lookup followed by sqrt(d_model) scaling, as in the torch module
    emb = jnp.take(table, x, axis=0)
    return emb * math.sqrt(D_MODEL)

if __name__ == "__main__":
    import jax
    _d = setup_inputs()
    print(jax.jit(kernel)(*tuple(_d.values())))

</pallas_src>

<mosaic_0001>
#map = affine_map<(d0, d1) -> (0, 0)>
module attributes {stable_mosaic.version = 14 : i64} {
  func.func @_repack_body(%arg0: i32, %arg1: i32, %arg2: memref<1000000x64xf32, #tpu.memory_space<hbm>>, %arg3: memref<1000000x128xf32, #tpu.memory_space<hbm>>, %arg4: memref<256x64xf32, #tpu.memory_space<vmem>>, %arg5: memref<256x64xf32, #tpu.memory_space<vmem>>, %arg6: memref<256x128xf32, #tpu.memory_space<vmem>>, %arg7: memref<256x128xf32, #tpu.memory_space<vmem>>, %arg8: memref<!tpu.dma_semaphore, #tpu.memory_space<semaphore_mem>>, %arg9: memref<!tpu.dma_semaphore, #tpu.memory_space<semaphore_mem>>, %arg10: memref<!tpu.dma_semaphore, #tpu.memory_space<semaphore_mem>>, %arg11: memref<!tpu.dma_semaphore, #tpu.memory_space<semaphore_mem>>) attributes {dimension_semantics = [#tpu.dimension_semantics<core_parallel>, #tpu.dimension_semantics<subcore_parallel>], iteration_bounds = array<i64: 2, 16>, scalar_prefetch = 0 : i64, scratch_operands = 8 : i64, tpu.core_type = #tpu.core_type<sc_vector_subcore>, window_params = [{transform_indices = #map}, {transform_indices = #map}]} {
    %mul3A = arith.constant 2 : i32
    %mul3A_0 = arith.muli %arg1, %mul3A : i32
    %add3A = arith.addi %mul3A_0, %arg0 : i32
    %add3A_1 = arith.constant 0 : i32
    %add3A_2 = arith.addi %add3A, %add3A_1 : i32
    %min3A = arith.constant 3905 : i32
    %min3A_3 = arith.minsi %add3A_2, %min3A : i32
    %mul3A_4 = arith.constant 256 : i32
    %mul3A_5 = arith.muli %min3A_3, %mul3A_4 : i32
    %dma_start3A = arith.constant 0 : i32
    %dma_start3A_6 = tpu.memref_slice %arg2[%mul3A_5, %dma_start3A] : memref<1000000x64xf32, #tpu.memory_space<hbm>> -> memref<256x64xf32, #tpu.memory_space<hbm>>
    %dma_start3A_7 = arith.constant 0 : i32
    %dma_start3A_8 = tpu.memref_slice %arg2[%mul3A_5, %dma_start3A_7] : memref<1000000x64xf32, #tpu.memory_space<hbm>> -> memref<256x64xf32, #tpu.memory_space<hbm>>
    tpu.enqueue_dma source(%dma_start3A_8 : memref<256x64xf32, #tpu.memory_space<hbm>>) target(%arg4 : memref<256x64xf32, #tpu.memory_space<vmem>>) target_semaphore(%arg8 : memref<!tpu.dma_semaphore, #tpu.memory_space<semaphore_mem>>)
    %add3A_9 = arith.constant 32 : i32
    %add3A_10 = arith.addi %add3A, %add3A_9 : i32
    %min3A_11 = arith.constant 3905 : i32
    %min3A_12 = arith.minsi %add3A_10, %min3A_11 : i32
    %mul3A_13 = arith.constant 256 : i32
    %mul3A_14 = arith.muli %min3A_12, %mul3A_13 : i32
    %dma_start3A_15 = arith.constant 0 : i32
    %dma_start3A_16 = tpu.memref_slice %arg2[%mul3A_14, %dma_start3A_15] : memref<1000000x64xf32, #tpu.memory_space<hbm>> -> memref<256x64xf32, #tpu.memory_space<hbm>>
    %dma_start3A_17 = arith.constant 0 : i32
    %dma_start3A_18 = tpu.memref_slice %arg2[%mul3A_14, %dma_start3A_17] : memref<1000000x64xf32, #tpu.memory_space<hbm>> -> memref<256x64xf32, #tpu.memory_space<hbm>>
    tpu.enqueue_dma source(%dma_start3A_18 : memref<256x64xf32, #tpu.memory_space<hbm>>) target(%arg5 : memref<256x64xf32, #tpu.memory_space<vmem>>) target_semaphore(%arg9 : memref<!tpu.dma_semaphore, #tpu.memory_space<semaphore_mem>>)
    %dma_wait3A = arith.constant 0 : i32
    %dma_wait3A_19 = arith.constant 0 : i32
    %dma_wait3A_20 = tpu.memref_slice %arg2[%dma_wait3A, %dma_wait3A_19] : memref<1000000x64xf32, #tpu.memory_space<hbm>> -> memref<256x64xf32, #tpu.memory_space<hbm>>
    %dma_wait3A_21 = arith.constant 0 : i32
    %dma_wait3A_22 = arith.constant 0 : i32
    %dma_wait3A_23 = tpu.memref_slice %arg2[%dma_wait3A_21, %dma_wait3A_22] : memref<1000000x64xf32, #tpu.memory_space<hbm>> -> memref<256x64xf32, #tpu.memory_space<hbm>>
    tpu.wait_dma2 semaphore(%arg8 : memref<!tpu.dma_semaphore, #tpu.memory_space<semaphore_mem>>) src(%dma_wait3A_23 : memref<256x64xf32, #tpu.memory_space<hbm>>) dst(%arg4 : memref<256x64xf32, #tpu.memory_space<vmem>>)
    %scan3A = arith.constant 0 : i32
    %scan3A_24 = arith.constant 128 : i32
    %scan3A_25 = arith.addi %scan3A, %scan3A_24 : i32
    %scan3A_26 = arith.constant 2 : i32
    scf.for %scan3A_152 = %scan3A to %scan3A_25 step %scan3A_26  : i32 {
      %mul3A_153 = arith.constant 2 : i32
      %mul3A_154 = arith.muli %scan3A_152, %mul3A_153 : i32
      %add3A_155 = arith.constant 0 : i32
      %add3A_156 = arith.addi %add3A_155, %mul3A_154 : i32
      %add3A_157 = arith.constant 0 : i32
      %add3A_158 = arith.addi %add3A_156, %add3A_157 : i32
      %get3A = arith.index_cast %add3A_158 : i32 to index
      %get3A_159 = arith.constant 0 : index
      %get3A_160 = tpu.vector_load %arg4[%get3A, %get3A_159] {strides = array<i32>} : memref<256x64xf32, #tpu.memory_space<vmem>>, vector<16xf32>,
      %add3A_161 = arith.constant 0 : i32
      %add3A_162 = arith.addi %add3A_156, %add3A_161 : i32
      %get3A_163 = arith.index_cast %add3A_162 : i32 to index
      %get3A_164 = arith.constant 16 : index
      %get3A_165 = tpu.vector_load %arg4[%get3A_163, %get3A_164] {strides = array<i32>} : memref<256x64xf32, #tpu.memory_space<vmem>>, vector<16xf32>,
      %add3A_166 = arith.constant 0 : i32
      %add3A_167 = arith.addi %add3A_156, %add3A_166 : i32
      %get3A_168 = arith.index_cast %add3A_167 : i32 to index
      %get3A_169 = arith.constant 32 : index
      %get3A_170 = tpu.vector_load %arg4[%get3A_168, %get3A_169] {strides = array<i32>} : memref<256x64xf32, #tpu.memory_space<vmem>>, vector<16xf32>,
      %add3A_171 = arith.constant 0 : i32
      %add3A_172 = arith.addi %add3A_156, %add3A_171 : i32
      %get3A_173 = arith.index_cast %add3A_172 : i32 to index
      %get3A_174 = arith.constant 48 : index
      %get3A_175 = tpu.vector_load %arg4[%get3A_173, %get3A_174] {strides = array<i32>} : memref<256x64xf32, #tpu.memory_space<vmem>>, vector<16xf32>,
      %add3A_176 = arith.constant 1 : i32
      %add3A_177 = arith.addi %add3A_156, %add3A_176 : i32
      %get3A_178 = arith.index_cast %add3A_177 : i32 to index
      %get3A_179 = arith.constant 0 : index
      %get3A_180 = tpu.vector_load %arg4[%get3A_178, %get3A_179] {strides = array<i32>} : memref<256x64xf32, #tpu.memory_space<vmem>>, vector<16xf32>,
      %add3A_181 = arith.constant 1 : i32
      %add3A_182 = arith.addi %add3A_156, %add3A_181 : i32
      %get3A_183 = arith.index_cast %add3A_182 : i32 to index
      %get3A_184 = arith.constant 16 : index
      %get3A_185 = tpu.vector_load %arg4[%get3A_183, %get3A_184] {strides = array<i32>} : memref<256x64xf32, #tpu.memory_space<vmem>>, vector<16xf32>,
      %add3A_186 = arith.constant 1 : i32
      %add3A_187 = arith.addi %add3A_156, %add3A_186 : i32
      %get3A_188 = arith.index_cast %add3A_187 : i32 to index
      %get3A_189 = arith.constant 32 : index
      %get3A_190 = tpu.vector_load %arg4[%get3A_188, %get3A_189] {strides = array<i32>} : memref<256x64xf32, #tpu.memory_space<vmem>>, vector<16xf32>,
      %add3A_191 = arith.constant 1 : i32
      %add3A_192 = arith.addi %add3A_156, %add3A_191 : i32
      %get3A_193 = arith.index_cast %add3A_192 : i32 to index
      %get3A_194 = arith.constant 48 : index
      %get3A_195 = tpu.vector_load %arg4[%get3A_193, %get3A_194] {strides = array<i32>} : memref<256x64xf32, #tpu.memory_space<vmem>>, vector<16xf32>,
      %mul3A_196 = arith.constant 8.000000e+00 : f32
      %mul3A_197 = vector.broadcast %mul3A_196 : f32 to vector<16xf32>
      %mul3A_198 = arith.mulf %get3A_160, %mul3A_197 : vector<16xf32>
      %add3A_199 = arith.constant 0 : i32
      %add3A_200 = arith.addi %add3A_156, %add3A_199 : i32
      %swap3A = arith.index_cast %add3A_200 : i32 to index
      %swap3A_201 = arith.constant 0 : index
      %swap3A_202 = tpu.vector_load %arg6[%swap3A, %swap3A_201] {strides = array<i32>} : memref<256x128xf32, #tpu.memory_space<vmem>>, vector<16xf32>,
      tpu.vector_store %arg6[%swap3A, %swap3A_201], %mul3A_198 {strides = array<i32>} : memref<256x128xf32, #tpu.memory_space<vmem>>, vector<16xf32>,
      %mul3A_203 = arith.constant 8.000000e+00 : f32
      %mul3A_204 = vector.broadcast %mul3A_203 : f32 to vector<16xf32>
      %mul3A_205 = arith.mulf %get3A_165, %mul3A_204 : vector<16xf32>
      %add3A_206 = arith.constant 0 : i32
      %add3A_207 = arith.addi %add3A_156, %add3A_206 : i32
      %swap3A_208 = arith.index_cast %add3A_207 : i32 to index
      %swap3A_209 = arith.constant 16 : index
      %swap3A_210 = tpu.vector_load %arg6[%swap3A_208, %swap3A_209] {strides = array<i32>} : memref<256x128xf32, #tpu.memory_space<vmem>>, vector<16xf32>,
      tpu.vector_store %arg6[%swap3A_208, %swap3A_209], %mul3A_205 {strides = array<i32>} : memref<256x128xf32, #tpu.memory_space<vmem>>, vector<16xf32>,
      %mul3A_211 = arith.constant 8.000000e+00 : f32
      %mul3A_212 = vector.broadcast %mul3A_211 : f32 to vector<16xf32>
      %mul3A_213 = arith.mulf %get3A_170, %mul3A_212 : vector<16xf32>
      %add3A_214 = arith.constant 0 : i32
      %add3A_215 = arith.addi %add3A_156, %add3A_214 : i32
      %swap3A_216 = arith.index_cast %add3A_215 : i32 to index
      %swap3A_217 = arith.constant 32 : index
      %swap3A_218 = tpu.vector_load %arg6[%swap3A_216, %swap3A_217] {strides = array<i32>} : memref<256x128xf32, #tpu.memory_space<vmem>>, vector<16xf32>,
      tpu.vector_store %arg6[%swap3A_216, %swap3A_217], %mul3A_213 {strides = array<i32>} : memref<256x128xf32, #tpu.memory_space<vmem>>, vector<16xf32>,
      %mul3A_219 = arith.constant 8.000000e+00 : f32
      %mul3A_220 = vector.broadcast %mul3A_219 : f32 to vector<16xf32>
      %mul3A_221 = arith.mulf %get3A_175, %mul3A_220 : vector<16xf32>
      %add3A_222 = arith.constant 0 : i32
      %add3A_223 = arith.addi %add3A_156, %add3A_222 : i32
      %swap3A_224 = arith.index_cast %add3A_223 : i32 to index
      %swap3A_225 = arith.constant 48 : index
      %swap3A_226 = tpu.vector_load %arg6[%swap3A_224, %swap3A_225] {strides = array<i32>} : memref<256x128xf32, #tpu.memory_space<vmem>>, vector<16xf32>,
      tpu.vector_store %arg6[%swap3A_224, %swap3A_225], %mul3A_221 {strides = array<i32>} : memref<256x128xf32, #tpu.memory_space<vmem>>, vector<16xf32>,
      %mul3A_227 = arith.constant 8.000000e+00 : f32
      %mul3A_228 = vector.broadcast %mul3A_227 : f32 to vector<16xf32>
      %mul3A_229 = arith.mulf %get3A_180, %mul3A_228 : vector<16xf32>
      %add3A_230 = arith.constant 1 : i32
      %add3A_231 = arith.addi %add3A_156, %add3A_230 : i32
      %swap3A_232 = arith.index_cast %add3A_231 : i32 to index
      %swap3A_233 = arith.constant 0 : index
      %swap3A_234 = tpu.vector_load %arg6[%swap3A_232, %swap3A_233] {strides = array<i32>} : memref<256x128xf32, #tpu.memory_space<vmem>>, vector<16xf32>,
      tpu.vector_store %arg6[%swap3A_232, %swap3A_233], %mul3A_229 {strides = array<i32>} : memref<256x128xf32, #tpu.memory_space<vmem>>, vector<16xf32>,
      %mul3A_235 = arith.constant 8.000000e+00 : f32
      %mul3A_236 = vector.broadcast %mul3A_235 : f32 to vector<16xf32>
      %mul3A_237 = arith.mulf %get3A_185, %mul3A_236 : vector<16xf32>
      %add3A_238 = arith.constant 1 : i32
      %add3A_239 = arith.addi %add3A_156, %add3A_238 : i32
      %swap3A_240 = arith.index_cast %add3A_239 : i32 to index
      %swap3A_241 = arith.constant 16 : index
      %swap3A_242 = tpu.vector_load %arg6[%swap3A_240, %swap3A_241] {strides = array<i32>} : memref<256x128xf32, #tpu.memory_space<vmem>>, vector<16xf32>,
      tpu.vector_store %arg6[%swap3A_240, %swap3A_241], %mul3A_237 {strides = array<i32>} : memref<256x128xf32, #tpu.memory_space<vmem>>, vector<16xf32>,
      %mul3A_243 = arith.constant 8.000000e+00 : f32
      %mul3A_244 = vector.broadcast %mul3A_243 : f32 to vector<16xf32>
      %mul3A_245 = arith.mulf %get3A_190, %mul3A_244 : vector<16xf32>
      %add3A_246 = arith.constant 1 : i32
      %add3A_247 = arith.addi %add3A_156, %add3A_246 : i32
      %swap3A_248 = arith.index_cast %add3A_247 : i32 to index
      %swap3A_249 = arith.constant 32 : index
      %swap3A_250 = tpu.vector_load %arg6[%swap3A_248, %swap3A_249] {strides = array<i32>} : memref<256x128xf32, #tpu.memory_space<vmem>>, vector<16xf32>,
      tpu.vector_store %arg6[%swap3A_248, %swap3A_249], %mul3A_245 {strides = array<i32>} : memref<256x128xf32, #tpu.memory_space<vmem>>, vector<16xf32>,
      %mul3A_251 = arith.constant 8.000000e+00 : f32
      %mul3A_252 = vector.broadcast %mul3A_251 : f32 to vector<16xf32>
      %mul3A_253 = arith.mulf %get3A_195, %mul3A_252 : vector<16xf32>
      %add3A_254 = arith.constant 1 : i32
      %add3A_255 = arith.addi %add3A_156, %add3A_254 : i32
      %swap3A_256 = arith.index_cast %add3A_255 : i32 to index
      %swap3A_257 = arith.constant 48 : index
      %swap3A_258 = tpu.vector_load %arg6[%swap3A_256, %swap3A_257] {strides = array<i32>} : memref<256x128xf32, #tpu.memory_space<vmem>>, vector<16xf32>,
      tpu.vector_store %arg6[%swap3A_256, %swap3A_257], %mul3A_253 {strides = array<i32>} : memref<256x128xf32, #tpu.memory_space<vmem>>, vector<16xf32>,
      %scan3A_259 = arith.constant 1 : i32
      %scan3A_260 = arith.addi %scan3A_152, %scan3A_259 : i32
      %mul3A_261 = arith.constant 2 : i32
      %mul3A_262 = arith.muli %scan3A_260, %mul3A_261 : i32
      %add3A_263 = arith.constant 0 : i32
      %add3A_264 = arith.addi %add3A_263, %mul3A_262 : i32
      %add3A_265 = arith.constant 0 : i32
      %add3A_266 = arith.addi %add3A_264, %add3A_265 : i32
      %get3A_267 = arith.index_cast %add3A_266 : i32 to index
      %get3A_268 = arith.constant 0 : index
      %get3A_269 = tpu.vector_load %arg4[%get3A_267, %get3A_268] {strides = array<i32>} : memref<256x64xf32, #tpu.memory_space<vmem>>, vector<16xf32>,
      %add3A_270 = arith.constant 0 : i32
      %add3A_271 = arith.addi %add3A_264, %add3A_270 : i32
      %get3A_272 = arith.index_cast %add3A_271 : i32 to index
      %get3A_273 = arith.constant 16 : index
      %get3A_274 = tpu.vector_load %arg4[%get3A_272, %get3A_273] {strides = array<i32>} : memref<256x64xf32, #tpu.memory_space<vmem>>, vector<16xf32>,
      %add3A_275 = arith.constant 0 : i32
      %add3A_276 = arith.addi %add3A_264, %add3A_275 : i32
      %get3A_277 = arith.index_cast %add3A_276 : i32 to index
      %get3A_278 = arith.constant 32 : index
      %get3A_279 = tpu.vector_load %arg4[%get3A_277, %get3A_278] {strides = array<i32>} : memref<256x64xf32, #tpu.memory_space<vmem>>, vector<16xf32>,
      %add3A_280 = arith.constant 0 : i32
      %add3A_281 = arith.addi %add3A_264, %add3A_280 : i32
      %get3A_282 = arith.index_cast %add3A_281 : i32 to index
      %get3A_283 = arith.constant 48 : index
      %get3A_284 = tpu.vector_load %arg4[%get3A_282, %get3A_283] {strides = array<i32>} : memref<256x64xf32, #tpu.memory_space<vmem>>, vector<16xf32>,
      %add3A_285 = arith.constant 1 : i32
      %add3A_286 = arith.addi %add3A_264, %add3A_285 : i32
      %get3A_287 = arith.index_cast %add3A_286 : i32 to index
      %get3A_288 = arith.constant 0 : index
      %get3A_289 = tpu.vector_load %arg4[%get3A_287, %get3A_288] {strides = array<i32>} : memref<256x64xf32, #tpu.memory_space<vmem>>, vector<16xf32>,
      %add3A_290 = arith.constant 1 : i32
      %add3A_291 = arith.addi %add3A_264, %add3A_290 : i32
      %get3A_292 = arith.index_cast %add3A_291 : i32 to index
      %get3A_293 = arith.constant 16 : index
      %get3A_294 = tpu.vector_load %arg4[%get3A_292, %get3A_293] {strides = array<i32>} : memref<256x64xf32, #tpu.memory_space<vmem>>, vector<16xf32>,
      %add3A_295 = arith.constant 1 : i32
      %add3A_296 = arith.addi %add3A_264, %add3A_295 : i32
      %get3A_297 = arith.index_cast %add3A_296 : i32 to index
      %get3A_298 = arith.constant 32 : index
      %get3A_299 = tpu.vector_load %arg4[%get3A_297, %get3A_298] {strides = array<i32>} : memref<256x64xf32, #tpu.memory_space<vmem>>, vector<16xf32>,
      %add3A_300 = arith.constant 1 : i32
      %add3A_301 = arith.addi %add3A_264, %add3A_300 : i32
      %get3A_302 = arith.index_cast %add3A_301 : i32 to index
      %get3A_303 = arith.constant 48 : index
      %get3A_304 = tpu.vector_load %arg4[%get3A_302, %get3A_303] {strides = array<i32>} : memref<256x64xf32, #tpu.memory_space<vmem>>, vector<16xf32>,
      %mul3A_305 = arith.constant 8.000000e+00 : f32
      %mul3A_306 = vector.broadcast %mul3A_305 : f32 to vector<16xf32>
      %mul3A_307 = arith.mulf %get3A_269, %mul3A_306 : vector<16xf32>
      %add3A_308 = arith.constant 0 : i32
      %add3A_309 = arith.addi %add3A_264, %add3A_308 : i32
      %swap3A_310 = arith.index_cast %add3A_309 : i32 to index
      %swap3A_311 = arith.constant 0 : index
      %swap3A_312 = tpu.vector_load %arg6[%swap3A_310, %swap3A_311] {strides = array<i32>} : memref<256x128xf32, #tpu.memory_space<vmem>>, vector<16xf32>,
      tpu.vector_store %arg6[%swap3A_310, %swap3A_311], %mul3A_307 {strides = array<i32>} : memref<256x128xf32, #tpu.memory_space<vmem>>, vector<16xf32>,
      %mul3A_313 = arith.constant 8.000000e+00 : f32
      %mul3A_314 = vector.broadcast %mul3A_313 : f32 to vector<16xf32>
      %mul3A_315 = arith.mulf %get3A_274, %mul3A_314 : vector<16xf32>
      %add3A_316 = arith.constant 0 : i32
      %add3A_317 = arith.addi %add3A_264, %add3A_316 : i32
      %swap3A_318 = arith.index_cast %add3A_317 : i32 to index
      %swap3A_319 = arith.constant 16 : index
      %swap3A_320 = tpu.vector_load %arg6[%swap3A_318, %swap3A_319] {strides = array<i32>} : memref<256x128xf32, #tpu.memory_space<vmem>>, vector<16xf32>,
      tpu.vector_store %arg6[%swap3A_318, %swap3A_319], %mul3A_315 {strides = array<i32>} : memref<256x128xf32, #tpu.memory_space<vmem>>, vector<16xf32>,
      %mul3A_321 = arith.constant 8.000000e+00 : f32
      %mul3A_322 = vector.broadcast %mul3A_321 : f32 to vector<16xf32>
      %mul3A_323 = arith.mulf %get3A_279, %mul3A_322 : vector<16xf32>
      %add3A_324 = arith.constant 0 : i32
      %add3A_325 = arith.addi %add3A_264, %add3A_324 : i32
      %swap3A_326 = arith.index_cast %add3A_325 : i32 to index
      %swap3A_327 = arith.constant 32 : index
      %swap3A_328 = tpu.vector_load %arg6[%swap3A_326, %swap3A_327] {strides = array<i32>} : memref<256x128xf32, #tpu.memory_space<vmem>>, vector<16xf32>,
      tpu.vector_store %arg6[%swap3A_326, %swap3A_327], %mul3A_323 {strides = array<i32>} : memref<256x128xf32, #tpu.memory_space<vmem>>, vector<16xf32>,
      %mul3A_329 = arith.constant 8.000000e+00 : f32
      %mul3A_330 = vector.broadcast %mul3A_329 : f32 to vector<16xf32>
      %mul3A_331 = arith.mulf %get3A_284, %mul3A_330 : vector<16xf32>
      %add3A_332 = arith.constant 0 : i32
      %add3A_333 = arith.addi %add3A_264, %add3A_332 : i32
      %swap3A_334 = arith.index_cast %add3A_333 : i32 to index
      %swap3A_335 = arith.constant 48 : index
      %swap3A_336 = tpu.vector_load %arg6[%swap3A_334, %swap3A_335] {strides = array<i32>} : memref<256x128xf32, #tpu.memory_space<vmem>>, vector<16xf32>,
      tpu.vector_store %arg6[%swap3A_334, %swap3A_335], %mul3A_331 {strides = array<i32>} : memref<256x128xf32, #tpu.memory_space<vmem>>, vector<16xf32>,
      %mul3A_337 = arith.constant 8.000000e+00 : f32
      %mul3A_338 = vector.broadcast %mul3A_337 : f32 to vector<16xf32>
      %mul3A_339 = arith.mulf %get3A_289, %mul3A_338 : vector<16xf32>
      %add3A_340 = arith.constant 1 : i32
      %add3A_341 = arith.addi %add3A_264, %add3A_340 : i32
      %swap3A_342 = arith.index_cast %add3A_341 : i32 to index
      %swap3A_343 = arith.constant 0 : index
      %swap3A_344 = tpu.vector_load %arg6[%swap3A_342, %swap3A_343] {strides = array<i32>} : memref<256x128xf32, #tpu.memory_space<vmem>>, vector<16xf32>,
      tpu.vector_store %arg6[%swap3A_342, %swap3A_343], %mul3A_339 {strides = array<i32>} : memref<256x128xf32, #tpu.memory_space<vmem>>, vector<16xf32>,
      %mul3A_345 = arith.constant 8.000000e+00 : f32
      %mul3A_346 = vector.broadcast %mul3A_345 : f32 to vector<16xf32>
      %mul3A_347 = arith.mulf %get3A_294, %mul3A_346 : vector<16xf32>
      %add3A_348 = arith.constant 1 : i32
      %add3A_349 = arith.addi %add3A_264, %add3A_348 : i32
      %swap3A_350 = arith.index_cast %add3A_349 : i32 to index
      %swap3A_351 = arith.constant 16 : index
      %swap3A_352 = tpu.vector_load %arg6[%swap3A_350, %swap3A_351] {strides = array<i32>} : memref<256x128xf32, #tpu.memory_space<vmem>>, vector<16xf32>,
      tpu.vector_store %arg6[%swap3A_350, %swap3A_351], %mul3A_347 {strides = array<i32>} : memref<256x128xf32, #tpu.memory_space<vmem>>, vector<16xf32>,
      %mul3A_353 = arith.constant 8.000000e+00 : f32
      %mul3A_354 = vector.broadcast %mul3A_353 : f32 to vector<16xf32>
      %mul3A_355 = arith.mulf %get3A_299, %mul3A_354 : vector<16xf32>
      %add3A_356 = arith.constant 1 : i32
      %add3A_357 = arith.addi %add3A_264, %add3A_356 : i32
      %swap3A_358 = arith.index_cast %add3A_357 : i32 to index
      %swap3A_359 = arith.constant 32 : index
      %swap3A_360 = tpu.vector_load %arg6[%swap3A_358, %swap3A_359] {strides = array<i32>} : memref<256x128xf32, #tpu.memory_space<vmem>>, vector<16xf32>,
      tpu.vector_store %arg6[%swap3A_358, %swap3A_359], %mul3A_355 {strides = array<i32>} : memref<256x128xf32, #tpu.memory_space<vmem>>, vector<16xf32>,
      %mul3A_361 = arith.constant 8.000000e+00 : f32
      %mul3A_362 = vector.broadcast %mul3A_361 : f32 to vector<16xf32>
      %mul3A_363 = arith.mulf %get3A_304, %mul3A_362 : vector<16xf32>
      %add3A_364 = arith.constant 1 : i32
      %add3A_365 = arith.addi %add3A_264, %add3A_364 : i32
      %swap3A_366 = arith.index_cast %add3A_365 : i32 to index
      %swap3A_367 = arith.constant 48 : index
      %swap3A_368 = tpu.vector_load %arg6[%swap3A_366, %swap3A_367] {strides = array<i32>} : memref<256x128xf32, #tpu.memory_space<vmem>>, vector<16xf32>,
      tpu.vector_store %arg6[%swap3A_366, %swap3A_367], %mul3A_363 {strides = array<i32>} : memref<256x128xf32, #tpu.memory_space<vmem>>, vector<16xf32>,
    }
    %scan3A_27 = arith.constant 128 : i32
    %add3A_28 = arith.constant 64 : i32
    %add3A_29 = arith.addi %add3A, %add3A_28 : i32
    %min3A_30 = arith.constant 3905 : i32
    %min3A_31 = arith.minsi %add3A_29, %min3A_30 : i32
    %mul3A_32 = arith.constant 256 : i32
    %mul3A_33 = arith.muli %min3A_31, %mul3A_32 : i32
    %dma_start3A_34 = arith.constant 0 : i32
    %dma_start3A_35 = tpu.memref_slice %arg2[%mul3A_33, %dma_start3A_34] : memref<1000000x64xf32, #tpu.memory_space<hbm>> -> memref<256x64xf32, #tpu.memory_space<hbm>>
    %dma_start3A_36 = arith.constant 0 : i32
    %dma_start3A_37 = tpu.memref_slice %arg2[%mul3A_33, %dma_start3A_36] : memref<1000000x64xf32, #tpu.memory_space<hbm>> -> memref<256x64xf32, #tpu.memory_space<hbm>>
    tpu.enqueue_dma source(%dma_start3A_37 : memref<256x64xf32, #tpu.memory_space<hbm>>) target(%arg4 : memref<256x64xf32, #tpu.memory_space<vmem>>) target_semaphore(%arg8 : memref<!tpu.dma_semaphore, #tpu.memory_space<semaphore_mem>>)
    %add3A_38 = arith.constant 0 : i32
    %add3A_39 = arith.addi %add3A, %add3A_38 : i32
    %min3A_40 = arith.constant 3905 : i32
    %min3A_41 = arith.minsi %add3A_39, %min3A_40 : i32
    %mul3A_42 = arith.constant 256 : i32
    %mul3A_43 = arith.muli %min3A_41, %mul3A_42 : i32
    %dma_start3A_44 = arith.constant 0 : i32
    %dma_start3A_45 = tpu.memref_slice %arg3[%mul3A_43, %dma_start3A_44] : memref<1000000x128xf32, #tpu.memory_space<hbm>> -> memref<256x128xf32, #tpu.memory_space<hbm>>
    %dma_start3A_46 = arith.constant 0 : i32
    %dma_start3A_47 = tpu.memref_slice %arg3[%mul3A_43, %dma_start3A_46] : memref<1000000x128xf32, #tpu.memory_space<hbm>> -> memref<256x128xf32, #tpu.memory_space<hbm>>
    tpu.enqueue_dma source(%arg6 : memref<256x128xf32, #tpu.memory_space<vmem>>) target(%dma_start3A_47 : memref<256x128xf32, #tpu.memory_space<hbm>>) target_semaphore(%arg10 : memref<!tpu.dma_semaphore, #tpu.memory_space<semaphore_mem>>)
    %dma_wait3A_48 = arith.constant 0 : i32
    %dma_wait3A_49 = arith.constant 0 : i32
    %dma_wait3A_50 = tpu.memref_slice %arg2[%dma_wait3A_48, %dma_wait3A_49] : memref<1000000x64xf32, #tpu.memory_space<hbm>> -> memref<256x64xf32, #tpu.memory_space<hbm>>
    %dma_wait3A_51 = arith.constant 0 : i32
    %dma_wait3A_52 = arith.constant 0 : i32
    %dma_wait3A_53 = tpu.memref_slice %arg2[%dma_wait3A_51, %dma_wait3A_52] : memref<1000000x64xf32, #tpu.memory_space<hbm>> -> memref<256x64xf32, #tpu.memory_space<hbm>>
    tpu.wait_dma2 semaphore(%arg9 : memref<!tpu.dma_semaphore, #tpu.memory_space<semaphore_mem>>) src(%dma_wait3A_53 : memref<256x64xf32, #tpu.memory_space<hbm>>) dst(%arg5 : memref<256x64xf32, #tpu.memory_space<vmem>>)
    %scan3A_54 = arith.constant 0 : i32
    %scan3A_55 = arith.constant 128 : i32
    %scan3A_56 = arith.addi %scan3A_54, %scan3A_55 : i32
    %scan3A_57 = arith.constant 2 : i32
    scf.for %scan3A_152 = %scan3A_54 to %scan3A_56 step %scan3A_57  : i32 {
      %mul3A_153 = arith.constant 2 : i32
      %mul3A_154 = arith.muli %scan3A_152, %mul3A_153 : i32
      %add3A_155 = arith.constant 0 : i32
      %add3A_156 = arith.addi %add3A_155, %mul3A_154 : i32
      %add3A_157 = arith.constant 0 : i32
      %add3A_158 = arith.addi %add3A_156, %add3A_157 : i32
      %get3A = arith.index_cast %add3A_158 : i32 to index
      %get3A_159 = arith.constant 0 : index
      %get3A_160 = tpu.vector_load %arg5[%get3A, %get3A_159] {strides = array<i32>} : memref<256x64xf32, #tpu.memory_space<vmem>>, vector<16xf32>,
      %add3A_161 = arith.constant 0 : i32
      %add3A_162 = arith.addi %add3A_156, %add3A_161 : i32
      %get3A_163 = arith.index_cast %add3A_162 : i32 to index
      %get3A_164 = arith.constant 16 : index
      %get3A_165 = tpu.vector_load %arg5[%get3A_163, %get3A_164] {strides = array<i32>} : memref<256x64xf32, #tpu.memory_space<vmem>>, vector<16xf32>,
      %add3A_166 = arith.constant 0 : i32
      %add3A_167 = arith.addi %add3A_156, %add3A_166 : i32
      %get3A_168 = arith.index_cast %add3A_167 : i32 to index
      %get3A_169 = arith.constant 32 : index
      %get3A_170 = tpu.vector_load %arg5[%get3A_168, %get3A_169] {strides = array<i32>} : memref<256x64xf32, #tpu.memory_space<vmem>>, vector<16xf32>,
      %add3A_171 = arith.constant 0 : i32
      %add3A_172 = arith.addi %add3A_156, %add3A_171 : i32
      %get3A_173 = arith.index_cast %add3A_172 : i32 to index
      %get3A_174 = arith.constant 48 : index
      %get3A_175 = tpu.vector_load %arg5[%get3A_173, %get3A_174] {strides = array<i32>} : memref<256x64xf32, #tpu.memory_space<vmem>>, vector<16xf32>,
      %add3A_176 = arith.constant 1 : i32
      %add3A_177 = arith.addi %add3A_156, %add3A_176 : i32
      %get3A_178 = arith.index_cast %add3A_177 : i32 to index
      %get3A_179 = arith.constant 0 : index
      %get3A_180 = tpu.vector_load %arg5[%get3A_178, %get3A_179] {strides = array<i32>} : memref<256x64xf32, #tpu.memory_space<vmem>>, vector<16xf32>,
      %add3A_181 = arith.constant 1 : i32
      %add3A_182 = arith.addi %add3A_156, %add3A_181 : i32
      %get3A_183 = arith.index_cast %add3A_182 : i32 to index
      %get3A_184 = arith.constant 16 : index
      %get3A_185 = tpu.vector_load %arg5[%get3A_183, %get3A_184] {strides = array<i32>} : memref<256x64xf32, #tpu.memory_space<vmem>>, vector<16xf32>,
      %add3A_186 = arith.constant 1 : i32
      %add3A_187 = arith.addi %add3A_156, %add3A_186 : i32
      %get3A_188 = arith.index_cast %add3A_187 : i32 to index
      %get3A_189 = arith.constant 32 : index
      %get3A_190 = tpu.vector_load %arg5[%get3A_188, %get3A_189] {strides = array<i32>} : memref<256x64xf32, #tpu.memory_space<vmem>>, vector<16xf32>,
      %add3A_191 = arith.constant 1 : i32
      %add3A_192 = arith.addi %add3A_156, %add3A_191 : i32
      %get3A_193 = arith.index_cast %add3A_192 : i32 to index
      %get3A_194 = arith.constant 48 : index
      %get3A_195 = tpu.vector_load %arg5[%get3A_193, %get3A_194] {strides = array<i32>} : memref<256x64xf32, #tpu.memory_space<vmem>>, vector<16xf32>,
      %mul3A_196 = arith.constant 8.000000e+00 : f32
      %mul3A_197 = vector.broadcast %mul3A_196 : f32 to vector<16xf32>
      %mul3A_198 = arith.mulf %get3A_160, %mul3A_197 : vector<16xf32>
      %add3A_199 = arith.constant 0 : i32
      %add3A_200 = arith.addi %add3A_156, %add3A_199 : i32
      %swap3A = arith.index_cast %add3A_200 : i32 to index
      %swap3A_201 = arith.constant 0 : index
      %swap3A_202 = tpu.vector_load %arg7[%swap3A, %swap3A_201] {strides = array<i32>} : memref<256x128xf32, #tpu.memory_space<vmem>>, vector<16xf32>,
      tpu.vector_store %arg7[%swap3A, %swap3A_201], %mul3A_198 {strides = array<i32>} : memref<256x128xf32, #tpu.memory_space<vmem>>, vector<16xf32>,
      %mul3A_203 = arith.constant 8.000000e+00 : f32
      %mul3A_204 = vector.broadcast %mul3A_203 : f32 to vector<16xf32>
      %mul3A_205 = arith.mulf %get3A_165, %mul3A_204 : vector<16xf32>
      %add3A_206 = arith.constant 0 : i32
      %add3A_207 = arith.addi %add3A_156, %add3A_206 : i32
      %swap3A_208 = arith.index_cast %add3A_207 : i32 to index
      %swap3A_209 = arith.constant 16 : index
      %swap3A_210 = tpu.vector_load %arg7[%swap3A_208, %swap3A_209] {strides = array<i32>} : memref<256x128xf32, #tpu.memory_space<vmem>>, vector<16xf32>,
      tpu.vector_store %arg7[%swap3A_208, %swap3A_209], %mul3A_205 {strides = array<i32>} : memref<256x128xf32, #tpu.memory_space<vmem>>, vector<16xf32>,
      %mul3A_211 = arith.constant 8.000000e+00 : f32
      %mul3A_212 = vector.broadcast %mul3A_211 : f32 to vector<16xf32>
      %mul3A_213 = arith.mulf %get3A_170, %mul3A_212 : vector<16xf32>
      %add3A_214 = arith.constant 0 : i32
      %add3A_215 = arith.addi %add3A_156, %add3A_214 : i32
      %swap3A_216 = arith.index_cast %add3A_215 : i32 to index
      %swap3A_217 = arith.constant 32 : index
      %swap3A_218 = tpu.vector_load %arg7[%swap3A_216, %swap3A_217] {strides = array<i32>} : memref<256x128xf32, #tpu.memory_space<vmem>>, vector<16xf32>,
      tpu.vector_store %arg7[%swap3A_216, %swap3A_217], %mul3A_213 {strides = array<i32>} : memref<256x128xf32, #tpu.memory_space<vmem>>, vector<16xf32>,
      %mul3A_219 = arith.constant 8.000000e+00 : f32
      %mul3A_220 = vector.broadcast %mul3A_219 : f32 to vector<16xf32>
      %mul3A_221 = arith.mulf %get3A_175, %mul3A_220 : vector<16xf32>
      %add3A_222 = arith.constant 0 : i32
      %add3A_223 = arith.addi %add3A_156, %add3A_222 : i32
      %swap3A_224 = arith.index_cast %add3A_223 : i32 to index
      %swap3A_225 = arith.constant 48 : index
      %swap3A_226 = tpu.vector_load %arg7[%swap3A_224, %swap3A_225] {strides = array<i32>} : memref<256x128xf32, #tpu.memory_space<vmem>>, vector<16xf32>,
      tpu.vector_store %arg7[%swap3A_224, %swap3A_225], %mul3A_221 {strides = array<i32>} : memref<256x128xf32, #tpu.memory_space<vmem>>, vector<16xf32>,
      %mul3A_227 = arith.constant 8.000000e+00 : f32
      %mul3A_228 = vector.broadcast %mul3A_227 : f32 to vector<16xf32>
      %mul3A_229 = arith.mulf %get3A_180, %mul3A_228 : vector<16xf32>
      %add3A_230 = arith.constant 1 : i32
      %add3A_231 = arith.addi %add3A_156, %add3A_230 : i32
      %swap3A_232 = arith.index_cast %add3A_231 : i32 to index
      %swap3A_233 = arith.constant 0 : index
      %swap3A_234 = tpu.vector_load %arg7[%swap3A_232, %swap3A_233] {strides = array<i32>} : memref<256x128xf32, #tpu.memory_space<vmem>>, vector<16xf32>,
      tpu.vector_store %arg7[%swap3A_232, %swap3A_233], %mul3A_229 {strides = array<i32>} : memref<256x128xf32, #tpu.memory_space<vmem>>, vector<16xf32>,
      %mul3A_235 = arith.constant 8.000000e+00 : f32
      %mul3A_236 = vector.broadcast %mul3A_235 : f32 to vector<16xf32>
      %mul3A_237 = arith.mulf %get3A_185, %mul3A_236 : vector<16xf32>
      %add3A_238 = arith.constant 1 : i32
      %add3A_239 = arith.addi %add3A_156, %add3A_238 : i32
      %swap3A_240 = arith.index_cast %add3A_239 : i32 to index
      %swap3A_241 = arith.constant 16 : index
      %swap3A_242 = tpu.vector_load %arg7[%swap3A_240, %swap3A_241] {strides = array<i32>} : memref<256x128xf32, #tpu.memory_space<vmem>>, vector<16xf32>,
      tpu.vector_store %arg7[%swap3A_240, %swap3A_241], %mul3A_237 {strides = array<i32>} : memref<256x128xf32, #tpu.memory_space<vmem>>, vector<16xf32>,
      %mul3A_243 = arith.constant 8.000000e+00 : f32
      %mul3A_244 = vector.broadcast %mul3A_243 : f32 to vector<16xf32>
      %mul3A_245 = arith.mulf %get3A_190, %mul3A_244 : vector<16xf32>
      %add3A_246 = arith.constant 1 : i32
      %add3A_247 = arith.addi %add3A_156, %add3A_246 : i32
      %swap3A_248 = arith.index_cast %add3A_247 : i32 to index
      %swap3A_249 = arith.constant 32 : index
      %swap3A_250 = tpu.vector_load %arg7[%swap3A_248, %swap3A_249] {strides = array<i32>} : memref<256x128xf32, #tpu.memory_space<vmem>>, vector<16xf32>,
      tpu.vector_store %arg7[%swap3A_248, %swap3A_249], %mul3A_245 {strides = array<i32>} : memref<256x128xf32, #tpu.memory_space<vmem>>, vector<16xf32>,
      %mul3A_251 = arith.constant 8.000000e+00 : f32
      %mul3A_252 = vector.broadcast %mul3A_251 : f32 to vector<16xf32>
      %mul3A_253 = arith.mulf %get3A_195, %mul3A_252 : vector<16xf32>
      %add3A_254 = arith.constant 1 : i32
      %add3A_255 = arith.addi %add3A_156, %add3A_254 : i32
      %swap3A_256 = arith.index_cast %add3A_255 : i32 to index
      %swap3A_257 = arith.constant 48 : index
      %swap3A_258 = tpu.vector_load %arg7[%swap3A_256, %swap3A_257] {strides = array<i32>} : memref<256x128xf32, #tpu.memory_space<vmem>>, vector<16xf32>,
      tpu.vector_store %arg7[%swap3A_256, %swap3A_257], %mul3A_253 {strides = array<i32>} : memref<256x128xf32, #tpu.memory_space<vmem>>, vector<16xf32>,
      %scan3A_259 = arith.constant 1 : i32
      %scan3A_260 = arith.addi %scan3A_152, %scan3A_259 : i32
      %mul3A_261 = arith.constant 2 : i32
      %mul3A_262 = arith.muli %scan3A_260, %mul3A_261 : i32
      %add3A_263 = arith.constant 0 : i32
      %add3A_264 = arith.addi %add3A_263, %mul3A_262 : i32
      %add3A_265 = arith.constant 0 : i32
      %add3A_266 = arith.addi %add3A_264, %add3A_265 : i32
      %get3A_267 = arith.index_cast %add3A_266 : i32 to index
      %get3A_268 = arith.constant 0 : index
      %get3A_269 = tpu.vector_load %arg5[%get3A_267, %get3A_268] {strides = array<i32>} : memref<256x64xf32, #tpu.memory_space<vmem>>, vector<16xf32>,
      %add3A_270 = arith.constant 0 : i32
      %add3A_271 = arith.addi %add3A_264, %add3A_270 : i32
      %get3A_272 = arith.index_cast %add3A_271 : i32 to index
      %get3A_273 = arith.constant 16 : index
      %get3A_274 = tpu.vector_load %arg5[%get3A_272, %get3A_273] {strides = array<i32>} : memref<256x64xf32, #tpu.memory_space<vmem>>, vector<16xf32>,
      %add3A_275 = arith.constant 0 : i32
      %add3A_276 = arith.addi %add3A_264, %add3A_275 : i32
      %get3A_277 = arith.index_cast %add3A_276 : i32 to index
      %get3A_278 = arith.constant 32 : index
      %get3A_279 = tpu.vector_load %arg5[%get3A_277, %get3A_278] {strides = array<i32>} : memref<256x64xf32, #tpu.memory_space<vmem>>, vector<16xf32>,
      %add3A_280 = arith.constant 0 : i32
      %add3A_281 = arith.addi %add3A_264, %add3A_280 : i32
      %get3A_282 = arith.index_cast %add3A_281 : i32 to index
      %get3A_283 = arith.constant 48 : index
      %get3A_284 = tpu.vector_load %arg5[%get3A_282, %get3A_283] {strides = array<i32>} : memref<256x64xf32, #tpu.memory_space<vmem>>, vector<16xf32>,
      %add3A_285 = arith.constant 1 : i32
      %add3A_286 = arith.addi %add3A_264, %add3A_285 : i32
      %get3A_287 = arith.index_cast %add3A_286 : i32 to index
      %get3A_288 = arith.constant 0 : index
      %get3A_289 = tpu.vector_load %arg5[%get3A_287, %get3A_288] {strides = array<i32>} : memref<256x64xf32, #tpu.memory_space<vmem>>, vector<16xf32>,
      %add3A_290 = arith.constant 1 : i32
      %add3A_291 = arith.addi %add3A_264, %add3A_290 : i32
      %get3A_292 = arith.index_cast %add3A_291 : i32 to index
      %get3A_293 = arith.constant 16 : index
      %get3A_294 = tpu.vector_load %arg5[%get3A_292, %get3A_293] {strides = array<i32>} : memref<256x64xf32, #tpu.memory_space<vmem>>, vector<16xf32>,
      %add3A_295 = arith.constant 1 : i32
      %add3A_296 = arith.addi %add3A_264, %add3A_295 : i32
      %get3A_297 = arith.index_cast %add3A_296 : i32 to index
      %get3A_298 = arith.constant 32 : index
      %get3A_299 = tpu.vector_load %arg5[%get3A_297, %get3A_298] {strides = array<i32>} : memref<256x64xf32, #tpu.memory_space<vmem>>, vector<16xf32>,
      %add3A_300 = arith.constant 1 : i32
      %add3A_301 = arith.addi %add3A_264, %add3A_300 : i32
      %get3A_302 = arith.index_cast %add3A_301 : i32 to index
      %get3A_303 = arith.constant 48 : index
      %get3A_304 = tpu.vector_load %arg5[%get3A_302, %get3A_303] {strides = array<i32>} : memref<256x64xf32, #tpu.memory_space<vmem>>, vector<16xf32>,
      %mul3A_305 = arith.constant 8.000000e+00 : f32
      %mul3A_306 = vector.broadcast %mul3A_305 : f32 to vector<16xf32>
      %mul3A_307 = arith.mulf %get3A_269, %mul3A_306 : vector<16xf32>
      %add3A_308 = arith.constant 0 : i32
      %add3A_309 = arith.addi %add3A_264, %add3A_308 : i32
      %swap3A_310 = arith.index_cast %add3A_309 : i32 to index
      %swap3A_311 = arith.constant 0 : index
      %swap3A_312 = tpu.vector_load %arg7[%swap3A_310, %swap3A_311] {strides = array<i32>} : memref<256x128xf32, #tpu.memory_space<vmem>>, vector<16xf32>,
      tpu.vector_store %arg7[%swap3A_310, %swap3A_311], %mul3A_307 {strides = array<i32>} : memref<256x128xf32, #tpu.memory_space<vmem>>, vector<16xf32>,
      %mul3A_313 = arith.constant 8.000000e+00 : f32
      %mul3A_314 = vector.broadcast %mul3A_313 : f32 to vector<16xf32>
      %mul3A_315 = arith.mulf %get3A_274, %mul3A_314 : vector<16xf32>
      %add3A_316 = arith.constant 0 : i32
      %add3A_317 = arith.addi %add3A_264, %add3A_316 : i32
      %swap3A_318 = arith.index_cast %add3A_317 : i32 to index
      %swap3A_319 = arith.constant 16 : index
      %swap3A_320 = tpu.vector_load %arg7[%swap3A_318, %swap3A_319] {strides = array<i32>} : memref<256x128xf32, #tpu.memory_space<vmem>>, vector<16xf32>,
      tpu.vector_store %arg7[%swap3A_318, %swap3A_319], %mul3A_315 {strides = array<i32>} : memref<256x128xf32, #tpu.memory_space<vmem>>, vector<16xf32>,
      %mul3A_321 = arith.constant 8.000000e+00 : f32
      %mul3A_322 = vector.broadcast %mul3A_321 : f32 to vector<16xf32>
      %mul3A_323 = arith.mulf %get3A_279, %mul3A_322 : vector<16xf32>
      %add3A_324 = arith.constant 0 : i32
      %add3A_325 = arith.addi %add3A_264, %add3A_324 : i32
      %swap3A_326 = arith.index_cast %add3A_325 : i32 to index
      %swap3A_327 = arith.constant 32 : index
      %swap3A_328 = tpu.vector_load %arg7[%swap3A_326, %swap3A_327] {strides = array<i32>} : memref<256x128xf32, #tpu.memory_space<vmem>>, vector<16xf32>,
      tpu.vector_store %arg7[%swap3A_326, %swap3A_327], %mul3A_323 {strides = array<i32>} : memref<256x128xf32, #tpu.memory_space<vmem>>, vector<16xf32>,
      %mul3A_329 = arith.constant 8.000000e+00 : f32
      %mul3A_330 = vector.broadcast %mul3A_329 : f32 to vector<16xf32>
      %mul3A_331 = arith.mulf %get3A_284, %mul3A_330 : vector<16xf32>
      %add3A_332 = arith.constant 0 : i32
      %add3A_333 = arith.addi %add3A_264, %add3A_332 : i32
      %swap3A_334 = arith.index_cast %add3A_333 : i32 to index
      %swap3A_335 = arith.constant 48 : index
      %swap3A_336 = tpu.vector_load %arg7[%swap3A_334, %swap3A_335] {strides = array<i32>} : memref<256x128xf32, #tpu.memory_space<vmem>>, vector<16xf32>,
      tpu.vector_store %arg7[%swap3A_334, %swap3A_335], %mul3A_331 {strides = array<i32>} : memref<256x128xf32, #tpu.memory_space<vmem>>, vector<16xf32>,
      %mul3A_337 = arith.constant 8.000000e+00 : f32
      %mul3A_338 = vector.broadcast %mul3A_337 : f32 to vector<16xf32>
      %mul3A_339 = arith.mulf %get3A_289, %mul3A_338 : vector<16xf32>
      %add3A_340 = arith.constant 1 : i32
      %add3A_341 = arith.addi %add3A_264, %add3A_340 : i32
      %swap3A_342 = arith.index_cast %add3A_341 : i32 to index
      %swap3A_343 = arith.constant 0 : index
      %swap3A_344 = tpu.vector_load %arg7[%swap3A_342, %swap3A_343] {strides = array<i32>} : memref<256x128xf32, #tpu.memory_space<vmem>>, vector<16xf32>,
      tpu.vector_store %arg7[%swap3A_342, %swap3A_343], %mul3A_339 {strides = array<i32>} : memref<256x128xf32, #tpu.memory_space<vmem>>, vector<16xf32>,
      %mul3A_345 = arith.constant 8.000000e+00 : f32
      %mul3A_346 = vector.broadcast %mul3A_345 : f32 to vector<16xf32>
      %mul3A_347 = arith.mulf %get3A_294, %mul3A_346 : vector<16xf32>
      %add3A_348 = arith.constant 1 : i32
      %add3A_349 = arith.addi %add3A_264, %add3A_348 : i32
      %swap3A_350 = arith.index_cast %add3A_349 : i32 to index
      %swap3A_351 = arith.constant 16 : index
      %swap3A_352 = tpu.vector_load %arg7[%swap3A_350, %swap3A_351] {strides = array<i32>} : memref<256x128xf32, #tpu.memory_space<vmem>>, vector<16xf32>,
      tpu.vector_store %arg7[%swap3A_350, %swap3A_351], %mul3A_347 {strides = array<i32>} : memref<256x128xf32, #tpu.memory_space<vmem>>, vector<16xf32>,
      %mul3A_353 = arith.constant 8.000000e+00 : f32
      %mul3A_354 = vector.broadcast %mul3A_353 : f32 to vector<16xf32>
      %mul3A_355 = arith.mulf %get3A_299, %mul3A_354 : vector<16xf32>
      %add3A_356 = arith.constant 1 : i32
      %add3A_357 = arith.addi %add3A_264, %add3A_356 : i32
      %swap3A_358 = arith.index_cast %add3A_357 : i32 to index
      %swap3A_359 = arith.constant 32 : index
      %swap3A_360 = tpu.vector_load %arg7[%swap3A_358, %swap3A_359] {strides = array<i32>} : memref<256x128xf32, #tpu.memory_space<vmem>>, vector<16xf32>,
      tpu.vector_store %arg7[%swap3A_358, %swap3A_359], %mul3A_355 {strides = array<i32>} : memref<256x128xf32, #tpu.memory_space<vmem>>, vector<16xf32>,
      %mul3A_361 = arith.constant 8.000000e+00 : f32
      %mul3A_362 = vector.broadcast %mul3A_361 : f32 to vector<16xf32>
      %mul3A_363 = arith.mulf %get3A_304, %mul3A_362 : vector<16xf32>
      %add3A_364 = arith.constant 1 : i32
      %add3A_365 = arith.addi %add3A_264, %add3A_364 : i32
      %swap3A_366 = arith.index_cast %add3A_365 : i32 to index
      %swap3A_367 = arith.constant 48 : index
      %swap3A_368 = tpu.vector_load %arg7[%swap3A_366, %swap3A_367] {strides = array<i32>} : memref<256x128xf32, #tpu.memory_space<vmem>>, vector<16xf32>,
      tpu.vector_store %arg7[%swap3A_366, %swap3A_367], %mul3A_363 {strides = array<i32>} : memref<256x128xf32, #tpu.memory_space<vmem>>, vector<16xf32>,
    }
    %scan3A_58 = arith.constant 128 : i32
    %add3A_59 = arith.constant 96 : i32
    %add3A_60 = arith.addi %add3A, %add3A_59 : i32
    %min3A_61 = arith.constant 3905 : i32
    %min3A_62 = arith.minsi %add3A_60, %min3A_61 : i32
    %mul3A_63 = arith.constant 256 : i32
    %mul3A_64 = arith.muli %min3A_62, %mul3A_63 : i32
    %dma_start3A_65 = arith.constant 0 : i32
    %dma_start3A_66 = tpu.memref_slice %arg2[%mul3A_64, %dma_start3A_65] : memref<1000000x64xf32, #tpu.memory_space<hbm>> -> memref<256x64xf32, #tpu.memory_space<hbm>>
    %dma_start3A_67 = arith.constant 0 : i32
    %dma_start3A_68 = tpu.memref_slice %arg2[%mul3A_64, %dma_start3A_67] : memref<1000000x64xf32, #tpu.memory_space<hbm>> -> memref<256x64xf32, #tpu.memory_space<hbm>>
    tpu.enqueue_dma source(%dma_start3A_68 : memref<256x64xf32, #tpu.memory_space<hbm>>) target(%arg5 : memref<256x64xf32, #tpu.memory_space<vmem>>) target_semaphore(%arg9 : memref<!tpu.dma_semaphore, #tpu.memory_space<semaphore_mem>>)
    %add3A_69 = arith.constant 32 : i32
    %add3A_70 = arith.addi %add3A, %add3A_69 : i32
    %min3A_71 = arith.constant 3905 : i32
    %min3A_72 = arith.minsi %add3A_70, %min3A_71 : i32
    %mul3A_73 = arith.constant 256 : i32
    %mul3A_74 = arith.muli %min3A_72, %mul3A_73 : i32
    %dma_start3A_75 = arith.constant 0 : i32
    %dma_start3A_76 = tpu.memref_slice %arg3[%mul3A_74, %dma_start3A_75] : memref<1000000x128xf32, #tpu.memory_space<hbm>> -> memref<256x128xf32, #tpu.memory_space<hbm>>
    %dma_start3A_77 = arith.constant 0 : i32
    %dma_start3A_78 = tpu.memref_slice %arg3[%mul3A_74, %dma_start3A_77] : memref<1000000x128xf32, #tpu.memory_space<hbm>> -> memref<256x128xf32, #tpu.memory_space<hbm>>
    tpu.enqueue_dma source(%arg7 : memref<256x128xf32, #tpu.memory_space<vmem>>) target(%dma_start3A_78 : memref<256x128xf32, #tpu.memory_space<hbm>>) target_semaphore(%arg11 : memref<!tpu.dma_semaphore, #tpu.memory_space<semaphore_mem>>)
    %scan3A_79 = arith.constant 0 : i32
    %scan3A_80 = arith.constant 60 : i32
    %scan3A_81 = arith.addi %scan3A_79, %scan3A_80 : i32
    %scan3A_82 = arith.constant 1 : i32
    scf.for %scan3A_152 = %scan3A_79 to %scan3A_81 step %scan3A_82  : i32 {
      %mul3A_153 = arith.constant 2 : i32
      %mul3A_154 = arith.muli %scan3A_152, %mul3A_153 : i32
      %add3A_155 = arith.constant 2 : i32
      %add3A_156 = arith.addi %add3A_155, %mul3A_154 : i32
      %add3A_157 = arith.constant 0 : i32
      %add3A_158 = arith.addi %add3A_156, %add3A_157 : i32
      %dma_wait3A_159 = arith.constant 0 : i32
      %dma_wait3A_160 = arith.constant 0 : i32
      %dma_wait3A_161 = tpu.memref_slice %arg2[%dma_wait3A_159, %dma_wait3A_160] : memref<1000000x64xf32, #tpu.memory_space<hbm>> -> memref<256x64xf32, #tpu.memory_space<hbm>>
      %dma_wait3A_162 = arith.constant 0 : i32
      %dma_wait3A_163 = arith.constant 0 : i32
      %dma_wait3A_164 = tpu.memref_slice %arg2[%dma_wait3A_162, %dma_wait3A_163] : memref<1000000x64xf32, #tpu.memory_space<hbm>> -> memref<256x64xf32, #tpu.memory_space<hbm>>
      tpu.wait_dma2 semaphore(%arg8 : memref<!tpu.dma_semaphore, #tpu.memory_space<semaphore_mem>>) src(%dma_wait3A_164 : memref<256x64xf32, #tpu.memory_space<hbm>>) dst(%arg4 : memref<256x64xf32, #tpu.memory_space<vmem>>)
      %dma_wait3A_165 = arith.constant 0 : i32
      %dma_wait3A_166 = arith.constant 0 : i32
      %dma_wait3A_167 = tpu.memref_slice %arg3[%dma_wait3A_165, %dma_wait3A_166] : memref<1000000x128xf32, #tpu.memory_space<hbm>> -> memref<256x128xf32, #tpu.memory_space<hbm>>
      %dma_wait3A_168 = arith.constant 0 : i32
      %dma_wait3A_169 = arith.constant 0 : i32
      %dma_wait3A_170 = tpu.memref_slice %arg3[%dma_wait3A_168, %dma_wait3A_169] : memref<1000000x128xf32, #tpu.memory_space<hbm>> -> memref<256x128xf32, #tpu.memory_space<hbm>>
      tpu.wait_dma2 semaphore(%arg10 : memref<!tpu.dma_semaphore, #tpu.memory_space<semaphore_mem>>) src(%arg6 : memref<256x128xf32, #tpu.memory_space<vmem>>) dst(%dma_wait3A_170 : memref<256x128xf32, #tpu.memory_space<hbm>>)
      %scan3A_171 = arith.constant 0 : i32
      %scan3A_172 = arith.constant 128 : i32
      %scan3A_173 = arith.addi %scan3A_171, %scan3A_172 : i32
      %scan3A_174 = arith.constant 2 : i32
      scf.for %scan3A_243 = %scan3A_171 to %scan3A_173 step %scan3A_174  : i32 {
        %mul3A_244 = arith.constant 2 : i32
        %mul3A_245 = arith.muli %scan3A_243, %mul3A_244 : i32
        %add3A_246 = arith.constant 0 : i32
        %add3A_247 = arith.addi %add3A_246, %mul3A_245 : i32
        %add3A_248 = arith.constant 0 : i32
        %add3A_249 = arith.addi %add3A_247, %add3A_248 : i32
        %get3A = arith.index_cast %add3A_249 : i32 to index
        %get3A_250 = arith.constant 0 : index
        %get3A_251 = tpu.vector_load %arg4[%get3A, %get3A_250] {strides = array<i32>} : memref<256x64xf32, #tpu.memory_space<vmem>>, vector<16xf32>,
        %add3A_252 = arith.constant 0 : i32
        %add3A_253 = arith.addi %add3A_247, %add3A_252 : i32
        %get3A_254 = arith.index_cast %add3A_253 : i32 to index
        %get3A_255 = arith.constant 16 : index
        %get3A_256 = tpu.vector_load %arg4[%get3A_254, %get3A_255] {strides = array<i32>} : memref<256x64xf32, #tpu.memory_space<vmem>>, vector<16xf32>,
        %add3A_257 = arith.constant 0 : i32
        %add3A_258 = arith.addi %add3A_247, %add3A_257 : i32
        %get3A_259 = arith.index_cast %add3A_258 : i32 to index
        %get3A_260 = arith.constant 32 : index
        %get3A_261 = tpu.vector_load %arg4[%get3A_259, %get3A_260] {strides = array<i32>} : memref<256x64xf32, #tpu.memory_space<vmem>>, vector<16xf32>,
        %add3A_262 = arith.constant 0 : i32
        %add3A_263 = arith.addi %add3A_247, %add3A_262 : i32
        %get3A_264 = arith.index_cast %add3A_263 : i32 to index
        %get3A_265 = arith.constant 48 : index
        %get3A_266 = tpu.vector_load %arg4[%get3A_264, %get3A_265] {strides = array<i32>} : memref<256x64xf32, #tpu.memory_space<vmem>>, vector<16xf32>,
        %add3A_267 = arith.constant 1 : i32
        %add3A_268 = arith.addi %add3A_247, %add3A_267 : i32
        %get3A_269 = arith.index_cast %add3A_268 : i32 to index
        %get3A_270 = arith.constant 0 : index
        %get3A_271 = tpu.vector_load %arg4[%get3A_269, %get3A_270] {strides = array<i32>} : memref<256x64xf32, #tpu.memory_space<vmem>>, vector<16xf32>,
        %add3A_272 = arith.constant 1 : i32
        %add3A_273 = arith.addi %add3A_247, %add3A_272 : i32
        %get3A_274 = arith.index_cast %add3A_273 : i32 to index
        %get3A_275 = arith.constant 16 : index
        %get3A_276 = tpu.vector_load %arg4[%get3A_274, %get3A_275] {strides = array<i32>} : memref<256x64xf32, #tpu.memory_space<vmem>>, vector<16xf32>,
        %add3A_277 = arith.constant 1 : i32
        %add3A_278 = arith.addi %add3A_247, %add3A_277 : i32
        %get3A_279 = arith.index_cast %add3A_278 : i32 to index
        %get3A_280 = arith.constant 32 : index
        %get3A_281 = tpu.vector_load %arg4[%get3A_279, %get3A_280] {strides = array<i32>} : memref<256x64xf32, #tpu.memory_space<vmem>>, vector<16xf32>,
        %add3A_282 = arith.constant 1 : i32
        %add3A_283 = arith.addi %add3A_247, %add3A_282 : i32
        %get3A_284 = arith.index_cast %add3A_283 : i32 to index
        %get3A_285 = arith.constant 48 : index
        %get3A_286 = tpu.vector_load %arg4[%get3A_284, %get3A_285] {strides = array<i32>} : memref<256x64xf32, #tpu.memory_space<vmem>>, vector<16xf32>,
        %mul3A_287 = arith.constant 8.000000e+00 : f32
        %mul3A_288 = vector.broadcast %mul3A_287 : f32 to vector<16xf32>
        %mul3A_289 = arith.mulf %get3A_251, %mul3A_288 : vector<16xf32>
        %add3A_290 = arith.constant 0 : i32
        %add3A_291 = arith.addi %add3A_247, %add3A_290 : i32
        %swap3A = arith.index_cast %add3A_291 : i32 to index
        %swap3A_292 = arith.constant 0 : index
        %swap3A_293 = tpu.vector_load %arg6[%swap3A, %swap3A_292] {strides = array<i32>} : memref<256x128xf32, #tpu.memory_space<vmem>>, vector<16xf32>,
        tpu.vector_store %arg6[%swap3A, %swap3A_292], %mul3A_289 {strides = array<i32>} : memref<256x128xf32, #tpu.memory_space<vmem>>, vector<16xf32>,
        %mul3A_294 = arith.constant 8.000000e+00 : f32
        %mul3A_295 = vector.broadcast %mul3A_294 : f32 to vector<16xf32>
        %mul3A_296 = arith.mulf %get3A_256, %mul3A_295 : vector<16xf32>
        %add3A_297 = arith.constant 0 : i32
        %add3A_298 = arith.addi %add3A_247, %add3A_297 : i32
        %swap3A_299 = arith.index_cast %add3A_298 : i32 to index
        %swap3A_300 = arith.constant 16 : index
        %swap3A_301 = tpu.vector_load %arg6[%swap3A_299, %swap3A_300] {strides = array<i32>} : memref<256x128xf32, #tpu.memory_space<vmem>>, vector<16xf32>,
        tpu.vector_store %arg6[%swap3A_299, %swap3A_300], %mul3A_296 {strides = array<i32>} : memref<256x128xf32, #tpu.memory_space<vmem>>, vector<16xf32>,
        %mul3A_302 = arith.constant 8.000000e+00 : f32
        %mul3A_303 = vector.broadcast %mul3A_302 : f32 to vector<16xf32>
        %mul3A_304 = arith.mulf %get3A_261, %mul3A_303 : vector<16xf32>
        %add3A_305 = arith.constant 0 : i32
        %add3A_306 = arith.addi %add3A_247, %add3A_305 : i32
        %swap3A_307 = arith.index_cast %add3A_306 : i32 to index
        %swap3A_308 = arith.constant 32 : index
        %swap3A_309 = tpu.vector_load %arg6[%swap3A_307, %swap3A_308] {strides = array<i32>} : memref<256x128xf32, #tpu.memory_space<vmem>>, vector<16xf32>,
        tpu.vector_store %arg6[%swap3A_307, %swap3A_308], %mul3A_304 {strides = array<i32>} : memref<256x128xf32, #tpu.memory_space<vmem>>, vector<16xf32>,
        %mul3A_310 = arith.constant 8.000000e+00 : f32
        %mul3A_311 = vector.broadcast %mul3A_310 : f32 to vector<16xf32>
        %mul3A_312 = arith.mulf %get3A_266, %mul3A_311 : vector<16xf32>
        %add3A_313 = arith.constant 0 : i32
        %add3A_314 = arith.addi %add3A_247, %add3A_313 : i32
        %swap3A_315 = arith.index_cast %add3A_314 : i32 to index
        %swap3A_316 = arith.constant 48 : index
        %swap3A_317 = tpu.vector_load %arg6[%swap3A_315, %swap3A_316] {strides = array<i32>} : memref<256x128xf32, #tpu.memory_space<vmem>>, vector<16xf32>,
        tpu.vector_store %arg6[%swap3A_315, %swap3A_316], %mul3A_312 {strides = array<i32>} : memref<256x128xf32, #tpu.memory_space<vmem>>, vector<16xf32>,
        %mul3A_318 = arith.constant 8.000000e+00 : f32
        %mul3A_319 = vector.broadcast %mul3A_318 : f32 to vector<16xf32>
        %mul3A_320 = arith.mulf %get3A_271, %mul3A_319 : vector<16xf32>
        %add3A_321 = arith.constant 1 : i32
        %add3A_322 = arith.addi %add3A_247, %add3A_321 : i32
        %swap3A_323 = arith.index_cast %add3A_322 : i32 to index
        %swap3A_324 = arith.constant 0 : index
        %swap3A_325 = tpu.vector_load %arg6[%swap3A_323, %swap3A_324] {strides = array<i32>} : memref<256x128xf32, #tpu.memory_space<vmem>>, vector<16xf32>,
        tpu.vector_store %arg6[%swap3A_323, %swap3A_324], %mul3A_320 {strides = array<i32>} : memref<256x128xf32, #tpu.memory_space<vmem>>, vector<16xf32>,
        %mul3A_326 = arith.constant 8.000000e+00 : f32
        %mul3A_327 = vector.broadcast %mul3A_326 : f32 to vector<16xf32>
        %mul3A_328 = arith.mulf %get3A_276, %mul3A_327 : vector<16xf32>
        %add3A_329 = arith.constant 1 : i32
        %add3A_330 = arith.addi %add3A_247, %add3A_329 : i32
        %swap3A_331 = arith.index_cast %add3A_330 : i32 to index
        %swap3A_332 = arith.constant 16 : index
        %swap3A_333 = tpu.vector_load %arg6[%swap3A_331, %swap3A_332] {strides = array<i32>} : memref<256x128xf32, #tpu.memory_space<vmem>>, vector<16xf32>,
        tpu.vector_store %arg6[%swap3A_331, %swap3A_332], %mul3A_328 {strides = array<i32>} : memref<256x128xf32, #tpu.memory_space<vmem>>, vector<16xf32>,
        %mul3A_334 = arith.constant 8.000000e+00 : f32
        %mul3A_335 = vector.broadcast %mul3A_334 : f32 to vector<16xf32>
        %mul3A_336 = arith.mulf %get3A_281, %mul3A_335 : vector<16xf32>
        %add3A_337 = arith.constant 1 : i32
        %add3A_338 = arith.addi %add3A_247, %add3A_337 : i32
        %swap3A_339 = arith.index_cast %add3A_338 : i32 to index
        %swap3A_340 = arith.constant 32 : index
        %swap3A_341 = tpu.vector_load %arg6[%swap3A_339, %swap3A_340] {strides = array<i32>} : memref<256x128xf32, #tpu.memory_space<vmem>>, vector<16xf32>,
        tpu.vector_store %arg6[%swap3A_339, %swap3A_340], %mul3A_336 {strides = array<i32>} : memref<256x128xf32, #tpu.memory_space<vmem>>, vector<16xf32>,
        %mul3A_342 = arith.constant 8.000000e+00 : f32
        %mul3A_343 = vector.broadcast %mul3A_342 : f32 to vector<16xf32>
        %mul3A_344 = arith.mulf %get3A_286, %mul3A_343 : vector<16xf32>
        %add3A_345 = arith.constant 1 : i32
        %add3A_346 = arith.addi %add3A_247, %add3A_345 : i32
        %swap3A_347 = arith.index_cast %add3A_346 : i32 to index
        %swap3A_348 = arith.constant 48 : index
        %swap3A_349 = tpu.vector_load %arg6[%swap3A_347, %swap3A_348] {strides = array<i32>} : memref<256x128xf32, #tpu.memory_space<vmem>>, vector<16xf32>,
        tpu.vector_store %arg6[%swap3A_347, %swap3A_348], %mul3A_344 {strides = array<i32>} : memref<256x128xf32, #tpu.memory_space<vmem>>, vector<16xf32>,
        %scan3A_350 = arith.constant 1 : i32
        %scan3A_351 = arith.addi %scan3A_243, %scan3A_350 : i32
        %mul3A_352 = arith.constant 2 : i32
        %mul3A_353 = arith.muli %scan3A_351, %mul3A_352 : i32
        %add3A_354 = arith.constant 0 : i32
        %add3A_355 = arith.addi %add3A_354, %mul3A_353 : i32
        %add3A_356 = arith.constant 0 : i32
        %add3A_357 = arith.addi %add3A_355, %add3A_356 : i32
        %get3A_358 = arith.index_cast %add3A_357 : i32 to index
        %get3A_359 = arith.constant 0 : index
        %get3A_360 = tpu.vector_load %arg4[%get3A_358, %get3A_359] {strides = array<i32>} : memref<256x64xf32, #tpu.memory_space<vmem>>, vector<16xf32>,
        %add3A_361 = arith.constant 0 : i32
        %add3A_362 = arith.addi %add3A_355, %add3A_361 : i32
        %get3A_363 = arith.index_cast %add3A_362 : i32 to index
        %get3A_364 = arith.constant 16 : index
        %get3A_365 = tpu.vector_load %arg4[%get3A_363, %get3A_364] {strides = array<i32>} : memref<256x64xf32, #tpu.memory_space<vmem>>, vector<16xf32>,
        %add3A_366 = arith.constant 0 : i32
        %add3A_367 = arith.addi %add3A_355, %add3A_366 : i32
        %get3A_368 = arith.index_cast %add3A_367 : i32 to index
        %get3A_369 = arith.constant 32 : index
        %get3A_370 = tpu.vector_load %arg4[%get3A_368, %get3A_369] {strides = array<i32>} : memref<256x64xf32, #tpu.memory_space<vmem>>, vector<16xf32>,
        %add3A_371 = arith.constant 0 : i32
        %add3A_372 = arith.addi %add3A_355, %add3A_371 : i32
        %get3A_373 = arith.index_cast %add3A_372 : i32 to index
        %get3A_374 = arith.constant 48 : index
        %get3A_375 = tpu.vector_load %arg4[%get3A_373, %get3A_374] {strides = array<i32>} : memref<256x64xf32, #tpu.memory_space<vmem>>, vector<16xf32>,
        %add3A_376 = arith.constant 1 : i32
        %add3A_377 = arith.addi %add3A_355, %add3A_376 : i32
        %get3A_378 = arith.index_cast %add3A_377 : i32 to index
        %get3A_379 = arith.constant 0 : index
        %get3A_380 = tpu.vector_load %arg4[%get3A_378, %get3A_379] {strides = array<i32>} : memref<256x64xf32, #tpu.memory_space<vmem>>, vector<16xf32>,
        %add3A_381 = arith.constant 1 : i32
        %add3A_382 = arith.addi %add3A_355, %add3A_381 : i32
        %get3A_383 = arith.index_cast %add3A_382 : i32 to index
        %get3A_384 = arith.constant 16 : index
        %get3A_385 = tpu.vector_load %arg4[%get3A_383, %get3A_384] {strides = array<i32>} : memref<256x64xf32, #tpu.memory_space<vmem>>, vector<16xf32>,
        %add3A_386 = arith.constant 1 : i32
        %add3A_387 = arith.addi %add3A_355, %add3A_386 : i32
        %get3A_388 = arith.index_cast %add3A_387 : i32 to index
        %get3A_389 = arith.constant 32 : index
        %get3A_390 = tpu.vector_load %arg4[%get3A_388, %get3A_389] {strides = array<i32>} : memref<256x64xf32, #tpu.memory_space<vmem>>, vector<16xf32>,
        %add3A_391 = arith.constant 1 : i32
        %add3A_392 = arith.addi %add3A_355, %add3A_391 : i32
        %get3A_393 = arith.index_cast %add3A_392 : i32 to index
        %get3A_394 = arith.constant 48 : index
        %get3A_395 = tpu.vector_load %arg4[%get3A_393, %get3A_394] {strides = array<i32>} : memref<256x64xf32, #tpu.memory_space<vmem>>, vector<16xf32>,
        %mul3A_396 = arith.constant 8.000000e+00 : f32
        %mul3A_397 = vector.broadcast %mul3A_396 : f32 to vector<16xf32>
        %mul3A_398 = arith.mulf %get3A_360, %mul3A_397 : vector<16xf32>
        %add3A_399 = arith.constant 0 : i32
        %add3A_400 = arith.addi %add3A_355, %add3A_399 : i32
        %swap3A_401 = arith.index_cast %add3A_400 : i32 to index
        %swap3A_402 = arith.constant 0 : index
        %swap3A_403 = tpu.vector_load %arg6[%swap3A_401, %swap3A_402] {strides = array<i32>} : memref<256x128xf32, #tpu.memory_space<vmem>>, vector<16xf32>,
        tpu.vector_store %arg6[%swap3A_401, %swap3A_402], %mul3A_398 {strides = array<i32>} : memref<256x128xf32, #tpu.memory_space<vmem>>, vector<16xf32>,
        %mul3A_404 = arith.constant 8.000000e+00 : f32
        %mul3A_405 = vector.broadcast %mul3A_404 : f32 to vector<16xf32>
        %mul3A_406 = arith.mulf %get3A_365, %mul3A_405 : vector<16xf32>
        %add3A_407 = arith.constant 0 : i32
        %add3A_408 = arith.addi %add3A_355, %add3A_407 : i32
        %swap3A_409 = arith.index_cast %add3A_408 : i32 to index
        %swap3A_410 = arith.constant 16 : index
        %swap3A_411 = tpu.vector_load %arg6[%swap3A_409, %swap3A_410] {strides = array<i32>} : memref<256x128xf32, #tpu.memory_space<vmem>>, vector<16xf32>,
        tpu.vector_store %arg6[%swap3A_409, %swap3A_410], %mul3A_406 {strides = array<i32>} : memref<256x128xf32, #tpu.memory_space<vmem>>, vector<16xf32>,
        %mul3A_412 = arith.constant 8.000000e+00 : f32
        %mul3A_413 = vector.broadcast %mul3A_412 : f32 to vector<16xf32>
        %mul3A_414 = arith.mulf %get3A_370, %mul3A_413 : vector<16xf32>
        %add3A_415 = arith.constant 0 : i32
        %add3A_416 = arith.addi %add3A_355, %add3A_415 : i32
        %swap3A_417 = arith.index_cast %add3A_416 : i32 to index
        %swap3A_418 = arith.constant 32 : index
        %swap3A_419 = tpu.vector_load %arg6[%swap3A_417, %swap3A_418] {strides = array<i32>} : memref<256x128xf32, #tpu.memory_space<vmem>>, vector<16xf32>,
        tpu.vector_store %arg6[%swap3A_417, %swap3A_418], %mul3A_414 {strides = array<i32>} : memref<256x128xf32, #tpu.memory_space<vmem>>, vector<16xf32>,
        %mul3A_420 = arith.constant 8.000000e+00 : f32
        %mul3A_421 = vector.broadcast %mul3A_420 : f32 to vector<16xf32>
        %mul3A_422 = arith.mulf %get3A_375, %mul3A_421 : vector<16xf32>
        %add3A_423 = arith.constant 0 : i32
        %add3A_424 = arith.addi %add3A_355, %add3A_423 : i32
        %swap3A_425 = arith.index_cast %add3A_424 : i32 to index
        %swap3A_426 = arith.constant 48 : index
        %swap3A_427 = tpu.vector_load %arg6[%swap3A_425, %swap3A_426] {strides = array<i32>} : memref<256x128xf32, #tpu.memory_space<vmem>>, vector<16xf32>,
        tpu.vector_store %arg6[%swap3A_425, %swap3A_426], %mul3A_422 {strides = array<i32>} : memref<256x128xf32, #tpu.memory_space<vmem>>, vector<16xf32>,
        %mul3A_428 = arith.constant 8.000000e+00 : f32
        %mul3A_429 = vector.broadcast %mul3A_428 : f32 to vector<16xf32>
        %mul3A_430 = arith.mulf %get3A_380, %mul3A_429 : vector<16xf32>
        %add3A_431 = arith.constant 1 : i32
        %add3A_432 = arith.addi %add3A_355, %add3A_431 : i32
        %swap3A_433 = arith.index_cast %add3A_432 : i32 to index
        %swap3A_434 = arith.constant 0 : index
        %swap3A_435 = tpu.vector_load %arg6[%swap3A_433, %swap3A_434] {strides = array<i32>} : memref<256x128xf32, #tpu.memory_space<vmem>>, vector<16xf32>,
        tpu.vector_store %arg6[%swap3A_433, %swap3A_434], %mul3A_430 {strides = array<i32>} : memref<256x128xf32, #tpu.memory_space<vmem>>, vector<16xf32>,
        %mul3A_436 = arith.constant 8.000000e+00 : f32
        %mul3A_437 = vector.broadcast %mul3A_436 : f32 to vector<16xf32>
        %mul3A_438 = arith.mulf %get3A_385, %mul3A_437 : vector<16xf32>
        %add3A_439 = arith.constant 1 : i32
        %add3A_440 = arith.addi %add3A_355, %add3A_439 : i32
        %swap3A_441 = arith.index_cast %add3A_440 : i32 to index
        %swap3A_442 = arith.constant 16 : index
        %swap3A_443 = tpu.vector_load %arg6[%swap3A_441, %swap3A_442] {strides = array<i32>} : memref<256x128xf32, #tpu.memory_space<vmem>>, vector<16xf32>,
        tpu.vector_store %arg6[%swap3A_441, %swap3A_442], %mul3A_438 {strides = array<i32>} : memref<256x128xf32, #tpu.memory_space<vmem>>, vector<16xf32>,
        %mul3A_444 = arith.constant 8.000000e+00 : f32
        %mul3A_445 = vector.broadcast %mul3A_444 : f32 to vector<16xf32>
        %mul3A_446 = arith.mulf %get3A_390, %mul3A_445 : vector<16xf32>
        %add3A_447 = arith.constant 1 : i32
        %add3A_448 = arith.addi %add3A_355, %add3A_447 : i32
        %swap3A_449 = arith.index_cast %add3A_448 : i32 to index
        %swap3A_450 = arith.constant 32 : index
        %swap3A_451 = tpu.vector_load %arg6[%swap3A_449, %swap3A_450] {strides = array<i32>} : memref<256x128xf32, #tpu.memory_space<vmem>>, vector<16xf32>,
        tpu.vector_store %arg6[%swap3A_449, %swap3A_450], %mul3A_446 {strides = array<i32>} : memref<256x128xf32, #tpu.memory_space<vmem>>, vector<16xf32>,
        %mul3A_452 = arith.constant 8.000000e+00 : f32
        %mul3A_453 = vector.broadcast %mul3A_452 : f32 to vector<16xf32>
        %mul3A_454 = arith.mulf %get3A_395, %mul3A_453 : vector<16xf32>
        %add3A_455 = arith.constant 1 : i32
        %add3A_456 = arith.addi %add3A_355, %add3A_455 : i32
        %swap3A_457 = arith.index_cast %add3A_456 : i32 to index
        %swap3A_458 = arith.constant 48 : index
        %swap3A_459 = tpu.vector_load %arg6[%swap3A_457, %swap3A_458] {strides = array<i32>} : memref<256x128xf32, #tpu.memory_space<vmem>>, vector<16xf32>,
        tpu.vector_store %arg6[%swap3A_457, %swap3A_458], %mul3A_454 {strides = array<i32>} : memref<256x128xf32, #tpu.memory_space<vmem>>, vector<16xf32>,
      }
      %scan3A_175 = arith.constant 128 : i32
      %add3A_176 = arith.constant 2 : i32
      %add3A_177 = arith.addi %add3A_158, %add3A_176 : i32
      %mul3A_178 = arith.constant 32 : i32
      %mul3A_179 = arith.muli %add3A_177, %mul3A_178 : i32
      %add3A_180 = arith.addi %add3A, %mul3A_179 : i32
      %min3A_181 = arith.constant 3905 : i32
      %min3A_182 = arith.minsi %add3A_180, %min3A_181 : i32
      %mul3A_183 = arith.constant 256 : i32
      %mul3A_184 = arith.muli %min3A_182, %mul3A_183 : i32
      %dma_start3A_185 = arith.constant 0 : i32
      %dma_start3A_186 = tpu.memref_slice %arg2[%mul3A_184, %dma_start3A_185] : memref<1000000x64xf32, #tpu.memory_space<hbm>> -> memref<256x64xf32, #tpu.memory_space<hbm>>
      %dma_start3A_187 = arith.constant 0 : i32
      %dma_start3A_188 = tpu.memref_slice %arg2[%mul3A_184, %dma_start3A_187] : memref<1000000x64xf32, #tpu.memory_space<hbm>> -> memref<256x64xf32, #tpu.memory_space<hbm>>
      tpu.enqueue_dma source(%dma_start3A_188 : memref<256x64xf32, #tpu.memory_space<hbm>>) target(%arg4 : memref<256x64xf32, #tpu.memory_space<vmem>>) target_semaphore(%arg8 : memref<!tpu.dma_semaphore, #tpu.memory_space<semaphore_mem>>)
      %mul3A_189 = arith.constant 32 : i32
      %mul3A_190 = arith.muli %add3A_158, %mul3A_189 : i32
      %add3A_191 = arith.addi %add3A, %mul3A_190 : i32
      %min3A_192 = arith.constant 3905 : i32
      %min3A_193 = arith.minsi %add3A_191, %min3A_192 : i32
      %mul3A_194 = arith.constant 256 : i32
      %mul3A_195 = arith.muli %min3A_193, %mul3A_194 : i32
      %dma_start3A_196 = arith.constant 0 : i32
      %dma_start3A_197 = tpu.memref_slice %arg3[%mul3A_195, %dma_start3A_196] : memref<1000000x128xf32, #tpu.memory_space<hbm>> -> memref<256x128xf32, #tpu.memory_space<hbm>>
      %dma_start3A_198 = arith.constant 0 : i32
      %dma_start3A_199 = tpu.memref_slice %arg3[%mul3A_195, %dma_start3A_198] : memref<1000000x128xf32, #tpu.memory_space<hbm>> -> memref<256x128xf32, #tpu.memory_space<hbm>>
      tpu.enqueue_dma source(%arg6 : memref<256x128xf32, #tpu.memory_space<vmem>>) target(%dma_start3A_199 : memref<256x128xf32, #tpu.memory_space<hbm>>) target_semaphore(%arg10 : memref<!tpu.dma_semaphore, #tpu.memory_space<semaphore_mem>>)
      %add3A_200 = arith.constant 1 : i32
      %add3A_201 = arith.addi %add3A_156, %add3A_200 : i32
      %dma_wait3A_202 = arith.constant 0 : i32
      %dma_wait3A_203 = arith.constant 0 : i32
      %dma_wait3A_204 = tpu.memref_slice %arg2[%dma_wait3A_202, %dma_wait3A_203] : memref<1000000x64xf32, #tpu.memory_space<hbm>> -> memref<256x64xf32, #tpu.memory_space<hbm>>
      %dma_wait3A_205 = arith.constant 0 : i32
      %dma_wait3A_206 = arith.constant 0 : i32
      %dma_wait3A_207 = tpu.memref_slice %arg2[%dma_wait3A_205, %dma_wait3A_206] : memref<1000000x64xf32, #tpu.memory_space<hbm>> -> memref<256x64xf32, #tpu.memory_space<hbm>>
      tpu.wait_dma2 semaphore(%arg9 : memref<!tpu.dma_semaphore, #tpu.memory_space<semaphore_mem>>) src(%dma_wait3A_207 : memref<256x64xf32, #tpu.memory_space<hbm>>) dst(%arg5 : memref<256x64xf32, #tpu.memory_space<vmem>>)
      %dma_wait3A_208 = arith.constant 0 : i32
      %dma_wait3A_209 = arith.constant 0 : i32
      %dma_wait3A_210 = tpu.memref_slice %arg3[%dma_wait3A_208, %dma_wait3A_209] : memref<1000000x128xf32, #tpu.memory_space<hbm>> -> memref<256x128xf32, #tpu.memory_space<hbm>>
      %dma_wait3A_211 = arith.constant 0 : i32
      %dma_wait3A_212 = arith.constant 0 : i32
      %dma_wait3A_213 = tpu.memref_slice %arg3[%dma_wait3A_211, %dma_wait3A_212] : memref<1000000x128xf32, #tpu.memory_space<hbm>> -> memref<256x128xf32, #tpu.memory_space<hbm>>
      tpu.wait_dma2 semaphore(%arg11 : memref<!tpu.dma_semaphore, #tpu.memory_space<semaphore_mem>>) src(%arg7 : memref<256x128xf32, #tpu.memory_space<vmem>>) dst(%dma_wait3A_213 : memref<256x128xf32, #tpu.memory_space<hbm>>)
      %scan3A_214 = arith.constant 0 : i32
      %scan3A_215 = arith.constant 128 : i32
      %scan3A_216 = arith.addi %scan3A_214, %scan3A_215 : i32
      %scan3A_217 = arith.constant 2 : i32
      scf.for %scan3A_243 = %scan3A_214 to %scan3A_216 step %scan3A_217  : i32 {
        %mul3A_244 = arith.constant 2 : i32
        %mul3A_245 = arith.muli %scan3A_243, %mul3A_244 : i32
        %add3A_246 = arith.constant 0 : i32
        %add3A_247 = arith.addi %add3A_246, %mul3A_245 : i32
        %add3A_248 = arith.constant 0 : i32
        %add3A_249 = arith.addi %add3A_247, %add3A_248 : i32
        %get3A = arith.index_cast %add3A_249 : i32 to index
        %get3A_250 = arith.constant 0 : index
        %get3A_251 = tpu.vector_load %arg5[%get3A, %get3A_250] {strides = array<i32>} : memref<256x64xf32, #tpu.memory_space<vmem>>, vector<16xf32>,
        %add3A_252 = arith.constant 0 : i32
        %add3A_253 = arith.addi %add3A_247, %add3A_252 : i32
        %get3A_254 = arith.index_cast %add3A_253 : i32 to index
        %get3A_255 = arith.constant 16 : index
        %get3A_256 = tpu.vector_load %arg5[%get3A_254, %get3A_255] {strides = array<i32>} : memref<256x64xf32, #tpu.memory_space<vmem>>, vector<16xf32>,
        %add3A_257 = arith.constant 0 : i32
        %add3A_258 = arith.addi %add3A_247, %add3A_257 : i32
        %get3A_259 = arith.index_cast %add3A_258 : i32 to index
        %get3A_260 = arith.constant 32 : index
        %get3A_261 = tpu.vector_load %arg5[%get3A_259, %get3A_260] {strides = array<i32>} : memref<256x64xf32, #tpu.memory_space<vmem>>, vector<16xf32>,
        %add3A_262 = arith.constant 0 : i32
        %add3A_263 = arith.addi %add3A_247, %add3A_262 : i32
        %get3A_264 = arith.index_cast %add3A_263 : i32 to index
        %get3A_265 = arith.constant 48 : index
        %get3A_266 = tpu.vector_load %arg5[%get3A_264, %get3A_265] {strides = array<i32>} : memref<256x64xf32, #tpu.memory_space<vmem>>, vector<16xf32>,
        %add3A_267 = arith.constant 1 : i32
        %add3A_268 = arith.addi %add3A_247, %add3A_267 : i32
        %get3A_269 = arith.index_cast %add3A_268 : i32 to index
        %get3A_270 = arith.constant 0 : index
        %get3A_271 = tpu.vector_load %arg5[%get3A_269, %get3A_270] {strides = array<i32>} : memref<256x64xf32, #tpu.memory_space<vmem>>, vector<16xf32>,
        %add3A_272 = arith.constant 1 : i32
        %add3A_273 = arith.addi %add3A_247, %add3A_272 : i32
        %get3A_274 = arith.index_cast %add3A_273 : i32 to index
        %get3A_275 = arith.constant 16 : index
        %get3A_276 = tpu.vector_load %arg5[%get3A_274, %get3A_275] {strides = array<i32>} : memref<256x64xf32, #tpu.memory_space<vmem>>, vector<16xf32>,
        %add3A_277 = arith.constant 1 : i32
        %add3A_278 = arith.addi %add3A_247, %add3A_277 : i32
        %get3A_279 = arith.index_cast %add3A_278 : i32 to index
        %get3A_280 = arith.constant 32 : index
        %get3A_281 = tpu.vector_load %arg5[%get3A_279, %get3A_280] {strides = array<i32>} : memref<256x64xf32, #tpu.memory_space<vmem>>, vector<16xf32>,
        %add3A_282 = arith.constant 1 : i32
        %add3A_283 = arith.addi %add3A_247, %add3A_282 : i32
        %get3A_284 = arith.index_cast %add3A_283 : i32 to index
        %get3A_285 = arith.constant 48 : index
        %get3A_286 = tpu.vector_load %arg5[%get3A_284, %get3A_285] {strides = array<i32>} : memref<256x64xf32, #tpu.memory_space<vmem>>, vector<16xf32>,
        %mul3A_287 = arith.constant 8.000000e+00 : f32
        %mul3A_288 = vector.broadcast %mul3A_287 : f32 to vector<16xf32>
        %mul3A_289 = arith.mulf %get3A_251, %mul3A_288 : vector<16xf32>
        %add3A_290 = arith.constant 0 : i32
        %add3A_291 = arith.addi %add3A_247, %add3A_290 : i32
        %swap3A = arith.index_cast %add3A_291 : i32 to index
        %swap3A_292 = arith.constant 0 : index
        %swap3A_293 = tpu.vector_load %arg7[%swap3A, %swap3A_292] {strides = array<i32>} : memref<256x128xf32, #tpu.memory_space<vmem>>, vector<16xf32>,
        tpu.vector_store %arg7[%swap3A, %swap3A_292], %mul3A_289 {strides = array<i32>} : memref<256x128xf32, #tpu.memory_space<vmem>>, vector<16xf32>,
        %mul3A_294 = arith.constant 8.000000e+00 : f32
        %mul3A_295 = vector.broadcast %mul3A_294 : f32 to vector<16xf32>
        %mul3A_296 = arith.mulf %get3A_256, %mul3A_295 : vector<16xf32>
        %add3A_297 = arith.constant 0 : i32
        %add3A_298 = arith.addi %add3A_247, %add3A_297 : i32
        %swap3A_299 = arith.index_cast %add3A_298 : i32 to index
        %swap3A_300 = arith.constant 16 : index
        %swap3A_301 = tpu.vector_load %arg7[%swap3A_299, %swap3A_300] {strides = array<i32>} : memref<256x128xf32, #tpu.memory_space<vmem>>, vector<16xf32>,
        tpu.vector_store %arg7[%swap3A_299, %swap3A_300], %mul3A_296 {strides = array<i32>} : memref<256x128xf32, #tpu.memory_space<vmem>>, vector<16xf32>,
        %mul3A_302 = arith.constant 8.000000e+00 : f32
        %mul3A_303 = vector.broadcast %mul3A_302 : f32 to vector<16xf32>
        %mul3A_304 = arith.mulf %get3A_261, %mul3A_303 : vector<16xf32>
        %add3A_305 = arith.constant 0 : i32
        %add3A_306 = arith.addi %add3A_247, %add3A_305 : i32
        %swap3A_307 = arith.index_cast %add3A_306 : i32 to index
        %swap3A_308 = arith.constant 32 : index
        %swap3A_309 = tpu.vector_load %arg7[%swap3A_307, %swap3A_308] {strides = array<i32>} : memref<256x128xf32, #tpu.memory_space<vmem>>, vector<16xf32>,
        tpu.vector_store %arg7[%swap3A_307, %swap3A_308], %mul3A_304 {strides = array<i32>} : memref<256x128xf32, #tpu.memory_space<vmem>>, vector<16xf32>,
        %mul3A_310 = arith.constant 8.000000e+00 : f32
        %mul3A_311 = vector.broadcast %mul3A_310 : f32 to vector<16xf32>
        %mul3A_312 = arith.mulf %get3A_266, %mul3A_311 : vector<16xf32>
        %add3A_313 = arith.constant 0 : i32
        %add3A_314 = arith.addi %add3A_247, %add3A_313 : i32
        %swap3A_315 = arith.index_cast %add3A_314 : i32 to index
        %swap3A_316 = arith.constant 48 : index
        %swap3A_317 = tpu.vector_load %arg7[%swap3A_315, %swap3A_316] {strides = array<i32>} : memref<256x128xf32, #tpu.memory_space<vmem>>, vector<16xf32>,
        tpu.vector_store %arg7[%swap3A_315, %swap3A_316], %mul3A_312 {strides = array<i32>} : memref<256x128xf32, #tpu.memory_space<vmem>>, vector<16xf32>,
        %mul3A_318 = arith.constant 8.000000e+00 : f32
        %mul3A_319 = vector.broadcast %mul3A_318 : f32 to vector<16xf32>
        %mul3A_320 = arith.mulf %get3A_271, %mul3A_319 : vector<16xf32>
        %add3A_321 = arith.constant 1 : i32
        %add3A_322 = arith.addi %add3A_247, %add3A_321 : i32
        %swap3A_323 = arith.index_cast %add3A_322 : i32 to index
        %swap3A_324 = arith.constant 0 : index
        %swap3A_325 = tpu.vector_load %arg7[%swap3A_323, %swap3A_324] {strides = array<i32>} : memref<256x128xf32, #tpu.memory_space<vmem>>, vector<16xf32>,
        tpu.vector_store %arg7[%swap3A_323, %swap3A_324], %mul3A_320 {strides = array<i32>} : memref<256x128xf32, #tpu.memory_space<vmem>>, vector<16xf32>,
        %mul3A_326 = arith.constant 8.000000e+00 : f32
        %mul3A_327 = vector.broadcast %mul3A_326 : f32 to vector<16xf32>
        %mul3A_328 = arith.mulf %get3A_276, %mul3A_327 : vector<16xf32>
        %add3A_329 = arith.constant 1 : i32
        %add3A_330 = arith.addi %add3A_247, %add3A_329 : i32
        %swap3A_331 = arith.index_cast %add3A_330 : i32 to index
        %swap3A_332 = arith.constant 16 : index
        %swap3A_333 = tpu.vector_load %arg7[%swap3A_331, %swap3A_332] {strides = array<i32>} : memref<256x128xf32, #tpu.memory_space<vmem>>, vector<16xf32>,
        tpu.vector_store %arg7[%swap3A_331, %swap3A_332], %mul3A_328 {strides = array<i32>} : memref<256x128xf32, #tpu.memory_space<vmem>>, vector<16xf32>,
        %mul3A_334 = arith.constant 8.000000e+00 : f32
        %mul3A_335 = vector.broadcast %mul3A_334 : f32 to vector<16xf32>
        %mul3A_336 = arith.mulf %get3A_281, %mul3A_335 : vector<16xf32>
        %add3A_337 = arith.constant 1 : i32
        %add3A_338 = arith.addi %add3A_247, %add3A_337 : i32
        %swap3A_339 = arith.index_cast %add3A_338 : i32 to index
        %swap3A_340 = arith.constant 32 : index
        %swap3A_341 = tpu.vector_load %arg7[%swap3A_339, %swap3A_340] {strides = array<i32>} : memref<256x128xf32, #tpu.memory_space<vmem>>, vector<16xf32>,
        tpu.vector_store %arg7[%swap3A_339, %swap3A_340], %mul3A_336 {strides = array<i32>} : memref<256x128xf32, #tpu.memory_space<vmem>>, vector<16xf32>,
        %mul3A_342 = arith.constant 8.000000e+00 : f32
        %mul3A_343 = vector.broadcast %mul3A_342 : f32 to vector<16xf32>
        %mul3A_344 = arith.mulf %get3A_286, %mul3A_343 : vector<16xf32>
        %add3A_345 = arith.constant 1 : i32
        %add3A_346 = arith.addi %add3A_247, %add3A_345 : i32
        %swap3A_347 = arith.index_cast %add3A_346 : i32 to index
        %swap3A_348 = arith.constant 48 : index
        %swap3A_349 = tpu.vector_load %arg7[%swap3A_347, %swap3A_348] {strides = array<i32>} : memref<256x128xf32, #tpu.memory_space<vmem>>, vector<16xf32>,
        tpu.vector_store %arg7[%swap3A_347, %swap3A_348], %mul3A_344 {strides = array<i32>} : memref<256x128xf32, #tpu.memory_space<vmem>>, vector<16xf32>,
        %scan3A_350 = arith.constant 1 : i32
        %scan3A_351 = arith.addi %scan3A_243, %scan3A_350 : i32
        %mul3A_352 = arith.constant 2 : i32
        %mul3A_353 = arith.muli %scan3A_351, %mul3A_352 : i32
        %add3A_354 = arith.constant 0 : i32
        %add3A_355 = arith.addi %add3A_354, %mul3A_353 : i32
        %add3A_356 = arith.constant 0 : i32
        %add3A_357 = arith.addi %add3A_355, %add3A_356 : i32
        %get3A_358 = arith.index_cast %add3A_357 : i32 to index
        %get3A_359 = arith.constant 0 : index
        %get3A_360 = tpu.vector_load %arg5[%get3A_358, %get3A_359] {strides = array<i32>} : memref<256x64xf32, #tpu.memory_space<vmem>>, vector<16xf32>,
        %add3A_361 = arith.constant 0 : i32
        %add3A_362 = arith.addi %add3A_355, %add3A_361 : i32
        %get3A_363 = arith.index_cast %add3A_362 : i32 to index
        %get3A_364 = arith.constant 16 : index
        %get3A_365 = tpu.vector_load %arg5[%get3A_363, %get3A_364] {strides = array<i32>} : memref<256x64xf32, #tpu.memory_space<vmem>>, vector<16xf32>,
        %add3A_366 = arith.constant 0 : i32
        %add3A_367 = arith.addi %add3A_355, %add3A_366 : i32
        %get3A_368 = arith.index_cast %add3A_367 : i32 to index
        %get3A_369 = arith.constant 32 : index
        %get3A_370 = tpu.vector_load %arg5[%get3A_368, %get3A_369] {strides = array<i32>} : memref<256x64xf32, #tpu.memory_space<vmem>>, vector<16xf32>,
        %add3A_371 = arith.constant 0 : i32
        %add3A_372 = arith.addi %add3A_355, %add3A_371 : i32
        %get3A_373 = arith.index_cast %add3A_372 : i32 to index
        %get3A_374 = arith.constant 48 : index
        %get3A_375 = tpu.vector_load %arg5[%get3A_373, %get3A_374] {strides = array<i32>} : memref<256x64xf32, #tpu.memory_space<vmem>>, vector<16xf32>,
        %add3A_376 = arith.constant 1 : i32
        %add3A_377 = arith.addi %add3A_355, %add3A_376 : i32
        %get3A_378 = arith.index_cast %add3A_377 : i32 to index
        %get3A_379 = arith.constant 0 : index
        %get3A_380 = tpu.vector_load %arg5[%get3A_378, %get3A_379] {strides = array<i32>} : memref<256x64xf32, #tpu.memory_space<vmem>>, vector<16xf32>,
        %add3A_381 = arith.constant 1 : i32
        %add3A_382 = arith.addi %add3A_355, %add3A_381 : i32
        %get3A_383 = arith.index_cast %add3A_382 : i32 to index
        %get3A_384 = arith.constant 16 : index
        %get3A_385 = tpu.vector_load %arg5[%get3A_383, %get3A_384] {strides = array<i32>} : memref<256x64xf32, #tpu.memory_space<vmem>>, vector<16xf32>,
        %add3A_386 = arith.constant 1 : i32
        %add3A_387 = arith.addi %add3A_355, %add3A_386 : i32
        %get3A_388 = arith.index_cast %add3A_387 : i32 to index
        %get3A_389 = arith.constant 32 : index
        %get3A_390 = tpu.vector_load %arg5[%get3A_388, %get3A_389] {strides = array<i32>} : memref<256x64xf32, #tpu.memory_space<vmem>>, vector<16xf32>,
        %add3A_391 = arith.constant 1 : i32
        %add3A_392 = arith.addi %add3A_355, %add3A_391 : i32
        %get3A_393 = arith.index_cast %add3A_392 : i32 to index
        %get3A_394 = arith.constant 48 : index
        %get3A_395 = tpu.vector_load %arg5[%get3A_393, %get3A_394] {strides = array<i32>} : memref<256x64xf32, #tpu.memory_space<vmem>>, vector<16xf32>,
        %mul3A_396 = arith.constant 8.000000e+00 : f32
        %mul3A_397 = vector.broadcast %mul3A_396 : f32 to vector<16xf32>
        %mul3A_398 = arith.mulf %get3A_360, %mul3A_397 : vector<16xf32>
        %add3A_399 = arith.constant 0 : i32
        %add3A_400 = arith.addi %add3A_355, %add3A_399 : i32
        %swap3A_401 = arith.index_cast %add3A_400 : i32 to index
        %swap3A_402 = arith.constant 0 : index
        %swap3A_403 = tpu.vector_load %arg7[%swap3A_401, %swap3A_402] {strides = array<i32>} : memref<256x128xf32, #tpu.memory_space<vmem>>, vector<16xf32>,
        tpu.vector_store %arg7[%swap3A_401, %swap3A_402], %mul3A_398 {strides = array<i32>} : memref<256x128xf32, #tpu.memory_space<vmem>>, vector<16xf32>,
        %mul3A_404 = arith.constant 8.000000e+00 : f32
        %mul3A_405 = vector.broadcast %mul3A_404 : f32 to vector<16xf32>
        %mul3A_406 = arith.mulf %get3A_365, %mul3A_405 : vector<16xf32>
        %add3A_407 = arith.constant 0 : i32
        %add3A_408 = arith.addi %add3A_355, %add3A_407 : i32
        %swap3A_409 = arith.index_cast %add3A_408 : i32 to index
        %swap3A_410 = arith.constant 16 : index
        %swap3A_411 = tpu.vector_load %arg7[%swap3A_409, %swap3A_410] {strides = array<i32>} : memref<256x128xf32, #tpu.memory_space<vmem>>, vector<16xf32>,
        tpu.vector_store %arg7[%swap3A_409, %swap3A_410], %mul3A_406 {strides = array<i32>} : memref<256x128xf32, #tpu.memory_space<vmem>>, vector<16xf32>,
        %mul3A_412 = arith.constant 8.000000e+00 : f32
        %mul3A_413 = vector.broadcast %mul3A_412 : f32 to vector<16xf32>
        %mul3A_414 = arith.mulf %get3A_370, %mul3A_413 : vector<16xf32>
        %add3A_415 = arith.constant 0 : i32
        %add3A_416 = arith.addi %add3A_355, %add3A_415 : i32
        %swap3A_417 = arith.index_cast %add3A_416 : i32 to index
        %swap3A_418 = arith.constant 32 : index
        %swap3A_419 = tpu.vector_load %arg7[%swap3A_417, %swap3A_418] {strides = array<i32>} : memref<256x128xf32, #tpu.memory_space<vmem>>, vector<16xf32>,
        tpu.vector_store %arg7[%swap3A_417, %swap3A_418], %mul3A_414 {strides = array<i32>} : memref<256x128xf32, #tpu.memory_space<vmem>>, vector<16xf32>,
        %mul3A_420 = arith.constant 8.000000e+00 : f32
        %mul3A_421 = vector.broadcast %mul3A_420 : f32 to vector<16xf32>
        %mul3A_422 = arith.mulf %get3A_375, %mul3A_421 : vector<16xf32>
        %add3A_423 = arith.constant 0 : i32
        %add3A_424 = arith.addi %add3A_355, %add3A_423 : i32
        %swap3A_425 = arith.index_cast %add3A_424 : i32 to index
        %swap3A_426 = arith.constant 48 : index
        %swap3A_427 = tpu.vector_load %arg7[%swap3A_425, %swap3A_426] {strides = array<i32>} : memref<256x128xf32, #tpu.memory_space<vmem>>, vector<16xf32>,
        tpu.vector_store %arg7[%swap3A_425, %swap3A_426], %mul3A_422 {strides = array<i32>} : memref<256x128xf32, #tpu.memory_space<vmem>>, vector<16xf32>,
        %mul3A_428 = arith.constant 8.000000e+00 : f32
        %mul3A_429 = vector.broadcast %mul3A_428 : f32 to vector<16xf32>
        %mul3A_430 = arith.mulf %get3A_380, %mul3A_429 : vector<16xf32>
        %add3A_431 = arith.constant 1 : i32
        %add3A_432 = arith.addi %add3A_355, %add3A_431 : i32
        %swap3A_433 = arith.index_cast %add3A_432 : i32 to index
        %swap3A_434 = arith.constant 0 : index
        %swap3A_435 = tpu.vector_load %arg7[%swap3A_433, %swap3A_434] {strides = array<i32>} : memref<256x128xf32, #tpu.memory_space<vmem>>, vector<16xf32>,
        tpu.vector_store %arg7[%swap3A_433, %swap3A_434], %mul3A_430 {strides = array<i32>} : memref<256x128xf32, #tpu.memory_space<vmem>>, vector<16xf32>,
        %mul3A_436 = arith.constant 8.000000e+00 : f32
        %mul3A_437 = vector.broadcast %mul3A_436 : f32 to vector<16xf32>
        %mul3A_438 = arith.mulf %get3A_385, %mul3A_437 : vector<16xf32>
        %add3A_439 = arith.constant 1 : i32
        %add3A_440 = arith.addi %add3A_355, %add3A_439 : i32
        %swap3A_441 = arith.index_cast %add3A_440 : i32 to index
        %swap3A_442 = arith.constant 16 : index
        %swap3A_443 = tpu.vector_load %arg7[%swap3A_441, %swap3A_442] {strides = array<i32>} : memref<256x128xf32, #tpu.memory_space<vmem>>, vector<16xf32>,
        tpu.vector_store %arg7[%swap3A_441, %swap3A_442], %mul3A_438 {strides = array<i32>} : memref<256x128xf32, #tpu.memory_space<vmem>>, vector<16xf32>,
        %mul3A_444 = arith.constant 8.000000e+00 : f32
        %mul3A_445 = vector.broadcast %mul3A_444 : f32 to vector<16xf32>
        %mul3A_446 = arith.mulf %get3A_390, %mul3A_445 : vector<16xf32>
        %add3A_447 = arith.constant 1 : i32
        %add3A_448 = arith.addi %add3A_355, %add3A_447 : i32
        %swap3A_449 = arith.index_cast %add3A_448 : i32 to index
        %swap3A_450 = arith.constant 32 : index
        %swap3A_451 = tpu.vector_load %arg7[%swap3A_449, %swap3A_450] {strides = array<i32>} : memref<256x128xf32, #tpu.memory_space<vmem>>, vector<16xf32>,
        tpu.vector_store %arg7[%swap3A_449, %swap3A_450], %mul3A_446 {strides = array<i32>} : memref<256x128xf32, #tpu.memory_space<vmem>>, vector<16xf32>,
        %mul3A_452 = arith.constant 8.000000e+00 : f32
        %mul3A_453 = vector.broadcast %mul3A_452 : f32 to vector<16xf32>
        %mul3A_454 = arith.mulf %get3A_395, %mul3A_453 : vector<16xf32>
        %add3A_455 = arith.constant 1 : i32
        %add3A_456 = arith.addi %add3A_355, %add3A_455 : i32
        %swap3A_457 = arith.index_cast %add3A_456 : i32 to index
        %swap3A_458 = arith.constant 48 : index
        %swap3A_459 = tpu.vector_load %arg7[%swap3A_457, %swap3A_458] {strides = array<i32>} : memref<256x128xf32, #tpu.memory_space<vmem>>, vector<16xf32>,
        tpu.vector_store %arg7[%swap3A_457, %swap3A_458], %mul3A_454 {strides = array<i32>} : memref<256x128xf32, #tpu.memory_space<vmem>>, vector<16xf32>,
      }
      %scan3A_218 = arith.constant 128 : i32
      %add3A_219 = arith.constant 2 : i32
      %add3A_220 = arith.addi %add3A_201, %add3A_219 : i32
      %mul3A_221 = arith.constant 32 : i32
      %mul3A_222 = arith.muli %add3A_220, %mul3A_221 : i32
      %add3A_223 = arith.addi %add3A, %mul3A_222 : i32
      %min3A_224 = arith.constant 3905 : i32
      %min3A_225 = arith.minsi %add3A_223, %min3A_224 : i32
      %mul3A_226 = arith.constant 256 : i32
      %mul3A_227 = arith.muli %min3A_225, %mul3A_226 : i32
      %dma_start3A_228 = arith.constant 0 : i32
      %dma_start3A_229 = tpu.memref_slice %arg2[%mul3A_227, %dma_start3A_228] : memref<1000000x64xf32, #tpu.memory_space<hbm>> -> memref<256x64xf32, #tpu.memory_space<hbm>>
      %dma_start3A_230 = arith.constant 0 : i32
      %dma_start3A_231 = tpu.memref_slice %arg2[%mul3A_227, %dma_start3A_230] : memref<1000000x64xf32, #tpu.memory_space<hbm>> -> memref<256x64xf32, #tpu.memory_space<hbm>>
      tpu.enqueue_dma source(%dma_start3A_231 : memref<256x64xf32, #tpu.memory_space<hbm>>) target(%arg5 : memref<256x64xf32, #tpu.memory_space<vmem>>) target_semaphore(%arg9 : memref<!tpu.dma_semaphore, #tpu.memory_space<semaphore_mem>>)
      %mul3A_232 = arith.constant 32 : i32
      %mul3A_233 = arith.muli %add3A_201, %mul3A_232 : i32
      %add3A_234 = arith.addi %add3A, %mul3A_233 : i32
      %min3A_235 = arith.constant 3905 : i32
      %min3A_236 = arith.minsi %add3A_234, %min3A_235 : i32
      %mul3A_237 = arith.constant 256 : i32
      %mul3A_238 = arith.muli %min3A_236, %mul3A_237 : i32
      %dma_start3A_239 = arith.constant 0 : i32
      %dma_start3A_240 = tpu.memref_slice %arg3[%mul3A_238, %dma_start3A_239] : memref<1000000x128xf32, #tpu.memory_space<hbm>> -> memref<256x128xf32, #tpu.memory_space<hbm>>
      %dma_start3A_241 = arith.constant 0 : i32
      %dma_start3A_242 = tpu.memref_slice %arg3[%mul3A_238, %dma_start3A_241] : memref<1000000x128xf32, #tpu.memory_space<hbm>> -> memref<256x128xf32, #tpu.memory_space<hbm>>
      tpu.enqueue_dma source(%arg7 : memref<256x128xf32, #tpu.memory_space<vmem>>) target(%dma_start3A_242 : memref<256x128xf32, #tpu.memory_space<hbm>>) target_semaphore(%arg11 : memref<!tpu.dma_semaphore, #tpu.memory_space<semaphore_mem>>)
    }
    %scan3A_83 = arith.constant 60 : i32
    %dma_wait3A_84 = arith.constant 0 : i32
    %dma_wait3A_85 = arith.constant 0 : i32
    %dma_wait3A_86 = tpu.memref_slice %arg2[%dma_wait3A_84, %dma_wait3A_85] : memref<1000000x64xf32, #tpu.memory_space<hbm>> -> memref<256x64xf32, #tpu.memory_space<hbm>>
    %dma_wait3A_87 = arith.constant 0 : i32
    %dma_wait3A_88 = arith.constant 0 : i32
    %dma_wait3A_89 = tpu.memref_slice %arg2[%dma_wait3A_87, %dma_wait3A_88] : memref<1000000x64xf32, #tpu.memory_space<hbm>> -> memref<256x64xf32, #tpu.memory_space<hbm>>
    tpu.wait_dma2 semaphore(%arg8 : memref<!tpu.dma_semaphore, #tpu.memory_space<semaphore_mem>>) src(%dma_wait3A_89 : memref<256x64xf32, #tpu.memory_space<hbm>>) dst(%arg4 : memref<256x64xf32, #tpu.memory_space<vmem>>)
    %dma_wait3A_90 = arith.constant 0 : i32
    %dma_wait3A_91 = arith.constant 0 : i32
    %dma_wait3A_92 = tpu.memref_slice %arg3[%dma_wait3A_90, %dma_wait3A_91] : memref<1000000x128xf32, #tpu.memory_space<hbm>> -> memref<256x128xf32, #tpu.memory_space<hbm>>
    %dma_wait3A_93 = arith.constant 0 : i32
    %dma_wait3A_94 = arith.constant 0 : i32
    %dma_wait3A_95 = tpu.memref_slice %arg3[%dma_wait3A_93, %dma_wait3A_94] : memref<1000000x128xf32, #tpu.memory_space<hbm>> -> memref<256x128xf32, #tpu.memory_space<hbm>>
    tpu.wait_dma2 semaphore(%arg10 : memref<!tpu.dma_semaphore, #tpu.memory_space<semaphore_mem>>) src(%arg6 : memref<256x128xf32, #tpu.memory_space<vmem>>) dst(%dma_wait3A_95 : memref<256x128xf32, #tpu.memory_space<hbm>>)
    %scan3A_96 = arith.constant 0 : i32
    %scan3A_97 = arith.constant 128 : i32
    %scan3A_98 = arith.addi %scan3A_96, %scan3A_97 : i32
    %scan3A_99 = arith.constant 2 : i32
    scf.for %scan3A_152 = %scan3A_96 to %scan3A_98 step %scan3A_99  : i32 {
      %mul3A_153 = arith.constant 2 : i32
      %mul3A_154 = arith.muli %scan3A_152, %mul3A_153 : i32
      %add3A_155 = arith.constant 0 : i32
      %add3A_156 = arith.addi %add3A_155, %mul3A_154 : i32
      %add3A_157 = arith.constant 0 : i32
      %add3A_158 = arith.addi %add3A_156, %add3A_157 : i32
      %get3A = arith.index_cast %add3A_158 : i32 to index
      %get3A_159 = arith.constant 0 : index
      %get3A_160 = tpu.vector_load %arg4[%get3A, %get3A_159] {strides = array<i32>} : memref<256x64xf32, #tpu.memory_space<vmem>>, vector<16xf32>,
      %add3A_161 = arith.constant 0 : i32
      %add3A_162 = arith.addi %add3A_156, %add3A_161 : i32
      %get3A_163 = arith.index_cast %add3A_162 : i32 to index
      %get3A_164 = arith.constant 16 : index
      %get3A_165 = tpu.vector_load %arg4[%get3A_163, %get3A_164] {strides = array<i32>} : memref<256x64xf32, #tpu.memory_space<vmem>>, vector<16xf32>,
      %add3A_166 = arith.constant 0 : i32
      %add3A_167 = arith.addi %add3A_156, %add3A_166 : i32
      %get3A_168 = arith.index_cast %add3A_167 : i32 to index
      %get3A_169 = arith.constant 32 : index
      %get3A_170 = tpu.vector_load %arg4[%get3A_168, %get3A_169] {strides = array<i32>} : memref<256x64xf32, #tpu.memory_space<vmem>>, vector<16xf32>,
      %add3A_171 = arith.constant 0 : i32
      %add3A_172 = arith.addi %add3A_156, %add3A_171 : i32
      %get3A_173 = arith.index_cast %add3A_172 : i32 to index
      %get3A_174 = arith.constant 48 : index
      %get3A_175 = tpu.vector_load %arg4[%get3A_173, %get3A_174] {strides = array<i32>} : memref<256x64xf32, #tpu.memory_space<vmem>>, vector<16xf32>,
      %add3A_176 = arith.constant 1 : i32
      %add3A_177 = arith.addi %add3A_156, %add3A_176 : i32
      %get3A_178 = arith.index_cast %add3A_177 : i32 to index
      %get3A_179 = arith.constant 0 : index
      %get3A_180 = tpu.vector_load %arg4[%get3A_178, %get3A_179] {strides = array<i32>} : memref<256x64xf32, #tpu.memory_space<vmem>>, vector<16xf32>,
      %add3A_181 = arith.constant 1 : i32
      %add3A_182 = arith.addi %add3A_156, %add3A_181 : i32
      %get3A_183 = arith.index_cast %add3A_182 : i32 to index
      %get3A_184 = arith.constant 16 : index
      %get3A_185 = tpu.vector_load %arg4[%get3A_183, %get3A_184] {strides = array<i32>} : memref<256x64xf32, #tpu.memory_space<vmem>>, vector<16xf32>,
      %add3A_186 = arith.constant 1 : i32
      %add3A_187 = arith.addi %add3A_156, %add3A_186 : i32
      %get3A_188 = arith.index_cast %add3A_187 : i32 to index
      %get3A_189 = arith.constant 32 : index
      %get3A_190 = tpu.vector_load %arg4[%get3A_188, %get3A_189] {strides = array<i32>} : memref<256x64xf32, #tpu.memory_space<vmem>>, vector<16xf32>,
      %add3A_191 = arith.constant 1 : i32
      %add3A_192 = arith.addi %add3A_156, %add3A_191 : i32
      %get3A_193 = arith.index_cast %add3A_192 : i32 to index
      %get3A_194 = arith.constant 48 : index
      %get3A_195 = tpu.vector_load %arg4[%get3A_193, %get3A_194] {strides = array<i32>} : memref<256x64xf32, #tpu.memory_space<vmem>>, vector<16xf32>,
      %mul3A_196 = arith.constant 8.000000e+00 : f32
      %mul3A_197 = vector.broadcast %mul3A_196 : f32 to vector<16xf32>
      %mul3A_198 = arith.mulf %get3A_160, %mul3A_197 : vector<16xf32>
      %add3A_199 = arith.constant 0 : i32
      %add3A_200 = arith.addi %add3A_156, %add3A_199 : i32
      %swap3A = arith.index_cast %add3A_200 : i32 to index
      %swap3A_201 = arith.constant 0 : index
      %swap3A_202 = tpu.vector_load %arg6[%swap3A, %swap3A_201] {strides = array<i32>} : memref<256x128xf32, #tpu.memory_space<vmem>>, vector<16xf32>,
      tpu.vector_store %arg6[%swap3A, %swap3A_201], %mul3A_198 {strides = array<i32>} : memref<256x128xf32, #tpu.memory_space<vmem>>, vector<16xf32>,
      %mul3A_203 = arith.constant 8.000000e+00 : f32
      %mul3A_204 = vector.broadcast %mul3A_203 : f32 to vector<16xf32>
      %mul3A_205 = arith.mulf %get3A_165, %mul3A_204 : vector<16xf32>
      %add3A_206 = arith.constant 0 : i32
      %add3A_207 = arith.addi %add3A_156, %add3A_206 : i32
      %swap3A_208 = arith.index_cast %add3A_207 : i32 to index
      %swap3A_209 = arith.constant 16 : index
      %swap3A_210 = tpu.vector_load %arg6[%swap3A_208, %swap3A_209] {strides = array<i32>} : memref<256x128xf32, #tpu.memory_space<vmem>>, vector<16xf32>,
      tpu.vector_store %arg6[%swap3A_208, %swap3A_209], %mul3A_205 {strides = array<i32>} : memref<256x128xf32, #tpu.memory_space<vmem>>, vector<16xf32>,
      %mul3A_211 = arith.constant 8.000000e+00 : f32
      %mul3A_212 = vector.broadcast %mul3A_211 : f32 to vector<16xf32>
      %mul3A_213 = arith.mulf %get3A_170, %mul3A_212 : vector<16xf32>
      %add3A_214 = arith.constant 0 : i32
      %add3A_215 = arith.addi %add3A_156, %add3A_214 : i32
      %swap3A_216 = arith.index_cast %add3A_215 : i32 to index
      %swap3A_217 = arith.constant 32 : index
      %swap3A_218 = tpu.vector_load %arg6[%swap3A_216, %swap3A_217] {strides = array<i32>} : memref<256x128xf32, #tpu.memory_space<vmem>>, vector<16xf32>,
      tpu.vector_store %arg6[%swap3A_216, %swap3A_217], %mul3A_213 {strides = array<i32>} : memref<256x128xf32, #tpu.memory_space<vmem>>, vector<16xf32>,
      %mul3A_219 = arith.constant 8.000000e+00 : f32
      %mul3A_220 = vector.broadcast %mul3A_219 : f32 to vector<16xf32>
      %mul3A_221 = arith.mulf %get3A_175, %mul3A_220 : vector<16xf32>
      %add3A_222 = arith.constant 0 : i32
      %add3A_223 = arith.addi %add3A_156, %add3A_222 : i32
      %swap3A_224 = arith.index_cast %add3A_223 : i32 to index
      %swap3A_225 = arith.constant 48 : index
      %swap3A_226 = tpu.vector_load %arg6[%swap3A_224, %swap3A_225] {strides = array<i32>} : memref<256x128xf32, #tpu.memory_space<vmem>>, vector<16xf32>,
      tpu.vector_store %arg6[%swap3A_224, %swap3A_225], %mul3A_221 {strides = array<i32>} : memref<256x128xf32, #tpu.memory_space<vmem>>, vector<16xf32>,
      %mul3A_227 = arith.constant 8.000000e+00 : f32
      %mul3A_228 = vector.broadcast %mul3A_227 : f32 to vector<16xf32>
      %mul3A_229 = arith.mulf %get3A_180, %mul3A_228 : vector<16xf32>
      %add3A_230 = arith.constant 1 : i32
      %add3A_231 = arith.addi %add3A_156, %add3A_230 : i32
      %swap3A_232 = arith.index_cast %add3A_231 : i32 to index
      %swap3A_233 = arith.constant 0 : index
      %swap3A_234 = tpu.vector_load %arg6[%swap3A_232, %swap3A_233] {strides = array<i32>} : memref<256x128xf32, #tpu.memory_space<vmem>>, vector<16xf32>,
      tpu.vector_store %arg6[%swap3A_232, %swap3A_233], %mul3A_229 {strides = array<i32>} : memref<256x128xf32, #tpu.memory_space<vmem>>, vector<16xf32>,
      %mul3A_235 = arith.constant 8.000000e+00 : f32
      %mul3A_236 = vector.broadcast %mul3A_235 : f32 to vector<16xf32>
      %mul3A_237 = arith.mulf %get3A_185, %mul3A_236 : vector<16xf32>
      %add3A_238 = arith.constant 1 : i32
      %add3A_239 = arith.addi %add3A_156, %add3A_238 : i32
      %swap3A_240 = arith.index_cast %add3A_239 : i32 to index
      %swap3A_241 = arith.constant 16 : index
      %swap3A_242 = tpu.vector_load %arg6[%swap3A_240, %swap3A_241] {strides = array<i32>} : memref<256x128xf32, #tpu.memory_space<vmem>>, vector<16xf32>,
      tpu.vector_store %arg6[%swap3A_240, %swap3A_241], %mul3A_237 {strides = array<i32>} : memref<256x128xf32, #tpu.memory_space<vmem>>, vector<16xf32>,
      %mul3A_243 = arith.constant 8.000000e+00 : f32
      %mul3A_244 = vector.broadcast %mul3A_243 : f32 to vector<16xf32>
      %mul3A_245 = arith.mulf %get3A_190, %mul3A_244 : vector<16xf32>
      %add3A_246 = arith.constant 1 : i32
      %add3A_247 = arith.addi %add3A_156, %add3A_246 : i32
      %swap3A_248 = arith.index_cast %add3A_247 : i32 to index
      %swap3A_249 = arith.constant 32 : index
      %swap3A_250 = tpu.vector_load %arg6[%swap3A_248, %swap3A_249] {strides = array<i32>} : memref<256x128xf32, #tpu.memory_space<vmem>>, vector<16xf32>,
      tpu.vector_store %arg6[%swap3A_248, %swap3A_249], %mul3A_245 {strides = array<i32>} : memref<256x128xf32, #tpu.memory_space<vmem>>, vector<16xf32>,
      %mul3A_251 = arith.constant 8.000000e+00 : f32
      %mul3A_252 = vector.broadcast %mul3A_251 : f32 to vector<16xf32>
      %mul3A_253 = arith.mulf %get3A_195, %mul3A_252 : vector<16xf32>
      %add3A_254 = arith.constant 1 : i32
      %add3A_255 = arith.addi %add3A_156, %add3A_254 : i32
      %swap3A_256 = arith.index_cast %add3A_255 : i32 to index
      %swap3A_257 = arith.constant 48 : index
      %swap3A_258 = tpu.vector_load %arg6[%swap3A_256, %swap3A_257] {strides = array<i32>} : memref<256x128xf32, #tpu.memory_space<vmem>>, vector<16xf32>,
      tpu.vector_store %arg6[%swap3A_256, %swap3A_257], %mul3A_253 {strides = array<i32>} : memref<256x128xf32, #tpu.memory_space<vmem>>, vector<16xf32>,
      %scan3A_259 = arith.constant 1 : i32
      %scan3A_260 = arith.addi %scan3A_152, %scan3A_259 : i32
      %mul3A_261 = arith.constant 2 : i32
      %mul3A_262 = arith.muli %scan3A_260, %mul3A_261 : i32
      %add3A_263 = arith.constant 0 : i32
      %add3A_264 = arith.addi %add3A_263, %mul3A_262 : i32
      %add3A_265 = arith.constant 0 : i32
      %add3A_266 = arith.addi %add3A_264, %add3A_265 : i32
      %get3A_267 = arith.index_cast %add3A_266 : i32 to index
      %get3A_268 = arith.constant 0 : index
      %get3A_269 = tpu.vector_load %arg4[%get3A_267, %get3A_268] {strides = array<i32>} : memref<256x64xf32, #tpu.memory_space<vmem>>, vector<16xf32>,
      %add3A_270 = arith.constant 0 : i32
      %add3A_271 = arith.addi %add3A_264, %add3A_270 : i32
      %get3A_272 = arith.index_cast %add3A_271 : i32 to index
      %get3A_273 = arith.constant 16 : index
      %get3A_274 = tpu.vector_load %arg4[%get3A_272, %get3A_273] {strides = array<i32>} : memref<256x64xf32, #tpu.memory_space<vmem>>, vector<16xf32>,
      %add3A_275 = arith.constant 0 : i32
      %add3A_276 = arith.addi %add3A_264, %add3A_275 : i32
      %get3A_277 = arith.index_cast %add3A_276 : i32 to index
      %get3A_278 = arith.constant 32 : index
      %get3A_279 = tpu.vector_load %arg4[%get3A_277, %get3A_278] {strides = array<i32>} : memref<256x64xf32, #tpu.memory_space<vmem>>, vector<16xf32>,
      %add3A_280 = arith.constant 0 : i32
      %add3A_281 = arith.addi %add3A_264, %add3A_280 : i32
      %get3A_282 = arith.index_cast %add3A_281 : i32 to index
      %get3A_283 = arith.constant 48 : index
      %get3A_284 = tpu.vector_load %arg4[%get3A_282, %get3A_283] {strides = array<i32>} : memref<256x64xf32, #tpu.memory_space<vmem>>, vector<16xf32>,
      %add3A_285 = arith.constant 1 : i32
      %add3A_286 = arith.addi %add3A_264, %add3A_285 : i32
      %get3A_287 = arith.index_cast %add3A_286 : i32 to index
      %get3A_288 = arith.constant 0 : index
      %get3A_289 = tpu.vector_load %arg4[%get3A_287, %get3A_288] {strides = array<i32>} : memref<256x64xf32, #tpu.memory_space<vmem>>, vector<16xf32>,
      %add3A_290 = arith.constant 1 : i32
      %add3A_291 = arith.addi %add3A_264, %add3A_290 : i32
      %get3A_292 = arith.index_cast %add3A_291 : i32 to index
      %get3A_293 = arith.constant 16 : index
      %get3A_294 = tpu.vector_load %arg4[%get3A_292, %get3A_293] {strides = array<i32>} : memref<256x64xf32, #tpu.memory_space<vmem>>, vector<16xf32>,
      %add3A_295 = arith.constant 1 : i32
      %add3A_296 = arith.addi %add3A_264, %add3A_295 : i32
      %get3A_297 = arith.index_cast %add3A_296 : i32 to index
      %get3A_298 = arith.constant 32 : index
      %get3A_299 = tpu.vector_load %arg4[%get3A_297, %get3A_298] {strides = array<i32>} : memref<256x64xf32, #tpu.memory_space<vmem>>, vector<16xf32>,
      %add3A_300 = arith.constant 1 : i32
      %add3A_301 = arith.addi %add3A_264, %add3A_300 : i32
      %get3A_302 = arith.index_cast %add3A_301 : i32 to index
      %get3A_303 = arith.constant 48 : index
      %get3A_304 = tpu.vector_load %arg4[%get3A_302, %get3A_303] {strides = array<i32>} : memref<256x64xf32, #tpu.memory_space<vmem>>, vector<16xf32>,
      %mul3A_305 = arith.constant 8.000000e+00 : f32
      %mul3A_306 = vector.broadcast %mul3A_305 : f32 to vector<16xf32>
      %mul3A_307 = arith.mulf %get3A_269, %mul3A_306 : vector<16xf32>
      %add3A_308 = arith.constant 0 : i32
      %add3A_309 = arith.addi %add3A_264, %add3A_308 : i32
      %swap3A_310 = arith.index_cast %add3A_309 : i32 to index
      %swap3A_311 = arith.constant 0 : index
      %swap3A_312 = tpu.vector_load %arg6[%swap3A_310, %swap3A_311] {strides = array<i32>} : memref<256x128xf32, #tpu.memory_space<vmem>>, vector<16xf32>,
      tpu.vector_store %arg6[%swap3A_310, %swap3A_311], %mul3A_307 {strides = array<i32>} : memref<256x128xf32, #tpu.memory_space<vmem>>, vector<16xf32>,
      %mul3A_313 = arith.constant 8.000000e+00 : f32
      %mul3A_314 = vector.broadcast %mul3A_313 : f32 to vector<16xf32>
      %mul3A_315 = arith.mulf %get3A_274, %mul3A_314 : vector<16xf32>
      %add3A_316 = arith.constant 0 : i32
      %add3A_317 = arith.addi %add3A_264, %add3A_316 : i32
      %swap3A_318 = arith.index_cast %add3A_317 : i32 to index
      %swap3A_319 = arith.constant 16 : index
      %swap3A_320 = tpu.vector_load %arg6[%swap3A_318, %swap3A_319] {strides = array<i32>} : memref<256x128xf32, #tpu.memory_space<vmem>>, vector<16xf32>,
      tpu.vector_store %arg6[%swap3A_318, %swap3A_319], %mul3A_315 {strides = array<i32>} : memref<256x128xf32, #tpu.memory_space<vmem>>, vector<16xf32>,
      %mul3A_321 = arith.constant 8.000000e+00 : f32
      %mul3A_322 = vector.broadcast %mul3A_321 : f32 to vector<16xf32>
      %mul3A_323 = arith.mulf %get3A_279, %mul3A_322 : vector<16xf32>
      %add3A_324 = arith.constant 0 : i32
      %add3A_325 = arith.addi %add3A_264, %add3A_324 : i32
      %swap3A_326 = arith.index_cast %add3A_325 : i32 to index
      %swap3A_327 = arith.constant 32 : index
      %swap3A_328 = tpu.vector_load %arg6[%swap3A_326, %swap3A_327] {strides = array<i32>} : memref<256x128xf32, #tpu.memory_space<vmem>>, vector<16xf32>,
      tpu.vector_store %arg6[%swap3A_326, %swap3A_327], %mul3A_323 {strides = array<i32>} : memref<256x128xf32, #tpu.memory_space<vmem>>, vector<16xf32>,
      %mul3A_329 = arith.constant 8.000000e+00 : f32
      %mul3A_330 = vector.broadcast %mul3A_329 : f32 to vector<16xf32>
      %mul3A_331 = arith.mulf %get3A_284, %mul3A_330 : vector<16xf32>
      %add3A_332 = arith.constant 0 : i32
      %add3A_333 = arith.addi %add3A_264, %add3A_332 : i32
      %swap3A_334 = arith.index_cast %add3A_333 : i32 to index
      %swap3A_335 = arith.constant 48 : index
      %swap3A_336 = tpu.vector_load %arg6[%swap3A_334, %swap3A_335] {strides = array<i32>} : memref<256x128xf32, #tpu.memory_space<vmem>>, vector<16xf32>,
      tpu.vector_store %arg6[%swap3A_334, %swap3A_335], %mul3A_331 {strides = array<i32>} : memref<256x128xf32, #tpu.memory_space<vmem>>, vector<16xf32>,
      %mul3A_337 = arith.constant 8.000000e+00 : f32
      %mul3A_338 = vector.broadcast %mul3A_337 : f32 to vector<16xf32>
      %mul3A_339 = arith.mulf %get3A_289, %mul3A_338 : vector<16xf32>
      %add3A_340 = arith.constant 1 : i32
      %add3A_341 = arith.addi %add3A_264, %add3A_340 : i32
      %swap3A_342 = arith.index_cast %add3A_341 : i32 to index
      %swap3A_343 = arith.constant 0 : index
      %swap3A_344 = tpu.vector_load %arg6[%swap3A_342, %swap3A_343] {strides = array<i32>} : memref<256x128xf32, #tpu.memory_space<vmem>>, vector<16xf32>,
      tpu.vector_store %arg6[%swap3A_342, %swap3A_343], %mul3A_339 {strides = array<i32>} : memref<256x128xf32, #tpu.memory_space<vmem>>, vector<16xf32>,
      %mul3A_345 = arith.constant 8.000000e+00 : f32
      %mul3A_346 = vector.broadcast %mul3A_345 : f32 to vector<16xf32>
      %mul3A_347 = arith.mulf %get3A_294, %mul3A_346 : vector<16xf32>
      %add3A_348 = arith.constant 1 : i32
      %add3A_349 = arith.addi %add3A_264, %add3A_348 : i32
      %swap3A_350 = arith.index_cast %add3A_349 : i32 to index
      %swap3A_351 = arith.constant 16 : index
      %swap3A_352 = tpu.vector_load %arg6[%swap3A_350, %swap3A_351] {strides = array<i32>} : memref<256x128xf32, #tpu.memory_space<vmem>>, vector<16xf32>,
      tpu.vector_store %arg6[%swap3A_350, %swap3A_351], %mul3A_347 {strides = array<i32>} : memref<256x128xf32, #tpu.memory_space<vmem>>, vector<16xf32>,
      %mul3A_353 = arith.constant 8.000000e+00 : f32
      %mul3A_354 = vector.broadcast %mul3A_353 : f32 to vector<16xf32>
      %mul3A_355 = arith.mulf %get3A_299, %mul3A_354 : vector<16xf32>
      %add3A_356 = arith.constant 1 : i32
      %add3A_357 = arith.addi %add3A_264, %add3A_356 : i32
      %swap3A_358 = arith.index_cast %add3A_357 : i32 to index
      %swap3A_359 = arith.constant 32 : index
      %swap3A_360 = tpu.vector_load %arg6[%swap3A_358, %swap3A_359] {strides = array<i32>} : memref<256x128xf32, #tpu.memory_space<vmem>>, vector<16xf32>,
      tpu.vector_store %arg6[%swap3A_358, %swap3A_359], %mul3A_355 {strides = array<i32>} : memref<256x128xf32, #tpu.memory_space<vmem>>, vector<16xf32>,
      %mul3A_361 = arith.constant 8.000000e+00 : f32
      %mul3A_362 = vector.broadcast %mul3A_361 : f32 to vector<16xf32>
      %mul3A_363 = arith.mulf %get3A_304, %mul3A_362 : vector<16xf32>
      %add3A_364 = arith.constant 1 : i32
      %add3A_365 = arith.addi %add3A_264, %add3A_364 : i32
      %swap3A_366 = arith.index_cast %add3A_365 : i32 to index
      %swap3A_367 = arith.constant 48 : index
      %swap3A_368 = tpu.vector_load %arg6[%swap3A_366, %swap3A_367] {strides = array<i32>} : memref<256x128xf32, #tpu.memory_space<vmem>>, vector<16xf32>,
      tpu.vector_store %arg6[%swap3A_366, %swap3A_367], %mul3A_363 {strides = array<i32>} : memref<256x128xf32, #tpu.memory_space<vmem>>, vector<16xf32>,
    }
    %scan3A_100 = arith.constant 128 : i32
    %add3A_101 = arith.constant 3904 : i32
    %add3A_102 = arith.addi %add3A, %add3A_101 : i32
    %min3A_103 = arith.constant 3905 : i32
    %min3A_104 = arith.minsi %add3A_102, %min3A_103 : i32
    %mul3A_105 = arith.constant 256 : i32
    %mul3A_106 = arith.muli %min3A_104, %mul3A_105 : i32
    %dma_start3A_107 = arith.constant 0 : i32
    %dma_start3A_108 = tpu.memref_slice %arg3[%mul3A_106, %dma_start3A_107] : memref<1000000x128xf32, #tpu.memory_space<hbm>> -> memref<256x128xf32, #tpu.memory_space<hbm>>
    %dma_start3A_109 = arith.constant 0 : i32
    %dma_start3A_110 = tpu.memref_slice %arg3[%mul3A_106, %dma_start3A_109] : memref<1000000x128xf32, #tpu.memory_space<hbm>> -> memref<256x128xf32, #tpu.memory_space<hbm>>
    tpu.enqueue_dma source(%arg6 : memref<256x128xf32, #tpu.memory_space<vmem>>) target(%dma_start3A_110 : memref<256x128xf32, #tpu.memory_space<hbm>>) target_semaphore(%arg10 : memref<!tpu.dma_semaphore, #tpu.memory_space<semaphore_mem>>)
    %dma_wait3A_111 = arith.constant 0 : i32
    %dma_wait3A_112 = arith.constant 0 : i32
    %dma_wait3A_113 = tpu.memref_slice %arg2[%dma_wait3A_111, %dma_wait3A_112] : memref<1000000x64xf32, #tpu.memory_space<hbm>> -> memref<256x64xf32, #tpu.memory_space<hbm>>
    %dma_wait3A_114 = arith.constant 0 : i32
    %dma_wait3A_115 = arith.constant 0 : i32
    %dma_wait3A_116 = tpu.memref_slice %arg2[%dma_wait3A_114, %dma_wait3A_115] : memref<1000000x64xf32, #tpu.memory_space<hbm>> -> memref<256x64xf32, #tpu.memory_space<hbm>>
    tpu.wait_dma2 semaphore(%arg9 : memref<!tpu.dma_semaphore, #tpu.memory_space<semaphore_mem>>) src(%dma_wait3A_116 : memref<256x64xf32, #tpu.memory_space<hbm>>) dst(%arg5 : memref<256x64xf32, #tpu.memory_space<vmem>>)
    %dma_wait3A_117 = arith.constant 0 : i32
    %dma_wait3A_118 = arith.constant 0 : i32
    %dma_wait3A_119 = tpu.memref_slice %arg3[%dma_wait3A_117, %dma_wait3A_118] : memref<1000000x128xf32, #tpu.memory_space<hbm>> -> memref<256x128xf32, #tpu.memory_space<hbm>>
    %dma_wait3A_120 = arith.constant 0 : i32
    %dma_wait3A_121 = arith.constant 0 : i32
    %dma_wait3A_122 = tpu.memref_slice %arg3[%dma_wait3A_120, %dma_wait3A_121] : memref<1000000x128xf32, #tpu.memory_space<hbm>> -> memref<256x128xf32, #tpu.memory_space<hbm>>
    tpu.wait_dma2 semaphore(%arg11 : memref<!tpu.dma_semaphore, #tpu.memory_space<semaphore_mem>>) src(%arg7 : memref<256x128xf32, #tpu.memory_space<vmem>>) dst(%dma_wait3A_122 : memref<256x128xf32, #tpu.memory_space<hbm>>)
    %scan3A_123 = arith.constant 0 : i32
    %scan3A_124 = arith.constant 128 : i32
    %scan3A_125 = arith.addi %scan3A_123, %scan3A_124 : i32
    %scan3A_126 = arith.constant 2 : i32
    scf.for %scan3A_152 = %scan3A_123 to %scan3A_125 step %scan3A_126  : i32 {
      %mul3A_153 = arith.constant 2 : i32
      %mul3A_154 = arith.muli %scan3A_152, %mul3A_153 : i32
      %add3A_155 = arith.constant 0 : i32
      %add3A_156 = arith.addi %add3A_155, %mul3A_154 : i32
      %add3A_157 = arith.constant 0 : i32
      %add3A_158 = arith.addi %add3A_156, %add3A_157 : i32
      %get3A = arith.index_cast %add3A_158 : i32 to index
      %get3A_159 = arith.constant 0 : index
      %get3A_160 = tpu.vector_load %arg5[%get3A, %get3A_159] {strides = array<i32>} : memref<256x64xf32, #tpu.memory_space<vmem>>, vector<16xf32>,
      %add3A_161 = arith.constant 0 : i32
      %add3A_162 = arith.addi %add3A_156, %add3A_161 : i32
      %get3A_163 = arith.index_cast %add3A_162 : i32 to index
      %get3A_164 = arith.constant 16 : index
      %get3A_165 = tpu.vector_load %arg5[%get3A_163, %get3A_164] {strides = array<i32>} : memref<256x64xf32, #tpu.memory_space<vmem>>, vector<16xf32>,
      %add3A_166 = arith.constant 0 : i32
      %add3A_167 = arith.addi %add3A_156, %add3A_166 : i32
      %get3A_168 = arith.index_cast %add3A_167 : i32 to index
      %get3A_169 = arith.constant 32 : index
      %get3A_170 = tpu.vector_load %arg5[%get3A_168, %get3A_169] {strides = array<i32>} : memref<256x64xf32, #tpu.memory_space<vmem>>, vector<16xf32>,
      %add3A_171 = arith.constant 0 : i32
      %add3A_172 = arith.addi %add3A_156, %add3A_171 : i32
      %get3A_173 = arith.index_cast %add3A_172 : i32 to index
      %get3A_174 = arith.constant 48 : index
      %get3A_175 = tpu.vector_load %arg5[%get3A_173, %get3A_174] {strides = array<i32>} : memref<256x64xf32, #tpu.memory_space<vmem>>, vector<16xf32>,
      %add3A_176 = arith.constant 1 : i32
      %add3A_177 = arith.addi %add3A_156, %add3A_176 : i32
      %get3A_178 = arith.index_cast %add3A_177 : i32 to index
      %get3A_179 = arith.constant 0 : index
      %get3A_180 = tpu.vector_load %arg5[%get3A_178, %get3A_179] {strides = array<i32>} : memref<256x64xf32, #tpu.memory_space<vmem>>, vector<16xf32>,
      %add3A_181 = arith.constant 1 : i32
      %add3A_182 = arith.addi %add3A_156, %add3A_181 : i32
      %get3A_183 = arith.index_cast %add3A_182 : i32 to index
      %get3A_184 = arith.constant 16 : index
      %get3A_185 = tpu.vector_load %arg5[%get3A_183, %get3A_184] {strides = array<i32>} : memref<256x64xf32, #tpu.memory_space<vmem>>, vector<16xf32>,
      %add3A_186 = arith.constant 1 : i32
      %add3A_187 = arith.addi %add3A_156, %add3A_186 : i32
      %get3A_188 = arith.index_cast %add3A_187 : i32 to index
      %get3A_189 = arith.constant 32 : index
      %get3A_190 = tpu.vector_load %arg5[%get3A_188, %get3A_189] {strides = array<i32>} : memref<256x64xf32, #tpu.memory_space<vmem>>, vector<16xf32>,
      %add3A_191 = arith.constant 1 : i32
      %add3A_192 = arith.addi %add3A_156, %add3A_191 : i32
      %get3A_193 = arith.index_cast %add3A_192 : i32 to index
      %get3A_194 = arith.constant 48 : index
      %get3A_195 = tpu.vector_load %arg5[%get3A_193, %get3A_194] {strides = array<i32>} : memref<256x64xf32, #tpu.memory_space<vmem>>, vector<16xf32>,
      %mul3A_196 = arith.constant 8.000000e+00 : f32
      %mul3A_197 = vector.broadcast %mul3A_196 : f32 to vector<16xf32>
      %mul3A_198 = arith.mulf %get3A_160, %mul3A_197 : vector<16xf32>
      %add3A_199 = arith.constant 0 : i32
      %add3A_200 = arith.addi %add3A_156, %add3A_199 : i32
      %swap3A = arith.index_cast %add3A_200 : i32 to index
      %swap3A_201 = arith.constant 0 : index
      %swap3A_202 = tpu.vector_load %arg7[%swap3A, %swap3A_201] {strides = array<i32>} : memref<256x128xf32, #tpu.memory_space<vmem>>, vector<16xf32>,
      tpu.vector_store %arg7[%swap3A, %swap3A_201], %mul3A_198 {strides = array<i32>} : memref<256x128xf32, #tpu.memory_space<vmem>>, vector<16xf32>,
      %mul3A_203 = arith.constant 8.000000e+00 : f32
      %mul3A_204 = vector.broadcast %mul3A_203 : f32 to vector<16xf32>
      %mul3A_205 = arith.mulf %get3A_165, %mul3A_204 : vector<16xf32>
      %add3A_206 = arith.constant 0 : i32
      %add3A_207 = arith.addi %add3A_156, %add3A_206 : i32
      %swap3A_208 = arith.index_cast %add3A_207 : i32 to index
      %swap3A_209 = arith.constant 16 : index
      %swap3A_210 = tpu.vector_load %arg7[%swap3A_208, %swap3A_209] {strides = array<i32>} : memref<256x128xf32, #tpu.memory_space<vmem>>, vector<16xf32>,
      tpu.vector_store %arg7[%swap3A_208, %swap3A_209], %mul3A_205 {strides = array<i32>} : memref<256x128xf32, #tpu.memory_space<vmem>>, vector<16xf32>,
      %mul3A_211 = arith.constant 8.000000e+00 : f32
      %mul3A_212 = vector.broadcast %mul3A_211 : f32 to vector<16xf32>
      %mul3A_213 = arith.mulf %get3A_170, %mul3A_212 : vector<16xf32>
      %add3A_214 = arith.constant 0 : i32
      %add3A_215 = arith.addi %add3A_156, %add3A_214 : i32
      %swap3A_216 = arith.index_cast %add3A_215 : i32 to index
      %swap3A_217 = arith.constant 32 : index
      %swap3A_218 = tpu.vector_load %arg7[%swap3A_216, %swap3A_217] {strides = array<i32>} : memref<256x128xf32, #tpu.memory_space<vmem>>, vector<16xf32>,
      tpu.vector_store %arg7[%swap3A_216, %swap3A_217], %mul3A_213 {strides = array<i32>} : memref<256x128xf32, #tpu.memory_space<vmem>>, vector<16xf32>,
      %mul3A_219 = arith.constant 8.000000e+00 : f32
      %mul3A_220 = vector.broadcast %mul3A_219 : f32 to vector<16xf32>
      %mul3A_221 = arith.mulf %get3A_175, %mul3A_220 : vector<16xf32>
      %add3A_222 = arith.constant 0 : i32
      %add3A_223 = arith.addi %add3A_156, %add3A_222 : i32
      %swap3A_224 = arith.index_cast %add3A_223 : i32 to index
      %swap3A_225 = arith.constant 48 : index
      %swap3A_226 = tpu.vector_load %arg7[%swap3A_224, %swap3A_225] {strides = array<i32>} : memref<256x128xf32, #tpu.memory_space<vmem>>, vector<16xf32>,
      tpu.vector_store %arg7[%swap3A_224, %swap3A_225], %mul3A_221 {strides = array<i32>} : memref<256x128xf32, #tpu.memory_space<vmem>>, vector<16xf32>,
      %mul3A_227 = arith.constant 8.000000e+00 : f32
      %mul3A_228 = vector.broadcast %mul3A_227 : f32 to vector<16xf32>
      %mul3A_229 = arith.mulf %get3A_180, %mul3A_228 : vector<16xf32>
      %add3A_230 = arith.constant 1 : i32
      %add3A_231 = arith.addi %add3A_156, %add3A_230 : i32
      %swap3A_232 = arith.index_cast %add3A_231 : i32 to index
      %swap3A_233 = arith.constant 0 : index
      %swap3A_234 = tpu.vector_load %arg7[%swap3A_232, %swap3A_233] {strides = array<i32>} : memref<256x128xf32, #tpu.memory_space<vmem>>, vector<16xf32>,
      tpu.vector_store %arg7[%swap3A_232, %swap3A_233], %mul3A_229 {strides = array<i32>} : memref<256x128xf32, #tpu.memory_space<vmem>>, vector<16xf32>,
      %mul3A_235 = arith.constant 8.000000e+00 : f32
      %mul3A_236 = vector.broadcast %mul3A_235 : f32 to vector<16xf32>
      %mul3A_237 = arith.mulf %get3A_185, %mul3A_236 : vector<16xf32>
      %add3A_238 = arith.constant 1 : i32
      %add3A_239 = arith.addi %add3A_156, %add3A_238 : i32
      %swap3A_240 = arith.index_cast %add3A_239 : i32 to index
      %swap3A_241 = arith.constant 16 : index
      %swap3A_242 = tpu.vector_load %arg7[%swap3A_240, %swap3A_241] {strides = array<i32>} : memref<256x128xf32, #tpu.memory_space<vmem>>, vector<16xf32>,
      tpu.vector_store %arg7[%swap3A_240, %swap3A_241], %mul3A_237 {strides = array<i32>} : memref<256x128xf32, #tpu.memory_space<vmem>>, vector<16xf32>,
      %mul3A_243 = arith.constant 8.000000e+00 : f32
      %mul3A_244 = vector.broadcast %mul3A_243 : f32 to vector<16xf32>
      %mul3A_245 = arith.mulf %get3A_190, %mul3A_244 : vector<16xf32>
      %add3A_246 = arith.constant 1 : i32
      %add3A_247 = arith.addi %add3A_156, %add3A_246 : i32
      %swap3A_248 = arith.index_cast %add3A_247 : i32 to index
      %swap3A_249 = arith.constant 32 : index
      %swap3A_250 = tpu.vector_load %arg7[%swap3A_248, %swap3A_249] {strides = array<i32>} : memref<256x128xf32, #tpu.memory_space<vmem>>, vector<16xf32>,
      tpu.vector_store %arg7[%swap3A_248, %swap3A_249], %mul3A_245 {strides = array<i32>} : memref<256x128xf32, #tpu.memory_space<vmem>>, vector<16xf32>,
      %mul3A_251 = arith.constant 8.000000e+00 : f32
      %mul3A_252 = vector.broadcast %mul3A_251 : f32 to vector<16xf32>
      %mul3A_253 = arith.mulf %get3A_195, %mul3A_252 : vector<16xf32>
      %add3A_254 = arith.constant 1 : i32
      %add3A_255 = arith.addi %add3A_156, %add3A_254 : i32
      %swap3A_256 = arith.index_cast %add3A_255 : i32 to index
      %swap3A_257 = arith.constant 48 : index
      %swap3A_258 = tpu.vector_load %arg7[%swap3A_256, %swap3A_257] {strides = array<i32>} : memref<256x128xf32, #tpu.memory_space<vmem>>, vector<16xf32>,
      tpu.vector_store %arg7[%swap3A_256, %swap3A_257], %mul3A_253 {strides = array<i32>} : memref<256x128xf32, #tpu.memory_space<vmem>>, vector<16xf32>,
      %scan3A_259 = arith.constant 1 : i32
      %scan3A_260 = arith.addi %scan3A_152, %scan3A_259 : i32
      %mul3A_261 = arith.constant 2 : i32
      %mul3A_262 = arith.muli %scan3A_260, %mul3A_261 : i32
      %add3A_263 = arith.constant 0 : i32
      %add3A_264 = arith.addi %add3A_263, %mul3A_262 : i32
      %add3A_265 = arith.constant 0 : i32
      %add3A_266 = arith.addi %add3A_264, %add3A_265 : i32
      %get3A_267 = arith.index_cast %add3A_266 : i32 to index
      %get3A_268 = arith.constant 0 : index
      %get3A_269 = tpu.vector_load %arg5[%get3A_267, %get3A_268] {strides = array<i32>} : memref<256x64xf32, #tpu.memory_space<vmem>>, vector<16xf32>,
      %add3A_270 = arith.constant 0 : i32
      %add3A_271 = arith.addi %add3A_264, %add3A_270 : i32
      %get3A_272 = arith.index_cast %add3A_271 : i32 to index
      %get3A_273 = arith.constant 16 : index
      %get3A_274 = tpu.vector_load %arg5[%get3A_272, %get3A_273] {strides = array<i32>} : memref<256x64xf32, #tpu.memory_space<vmem>>, vector<16xf32>,
      %add3A_275 = arith.constant 0 : i32
      %add3A_276 = arith.addi %add3A_264, %add3A_275 : i32
      %get3A_277 = arith.index_cast %add3A_276 : i32 to index
      %get3A_278 = arith.constant 32 : index
      %get3A_279 = tpu.vector_load %arg5[%get3A_277, %get3A_278] {strides = array<i32>} : memref<256x64xf32, #tpu.memory_space<vmem>>, vector<16xf32>,
      %add3A_280 = arith.constant 0 : i32
      %add3A_281 = arith.addi %add3A_264, %add3A_280 : i32
      %get3A_282 = arith.index_cast %add3A_281 : i32 to index
      %get3A_283 = arith.constant 48 : index
      %get3A_284 = tpu.vector_load %arg5[%get3A_282, %get3A_283] {strides = array<i32>} : memref<256x64xf32, #tpu.memory_space<vmem>>, vector<16xf32>,
      %add3A_285 = arith.constant 1 : i32
      %add3A_286 = arith.addi %add3A_264, %add3A_285 : i32
      %get3A_287 = arith.index_cast %add3A_286 : i32 to index
      %get3A_288 = arith.constant 0 : index
      %get3A_289 = tpu.vector_load %arg5[%get3A_287, %get3A_288] {strides = array<i32>} : memref<256x64xf32, #tpu.memory_space<vmem>>, vector<16xf32>,
      %add3A_290 = arith.constant 1 : i32
      %add3A_291 = arith.addi %add3A_264, %add3A_290 : i32
      %get3A_292 = arith.index_cast %add3A_291 : i32 to index
      %get3A_293 = arith.constant 16 : index
      %get3A_294 = tpu.vector_load %arg5[%get3A_292, %get3A_293] {strides = array<i32>} : memref<256x64xf32, #tpu.memory_space<vmem>>, vector<16xf32>,
      %add3A_295 = arith.constant 1 : i32
      %add3A_296 = arith.addi %add3A_264, %add3A_295 : i32
      %get3A_297 = arith.index_cast %add3A_296 : i32 to index
      %get3A_298 = arith.constant 32 : index
      %get3A_299 = tpu.vector_load %arg5[%get3A_297, %get3A_298] {strides = array<i32>} : memref<256x64xf32, #tpu.memory_space<vmem>>, vector<16xf32>,
      %add3A_300 = arith.constant 1 : i32
      %add3A_301 = arith.addi %add3A_264, %add3A_300 : i32
      %get3A_302 = arith.index_cast %add3A_301 : i32 to index
      %get3A_303 = arith.constant 48 : index
      %get3A_304 = tpu.vector_load %arg5[%get3A_302, %get3A_303] {strides = array<i32>} : memref<256x64xf32, #tpu.memory_space<vmem>>, vector<16xf32>,
      %mul3A_305 = arith.constant 8.000000e+00 : f32
      %mul3A_306 = vector.broadcast %mul3A_305 : f32 to vector<16xf32>
      %mul3A_307 = arith.mulf %get3A_269, %mul3A_306 : vector<16xf32>
      %add3A_308 = arith.constant 0 : i32
      %add3A_309 = arith.addi %add3A_264, %add3A_308 : i32
      %swap3A_310 = arith.index_cast %add3A_309 : i32 to index
      %swap3A_311 = arith.constant 0 : index
      %swap3A_312 = tpu.vector_load %arg7[%swap3A_310, %swap3A_311] {strides = array<i32>} : memref<256x128xf32, #tpu.memory_space<vmem>>, vector<16xf32>,
      tpu.vector_store %arg7[%swap3A_310, %swap3A_311], %mul3A_307 {strides = array<i32>} : memref<256x128xf32, #tpu.memory_space<vmem>>, vector<16xf32>,
      %mul3A_313 = arith.constant 8.000000e+00 : f32
      %mul3A_314 = vector.broadcast %mul3A_313 : f32 to vector<16xf32>
      %mul3A_315 = arith.mulf %get3A_274, %mul3A_314 : vector<16xf32>
      %add3A_316 = arith.constant 0 : i32
      %add3A_317 = arith.addi %add3A_264, %add3A_316 : i32
      %swap3A_318 = arith.index_cast %add3A_317 : i32 to index
      %swap3A_319 = arith.constant 16 : index
      %swap3A_320 = tpu.vector_load %arg7[%swap3A_318, %swap3A_319] {strides = array<i32>} : memref<256x128xf32, #tpu.memory_space<vmem>>, vector<16xf32>,
      tpu.vector_store %arg7[%swap3A_318, %swap3A_319], %mul3A_315 {strides = array<i32>} : memref<256x128xf32, #tpu.memory_space<vmem>>, vector<16xf32>,
      %mul3A_321 = arith.constant 8.000000e+00 : f32
      %mul3A_322 = vector.broadcast %mul3A_321 : f32 to vector<16xf32>
      %mul3A_323 = arith.mulf %get3A_279, %mul3A_322 : vector<16xf32>
      %add3A_324 = arith.constant 0 : i32
      %add3A_325 = arith.addi %add3A_264, %add3A_324 : i32
      %swap3A_326 = arith.index_cast %add3A_325 : i32 to index
      %swap3A_327 = arith.constant 32 : index
      %swap3A_328 = tpu.vector_load %arg7[%swap3A_326, %swap3A_327] {strides = array<i32>} : memref<256x128xf32, #tpu.memory_space<vmem>>, vector<16xf32>,
      tpu.vector_store %arg7[%swap3A_326, %swap3A_327], %mul3A_323 {strides = array<i32>} : memref<256x128xf32, #tpu.memory_space<vmem>>, vector<16xf32>,
      %mul3A_329 = arith.constant 8.000000e+00 : f32
      %mul3A_330 = vector.broadcast %mul3A_329 : f32 to vector<16xf32>
      %mul3A_331 = arith.mulf %get3A_284, %mul3A_330 : vector<16xf32>
      %add3A_332 = arith.constant 0 : i32
      %add3A_333 = arith.addi %add3A_264, %add3A_332 : i32
      %swap3A_334 = arith.index_cast %add3A_333 : i32 to index
      %swap3A_335 = arith.constant 48 : index
      %swap3A_336 = tpu.vector_load %arg7[%swap3A_334, %swap3A_335] {strides = array<i32>} : memref<256x128xf32, #tpu.memory_space<vmem>>, vector<16xf32>,
      tpu.vector_store %arg7[%swap3A_334, %swap3A_335], %mul3A_331 {strides = array<i32>} : memref<256x128xf32, #tpu.memory_space<vmem>>, vector<16xf32>,
      %mul3A_337 = arith.constant 8.000000e+00 : f32
      %mul3A_338 = vector.broadcast %mul3A_337 : f32 to vector<16xf32>
      %mul3A_339 = arith.mulf %get3A_289, %mul3A_338 : vector<16xf32>
      %add3A_340 = arith.constant 1 : i32
      %add3A_341 = arith.addi %add3A_264, %add3A_340 : i32
      %swap3A_342 = arith.index_cast %add3A_341 : i32 to index
      %swap3A_343 = arith.constant 0 : index
      %swap3A_344 = tpu.vector_load %arg7[%swap3A_342, %swap3A_343] {strides = array<i32>} : memref<256x128xf32, #tpu.memory_space<vmem>>, vector<16xf32>,
      tpu.vector_store %arg7[%swap3A_342, %swap3A_343], %mul3A_339 {strides = array<i32>} : memref<256x128xf32, #tpu.memory_space<vmem>>, vector<16xf32>,
      %mul3A_345 = arith.constant 8.000000e+00 : f32
      %mul3A_346 = vector.broadcast %mul3A_345 : f32 to vector<16xf32>
      %mul3A_347 = arith.mulf %get3A_294, %mul3A_346 : vector<16xf32>
      %add3A_348 = arith.constant 1 : i32
      %add3A_349 = arith.addi %add3A_264, %add3A_348 : i32
      %swap3A_350 = arith.index_cast %add3A_349 : i32 to index
      %swap3A_351 = arith.constant 16 : index
      %swap3A_352 = tpu.vector_load %arg7[%swap3A_350, %swap3A_351] {strides = array<i32>} : memref<256x128xf32, #tpu.memory_space<vmem>>, vector<16xf32>,
      tpu.vector_store %arg7[%swap3A_350, %swap3A_351], %mul3A_347 {strides = array<i32>} : memref<256x128xf32, #tpu.memory_space<vmem>>, vector<16xf32>,
      %mul3A_353 = arith.constant 8.000000e+00 : f32
      %mul3A_354 = vector.broadcast %mul3A_353 : f32 to vector<16xf32>
      %mul3A_355 = arith.mulf %get3A_299, %mul3A_354 : vector<16xf32>
      %add3A_356 = arith.constant 1 : i32
      %add3A_357 = arith.addi %add3A_264, %add3A_356 : i32
      %swap3A_358 = arith.index_cast %add3A_357 : i32 to index
      %swap3A_359 = arith.constant 32 : index
      %swap3A_360 = tpu.vector_load %arg7[%swap3A_358, %swap3A_359] {strides = array<i32>} : memref<256x128xf32, #tpu.memory_space<vmem>>, vector<16xf32>,
      tpu.vector_store %arg7[%swap3A_358, %swap3A_359], %mul3A_355 {strides = array<i32>} : memref<256x128xf32, #tpu.memory_space<vmem>>, vector<16xf32>,
      %mul3A_361 = arith.constant 8.000000e+00 : f32
      %mul3A_362 = vector.broadcast %mul3A_361 : f32 to vector<16xf32>
      %mul3A_363 = arith.mulf %get3A_304, %mul3A_362 : vector<16xf32>
      %add3A_364 = arith.constant 1 : i32
      %add3A_365 = arith.addi %add3A_264, %add3A_364 : i32
      %swap3A_366 = arith.index_cast %add3A_365 : i32 to index
      %swap3A_367 = arith.constant 48 : index
      %swap3A_368 = tpu.vector_load %arg7[%swap3A_366, %swap3A_367] {strides = array<i32>} : memref<256x128xf32, #tpu.memory_space<vmem>>, vector<16xf32>,
      tpu.vector_store %arg7[%swap3A_366, %swap3A_367], %mul3A_363 {strides = array<i32>} : memref<256x128xf32, #tpu.memory_space<vmem>>, vector<16xf32>,
    }
    %scan3A_127 = arith.constant 128 : i32
    %add3A_128 = arith.constant 3936 : i32
    %add3A_129 = arith.addi %add3A, %add3A_128 : i32
    %min3A_130 = arith.constant 3905 : i32
    %min3A_131 = arith.minsi %add3A_129, %min3A_130 : i32
    %mul3A_132 = arith.constant 256 : i32
    %mul3A_133 = arith.muli %min3A_131, %mul3A_132 : i32
    %dma_start3A_134 = arith.constant 0 : i32
    %dma_start3A_135 = tpu.memref_slice %arg3[%mul3A_133, %dma_start3A_134] : memref<1000000x128xf32, #tpu.memory_space<hbm>> -> memref<256x128xf32, #tpu.memory_space<hbm>>
    %dma_start3A_136 = arith.constant 0 : i32
    %dma_start3A_137 = tpu.memref_slice %arg3[%mul3A_133, %dma_start3A_136] : memref<1000000x128xf32, #tpu.memory_space<hbm>> -> memref<256x128xf32, #tpu.memory_space<hbm>>
    tpu.enqueue_dma source(%arg7 : memref<256x128xf32, #tpu.memory_space<vmem>>) target(%dma_start3A_137 : memref<256x128xf32, #tpu.memory_space<hbm>>) target_semaphore(%arg11 : memref<!tpu.dma_semaphore, #tpu.memory_space<semaphore_mem>>)
    %dma_wait3A_138 = arith.constant 0 : i32
    %dma_wait3A_139 = arith.constant 0 : i32
    %dma_wait3A_140 = tpu.memref_slice %arg3[%dma_wait3A_138, %dma_wait3A_139] : memref<1000000x128xf32, #tpu.memory_space<hbm>> -> memref<256x128xf32, #tpu.memory_space<hbm>>
    %dma_wait3A_141 = arith.constant 0 : i32
    %dma_wait3A_142 = arith.constant 0 : i32
    %dma_wait3A_143 = tpu.memref_slice %arg3[%dma_wait3A_141, %dma_wait3A_142] : memref<1000000x128xf32, #tpu.memory_space<hbm>> -> memref<256x128xf32, #tpu.memory_space<hbm>>
    tpu.wait_dma2 semaphore(%arg10 : memref<!tpu.dma_semaphore, #tpu.memory_space<semaphore_mem>>) src(%arg6 : memref<256x128xf32, #tpu.memory_space<vmem>>) dst(%dma_wait3A_143 : memref<256x128xf32, #tpu.memory_space<hbm>>)
    %dma_wait3A_144 = arith.constant 0 : i32
    %dma_wait3A_145 = arith.constant 0 : i32
    %dma_wait3A_146 = tpu.memref_slice %arg3[%dma_wait3A_144, %dma_wait3A_145] : memref<1000000x128xf32, #tpu.memory_space<hbm>> -> memref<256x128xf32, #tpu.memory_space<hbm>>
    %dma_wait3A_147 = arith.constant 0 : i32
    %dma_wait3A_148 = arith.constant 0 : i32
    %dma_wait3A_149 = tpu.memref_slice %arg3[%dma_wait3A_147, %dma_wait3A_148] : memref<1000000x128xf32, #tpu.memory_space<hbm>> -> memref<256x128xf32, #tpu.memory_space<hbm>>
    tpu.wait_dma2 semaphore(%arg11 : memref<!tpu.dma_semaphore, #tpu.memory_space<semaphore_mem>>) src(%arg7 : memref<256x128xf32, #tpu.memory_space<vmem>>) dst(%dma_wait3A_149 : memref<256x128xf32, #tpu.memory_space<hbm>>)
    %eq3A = arith.constant 0 : i32
    %eq3A_150 = arith.cmpi eq, %add3A, %eq3A : i32
    %convert_element_type3A = arith.extui %eq3A_150 : i1 to i32
    %cond3A = arith.constant 0 : i32
    %cond3A_151 = arith.cmpi ne, %convert_element_type3A, %cond3A : i32
    scf.if %cond3A_151 {
      "tpu.region"() ({
        %run_scoped3A = tpu.sem_alloc : memref<!tpu.dma_semaphore, #tpu.memory_space<semaphore_mem>>
        %dma_start3A_157 = arith.constant 0 : i32
        %dma_start3A_158 = arith.constant 0 : i32
        %dma_start3A_159 = tpu.memref_slice %arg4[%dma_start3A_157, %dma_start3A_158] : memref<256x64xf32, #tpu.memory_space<vmem>> -> memref<64x64xf32, #tpu.memory_space<vmem>>
        %dma_start3A_160 = arith.constant 999936 : i32
        %dma_start3A_161 = arith.constant 0 : i32
        %dma_start3A_162 = tpu.memref_slice %arg2[%dma_start3A_160, %dma_start3A_161] : memref<1000000x64xf32, #tpu.memory_space<hbm>> -> memref<64x64xf32, #tpu.memory_space<hbm>>
        %dma_start3A_163 = arith.constant 0 : i32
        %dma_start3A_164 = arith.constant 0 : i32
        %dma_start3A_165 = tpu.memref_slice %arg4[%dma_start3A_163, %dma_start3A_164] : memref<256x64xf32, #tpu.memory_space<vmem>> -> memref<64x64xf32, #tpu.memory_space<vmem>>
        %dma_start3A_166 = arith.constant 999936 : i32
        %dma_start3A_167 = arith.constant 0 : i32
        %dma_start3A_168 = tpu.memref_slice %arg2[%dma_start3A_166, %dma_start3A_167] : memref<1000000x64xf32, #tpu.memory_space<hbm>> -> memref<64x64xf32, #tpu.memory_space<hbm>>
        tpu.enqueue_dma source(%dma_start3A_168 : memref<64x64xf32, #tpu.memory_space<hbm>>) target(%dma_start3A_165 : memref<64x64xf32, #tpu.memory_space<vmem>>) target_semaphore(%run_scoped3A : memref<!tpu.dma_semaphore, #tpu.memory_space<semaphore_mem>>)
        %dma_wait3A_169 = arith.constant 0 : i32
        %dma_wait3A_170 = arith.constant 0 : i32
        %dma_wait3A_171 = tpu.memref_slice %arg4[%dma_wait3A_169, %dma_wait3A_170] : memref<256x64xf32, #tpu.memory_space<vmem>> -> memref<64x64xf32, #tpu.memory_space<vmem>>
        %dma_wait3A_172 = arith.constant 999936 : i32
        %dma_wait3A_173 = arith.constant 0 : i32
        %dma_wait3A_174 = tpu.memref_slice %arg2[%dma_wait3A_172, %dma_wait3A_173] : memref<1000000x64xf32, #tpu.memory_space<hbm>> -> memref<64x64xf32, #tpu.memory_space<hbm>>
        %dma_wait3A_175 = arith.constant 0 : i32
        %dma_wait3A_176 = arith.constant 0 : i32
        %dma_wait3A_177 = tpu.memref_slice %arg4[%dma_wait3A_175, %dma_wait3A_176] : memref<256x64xf32, #tpu.memory_space<vmem>> -> memref<64x64xf32, #tpu.memory_space<vmem>>
        %dma_wait3A_178 = arith.constant 999936 : i32
        %dma_wait3A_179 = arith.constant 0 : i32
        %dma_wait3A_180 = tpu.memref_slice %arg2[%dma_wait3A_178, %dma_wait3A_179] : memref<1000000x64xf32, #tpu.memory_space<hbm>> -> memref<64x64xf32, #tpu.memory_space<hbm>>
        tpu.wait_dma2 semaphore(%run_scoped3A : memref<!tpu.dma_semaphore, #tpu.memory_space<semaphore_mem>>) src(%dma_wait3A_180 : memref<64x64xf32, #tpu.memory_space<hbm>>) dst(%dma_wait3A_177 : memref<64x64xf32, #tpu.memory_space<vmem>>)
        tpu.yield
      }) : () -> ()
      %scan3A_152 = arith.constant 0 : i32
      %scan3A_153 = arith.constant 64 : i32
      %scan3A_154 = arith.addi %scan3A_152, %scan3A_153 : i32
      %scan3A_155 = arith.constant 1 : i32
      scf.for %scan3A_157 = %scan3A_152 to %scan3A_154 step %scan3A_155  : i32 {
        %mul3A_158 = arith.constant 1 : i32
        %mul3A_159 = arith.muli %scan3A_157, %mul3A_158 : i32
        %add3A_160 = arith.constant 0 : i32
        %add3A_161 = arith.addi %add3A_160, %mul3A_159 : i32
        %get3A = arith.index_cast %add3A_161 : i32 to index
        %get3A_162 = arith.constant 0 : index
        %get3A_163 = tpu.vector_load %arg4[%get3A, %get3A_162] {strides = array<i32>} : memref<256x64xf32, #tpu.memory_space<vmem>>, vector<16xf32>,
        %mul3A_164 = arith.constant 8.000000e+00 : f32
        %mul3A_165 = vector.broadcast %mul3A_164 : f32 to vector<16xf32>
        %mul3A_166 = arith.mulf %get3A_163, %mul3A_165 : vector<16xf32>
        %swap3A = arith.index_cast %add3A_161 : i32 to index
        %swap3A_167 = arith.constant 0 : index
        %swap3A_168 = tpu.vector_load %arg6[%swap3A, %swap3A_167] {strides = array<i32>} : memref<256x128xf32, #tpu.memory_space<vmem>>, vector<16xf32>,
        tpu.vector_store %arg6[%swap3A, %swap3A_167], %mul3A_166 {strides = array<i32>} : memref<256x128xf32, #tpu.memory_space<vmem>>, vector<16xf32>,
        %get3A_169 = arith.index_cast %add3A_161 : i32 to index
        %get3A_170 = arith.constant 16 : index
        %get3A_171 = tpu.vector_load %arg4[%get3A_169, %get3A_170] {strides = array<i32>} : memref<256x64xf32, #tpu.memory_space<vmem>>, vector<16xf32>,
        %mul3A_172 = arith.constant 8.000000e+00 : f32
        %mul3A_173 = vector.broadcast %mul3A_172 : f32 to vector<16xf32>
        %mul3A_174 = arith.mulf %get3A_171, %mul3A_173 : vector<16xf32>
        %swap3A_175 = arith.index_cast %add3A_161 : i32 to index
        %swap3A_176 = arith.constant 16 : index
        %swap3A_177 = tpu.vector_load %arg6[%swap3A_175, %swap3A_176] {strides = array<i32>} : memref<256x128xf32, #tpu.memory_space<vmem>>, vector<16xf32>,
        tpu.vector_store %arg6[%swap3A_175, %swap3A_176], %mul3A_174 {strides = array<i32>} : memref<256x128xf32, #tpu.memory_space<vmem>>, vector<16xf32>,
        %get3A_178 = arith.index_cast %add3A_161 : i32 to index
        %get3A_179 = arith.constant 32 : index
        %get3A_180 = tpu.vector_load %arg4[%get3A_178, %get3A_179] {strides = array<i32>} : memref<256x64xf32, #tpu.memory_space<vmem>>, vector<16xf32>,
        %mul3A_181 = arith.constant 8.000000e+00 : f32
        %mul3A_182 = vector.broadcast %mul3A_181 : f32 to vector<16xf32>
        %mul3A_183 = arith.mulf %get3A_180, %mul3A_182 : vector<16xf32>
        %swap3A_184 = arith.index_cast %add3A_161 : i32 to index
        %swap3A_185 = arith.constant 32 : index
        %swap3A_186 = tpu.vector_load %arg6[%swap3A_184, %swap3A_185] {strides = array<i32>} : memref<256x128xf32, #tpu.memory_space<vmem>>, vector<16xf32>,
        tpu.vector_store %arg6[%swap3A_184, %swap3A_185], %mul3A_183 {strides = array<i32>} : memref<256x128xf32, #tpu.memory_space<vmem>>, vector<16xf32>,
        %get3A_187 = arith.index_cast %add3A_161 : i32 to index
        %get3A_188 = arith.constant 48 : index
        %get3A_189 = tpu.vector_load %arg4[%get3A_187, %get3A_188] {strides = array<i32>} : memref<256x64xf32, #tpu.memory_space<vmem>>, vector<16xf32>,
        %mul3A_190 = arith.constant 8.000000e+00 : f32
        %mul3A_191 = vector.broadcast %mul3A_190 : f32 to vector<16xf32>
        %mul3A_192 = arith.mulf %get3A_189, %mul3A_191 : vector<16xf32>
        %swap3A_193 = arith.index_cast %add3A_161 : i32 to index
        %swap3A_194 = arith.constant 48 : index
        %swap3A_195 = tpu.vector_load %arg6[%swap3A_193, %swap3A_194] {strides = array<i32>} : memref<256x128xf32, #tpu.memory_space<vmem>>, vector<16xf32>,
        tpu.vector_store %arg6[%swap3A_193, %swap3A_194], %mul3A_192 {strides = array<i32>} : memref<256x128xf32, #tpu.memory_space<vmem>>, vector<16xf32>,
      }
      %scan3A_156 = arith.constant 64 : i32
      "tpu.region"() ({
        %run_scoped3A = tpu.sem_alloc : memref<!tpu.dma_semaphore, #tpu.memory_space<semaphore_mem>>
        %dma_start3A_157 = arith.constant 0 : i32
        %dma_start3A_158 = arith.constant 0 : i32
        %dma_start3A_159 = tpu.memref_slice %arg6[%dma_start3A_157, %dma_start3A_158] : memref<256x128xf32, #tpu.memory_space<vmem>> -> memref<64x128xf32, #tpu.memory_space<vmem>>
        %dma_start3A_160 = arith.constant 999936 : i32
        %dma_start3A_161 = arith.constant 0 : i32
        %dma_start3A_162 = tpu.memref_slice %arg3[%dma_start3A_160, %dma_start3A_161] : memref<1000000x128xf32, #tpu.memory_space<hbm>> -> memref<64x128xf32, #tpu.memory_space<hbm>>
        %dma_start3A_163 = arith.constant 999936 : i32
        %dma_start3A_164 = arith.constant 0 : i32
        %dma_start3A_165 = tpu.memref_slice %arg3[%dma_start3A_163, %dma_start3A_164] : memref<1000000x128xf32, #tpu.memory_space<hbm>> -> memref<64x128xf32, #tpu.memory_space<hbm>>
        %dma_start3A_166 = arith.constant 0 : i32
        %dma_start3A_167 = arith.constant 0 : i32
        %dma_start3A_168 = tpu.memref_slice %arg6[%dma_start3A_166, %dma_start3A_167] : memref<256x128xf32, #tpu.memory_space<vmem>> -> memref<64x128xf32, #tpu.memory_space<vmem>>
        tpu.enqueue_dma source(%dma_start3A_168 : memref<64x128xf32, #tpu.memory_space<vmem>>) target(%dma_start3A_165 : memref<64x128xf32, #tpu.memory_space<hbm>>) target_semaphore(%run_scoped3A : memref<!tpu.dma_semaphore, #tpu.memory_space<semaphore_mem>>)
        %dma_wait3A_169 = arith.constant 0 : i32
        %dma_wait3A_170 = arith.constant 0 : i32
        %dma_wait3A_171 = tpu.memref_slice %arg6[%dma_wait3A_169, %dma_wait3A_170] : memref<256x128xf32, #tpu.memory_space<vmem>> -> memref<64x128xf32, #tpu.memory_space<vmem>>
        %dma_wait3A_172 = arith.constant 999936 : i32
        %dma_wait3A_173 = arith.constant 0 : i32
        %dma_wait3A_174 = tpu.memref_slice %arg3[%dma_wait3A_172, %dma_wait3A_173] : memref<1000000x128xf32, #tpu.memory_space<hbm>> -> memref<64x128xf32, #tpu.memory_space<hbm>>
        %dma_wait3A_175 = arith.constant 999936 : i32
        %dma_wait3A_176 = arith.constant 0 : i32
        %dma_wait3A_177 = tpu.memref_slice %arg3[%dma_wait3A_175, %dma_wait3A_176] : memref<1000000x128xf32, #tpu.memory_space<hbm>> -> memref<64x128xf32, #tpu.memory_space<hbm>>
        %dma_wait3A_178 = arith.constant 0 : i32
        %dma_wait3A_179 = arith.constant 0 : i32
        %dma_wait3A_180 = tpu.memref_slice %arg6[%dma_wait3A_178, %dma_wait3A_179] : memref<256x128xf32, #tpu.memory_space<vmem>> -> memref<64x128xf32, #tpu.memory_space<vmem>>
        tpu.wait_dma2 semaphore(%run_scoped3A : memref<!tpu.dma_semaphore, #tpu.memory_space<semaphore_mem>>) src(%dma_wait3A_180 : memref<64x128xf32, #tpu.memory_space<vmem>>) dst(%dma_wait3A_177 : memref<64x128xf32, #tpu.memory_space<hbm>>)
        tpu.yield
      }) : () -> ()
    } else {
    }
    return
  }
}

#map = affine_map<(d0, d1) -> (0, 0, 0)>
#map1 = affine_map<(d0, d1) -> (0, 0)>
module attributes {stable_mosaic.version = 14 : i64} {
  func.func @_gather_body(%arg0: i32, %arg1: i32, %arg2: memref<32x200x128xi32, #tpu.memory_space<hbm>>, %arg3: memref<1000000x128xf32, #tpu.memory_space<hbm>>, %arg4: memref<819200x64xf32, #tpu.memory_space<hbm>>, %arg5: memref<200x128xi32, #tpu.memory_space<vmem>>, %arg6: memref<128x128xf32, #tpu.memory_space<vmem>>, %arg7: memref<128x128xf32, #tpu.memory_space<vmem>>, %arg8: memref<128x64xf32, #tpu.memory_space<vmem>>, %arg9: memref<128x64xf32, #tpu.memory_space<vmem>>, %arg10: memref<!tpu.dma_semaphore, #tpu.memory_space<semaphore_mem>>, %arg11: memref<!tpu.dma_semaphore, #tpu.memory_space<semaphore_mem>>, %arg12: memref<!tpu.dma_semaphore, #tpu.memory_space<semaphore_mem>>, %arg13: memref<!tpu.dma_semaphore, #tpu.memory_space<semaphore_mem>>) attributes {dimension_semantics = [#tpu.dimension_semantics<core_parallel>, #tpu.dimension_semantics<subcore_parallel>], iteration_bounds = array<i64: 2, 16>, scalar_prefetch = 0 : i64, scratch_operands = 9 : i64, tpu.core_type = #tpu.core_type<sc_vector_subcore>, window_params = [{transform_indices = #map}, {transform_indices = #map1}, {transform_indices = #map1}]} {
    %mul3A = arith.constant 2 : i32
    %mul3A_0 = arith.muli %arg1, %mul3A : i32
    %add3A = arith.addi %mul3A_0, %arg0 : i32
    "tpu.region"() ({
      %run_scoped3A = tpu.sem_alloc : memref<!tpu.dma_semaphore, #tpu.memory_space<semaphore_mem>>
      %dma_start3A_135 = arith.constant 0 : i32
      %dma_start3A_136 = arith.constant 0 : i32
      %dma_start3A_137 = tpu.memref_slice %arg2[%add3A, %dma_start3A_135, %dma_start3A_136] : memref<32x200x128xi32, #tpu.memory_space<hbm>> -> memref<1x200x128xi32, #tpu.memory_space<hbm>>
      %dma_start3A_138 = tpu.memref_squeeze %dma_start3A_137 : memref<1x200x128xi32, #tpu.memory_space<hbm>> -> memref<200x128xi32, #tpu.memory_space<hbm>>
      %dma_start3A_139 = arith.constant 0 : i32
      %dma_start3A_140 = arith.constant 0 : i32
      %dma_start3A_141 = tpu.memref_slice %arg2[%add3A, %dma_start3A_139, %dma_start3A_140] : memref<32x200x128xi32, #tpu.memory_space<hbm>> -> memref<1x200x128xi32, #tpu.memory_space<hbm>>
      %dma_start3A_142 = tpu.memref_squeeze %dma_start3A_141 : memref<1x200x128xi32, #tpu.memory_space<hbm>> -> memref<200x128xi32, #tpu.memory_space<hbm>>
      tpu.enqueue_dma source(%dma_start3A_142 : memref<200x128xi32, #tpu.memory_space<hbm>>) target(%arg5 : memref<200x128xi32, #tpu.memory_space<vmem>>) target_semaphore(%run_scoped3A : memref<!tpu.dma_semaphore, #tpu.memory_space<semaphore_mem>>)
      %dma_wait3A_143 = arith.constant 0 : i32
      %dma_wait3A_144 = arith.constant 0 : i32
      %dma_wait3A_145 = tpu.memref_slice %arg2[%add3A, %dma_wait3A_143, %dma_wait3A_144] : memref<32x200x128xi32, #tpu.memory_space<hbm>> -> memref<1x200x128xi32, #tpu.memory_space<hbm>>
      %dma_wait3A_146 = tpu.memref_squeeze %dma_wait3A_145 : memref<1x200x128xi32, #tpu.memory_space<hbm>> -> memref<200x128xi32, #tpu.memory_space<hbm>>
      %dma_wait3A_147 = arith.constant 0 : i32
      %dma_wait3A_148 = arith.constant 0 : i32
      %dma_wait3A_149 = tpu.memref_slice %arg2[%add3A, %dma_wait3A_147, %dma_wait3A_148] : memref<32x200x128xi32, #tpu.memory_space<hbm>> -> memref<1x200x128xi32, #tpu.memory_space<hbm>>
      %dma_wait3A_150 = tpu.memref_squeeze %dma_wait3A_149 : memref<1x200x128xi32, #tpu.memory_space<hbm>> -> memref<200x128xi32, #tpu.memory_space<hbm>>
      tpu.wait_dma2 semaphore(%run_scoped3A : memref<!tpu.dma_semaphore, #tpu.memory_space<semaphore_mem>>) src(%dma_wait3A_150 : memref<200x128xi32, #tpu.memory_space<hbm>>) dst(%arg5 : memref<200x128xi32, #tpu.memory_space<vmem>>)
      tpu.yield
    }) : () -> ()
    %dma_start3A = arith.constant 0 : i32
    %dma_start3A_1 = arith.constant 0 : i32
    %dma_start3A_2 = tpu.memref_slice %arg5[%dma_start3A, %dma_start3A_1] : memref<200x128xi32, #tpu.memory_space<vmem>> -> memref<1x128xi32, #tpu.memory_space<vmem>>
    %dma_start3A_3 = tpu.memref_squeeze %dma_start3A_2 : memref<1x128xi32, #tpu.memory_space<vmem>> -> memref<128xi32, #tpu.memory_space<vmem>>
    %dma_start3A_4 = arith.constant 0 : i32
    %dma_start3A_5 = arith.constant 0 : i32
    %dma_start3A_6 = tpu.memref_slice %arg3[%dma_start3A_4, %dma_start3A_5] : memref<1000000x128xf32, #tpu.memory_space<hbm>> -> memref<1000000x128xf32, #tpu.memory_space<hbm>>
    tpu.enqueue_indirect_dma source(%dma_start3A_6 : memref<1000000x128xf32, #tpu.memory_space<hbm>>) target(%arg6 : memref<128x128xf32, #tpu.memory_space<vmem>>) offsets(%dma_start3A_3 : memref<128xi32, #tpu.memory_space<vmem>>) semaphore(%arg10 : memref<!tpu.dma_semaphore, #tpu.memory_space<semaphore_mem>>)
    %dma_start3A_7 = arith.constant 1 : i32
    %dma_start3A_8 = arith.constant 0 : i32
    %dma_start3A_9 = tpu.memref_slice %arg5[%dma_start3A_7, %dma_start3A_8] : memref<200x128xi32, #tpu.memory_space<vmem>> -> memref<1x128xi32, #tpu.memory_space<vmem>>
    %dma_start3A_10 = tpu.memref_squeeze %dma_start3A_9 : memref<1x128xi32, #tpu.memory_space<vmem>> -> memref<128xi32, #tpu.memory_space<vmem>>
    %dma_start3A_11 = arith.constant 0 : i32
    %dma_start3A_12 = arith.constant 0 : i32
    %dma_start3A_13 = tpu.memref_slice %arg3[%dma_start3A_11, %dma_start3A_12] : memref<1000000x128xf32, #tpu.memory_space<hbm>> -> memref<1000000x128xf32, #tpu.memory_space<hbm>>
    tpu.enqueue_indirect_dma source(%dma_start3A_13 : memref<1000000x128xf32, #tpu.memory_space<hbm>>) target(%arg7 : memref<128x128xf32, #tpu.memory_space<vmem>>) offsets(%dma_start3A_10 : memref<128xi32, #tpu.memory_space<vmem>>) semaphore(%arg11 : memref<!tpu.dma_semaphore, #tpu.memory_space<semaphore_mem>>)
    %dma_wait3A = arith.constant 0 : i32
    %dma_wait3A_14 = arith.constant 0 : i32
    %dma_wait3A_15 = tpu.memref_slice %arg5[%dma_wait3A, %dma_wait3A_14] : memref<200x128xi32, #tpu.memory_space<vmem>> -> memref<1x128xi32, #tpu.memory_space<vmem>>
    %dma_wait3A_16 = tpu.memref_squeeze %dma_wait3A_15 : memref<1x128xi32, #tpu.memory_space<vmem>> -> memref<128xi32, #tpu.memory_space<vmem>>
    %dma_wait3A_17 = arith.constant 0 : i32
    %dma_wait3A_18 = arith.constant 0 : i32
    %dma_wait3A_19 = tpu.memref_slice %arg3[%dma_wait3A_17, %dma_wait3A_18] : memref<1000000x128xf32, #tpu.memory_space<hbm>> -> memref<1000000x128xf32, #tpu.memory_space<hbm>>
    tpu.wait_indirect_dma semaphore(%arg10 : memref<!tpu.dma_semaphore, #tpu.memory_space<semaphore_mem>>) src(%dma_wait3A_19 : memref<1000000x128xf32, #tpu.memory_space<hbm>>) dst(%arg6 : memref<128x128xf32, #tpu.memory_space<vmem>>)
    %scan3A = arith.constant 0 : i32
    %scan3A_20 = arith.constant 128 : i32
    %scan3A_21 = arith.addi %scan3A, %scan3A_20 : i32
    %scan3A_22 = arith.constant 2 : i32
    scf.for %scan3A_135 = %scan3A to %scan3A_21 step %scan3A_22  : i32 {
      %mul3A_136 = arith.constant 1 : i32
      %mul3A_137 = arith.muli %scan3A_135, %mul3A_136 : i32
      %add3A_138 = arith.constant 0 : i32
      %add3A_139 = arith.addi %add3A_138, %mul3A_137 : i32
      %get3A = arith.index_cast %add3A_139 : i32 to index
      %get3A_140 = arith.constant 0 : index
      %get3A_141 = tpu.vector_load %arg6[%get3A, %get3A_140] {strides = array<i32>} : memref<128x128xf32, #tpu.memory_space<vmem>>, vector<16xf32>,
      %get3A_142 = arith.index_cast %add3A_139 : i32 to index
      %get3A_143 = arith.constant 16 : index
      %get3A_144 = tpu.vector_load %arg6[%get3A_142, %get3A_143] {strides = array<i32>} : memref<128x128xf32, #tpu.memory_space<vmem>>, vector<16xf32>,
      %get3A_145 = arith.index_cast %add3A_139 : i32 to index
      %get3A_146 = arith.constant 32 : index
      %get3A_147 = tpu.vector_load %arg6[%get3A_145, %get3A_146] {strides = array<i32>} : memref<128x128xf32, #tpu.memory_space<vmem>>, vector<16xf32>,
      %get3A_148 = arith.index_cast %add3A_139 : i32 to index
      %get3A_149 = arith.constant 48 : index
      %get3A_150 = tpu.vector_load %arg6[%get3A_148, %get3A_149] {strides = array<i32>} : memref<128x128xf32, #tpu.memory_space<vmem>>, vector<16xf32>,
      %swap3A = arith.index_cast %add3A_139 : i32 to index
      %swap3A_151 = arith.constant 0 : index
      %swap3A_152 = tpu.vector_load %arg8[%swap3A, %swap3A_151] {strides = array<i32>} : memref<128x64xf32, #tpu.memory_space<vmem>>, vector<16xf32>,
      tpu.vector_store %arg8[%swap3A, %swap3A_151], %get3A_141 {strides = array<i32>} : memref<128x64xf32, #tpu.memory_space<vmem>>, vector<16xf32>,
      %swap3A_153 = arith.index_cast %add3A_139 : i32 to index
      %swap3A_154 = arith.constant 16 : index
      %swap3A_155 = tpu.vector_load %arg8[%swap3A_153, %swap3A_154] {strides = array<i32>} : memref<128x64xf32, #tpu.memory_space<vmem>>, vector<16xf32>,
      tpu.vector_store %arg8[%swap3A_153, %swap3A_154], %get3A_144 {strides = array<i32>} : memref<128x64xf32, #tpu.memory_space<vmem>>, vector<16xf32>,
      %swap3A_156 = arith.index_cast %add3A_139 : i32 to index
      %swap3A_157 = arith.constant 32 : index
      %swap3A_158 = tpu.vector_load %arg8[%swap3A_156, %swap3A_157] {strides = array<i32>} : memref<128x64xf32, #tpu.memory_space<vmem>>, vector<16xf32>,
      tpu.vector_store %arg8[%swap3A_156, %swap3A_157], %get3A_147 {strides = array<i32>} : memref<128x64xf32, #tpu.memory_space<vmem>>, vector<16xf32>,
      %swap3A_159 = arith.index_cast %add3A_139 : i32 to index
      %swap3A_160 = arith.constant 48 : index
      %swap3A_161 = tpu.vector_load %arg8[%swap3A_159, %swap3A_160] {strides = array<i32>} : memref<128x64xf32, #tpu.memory_space<vmem>>, vector<16xf32>,
      tpu.vector_store %arg8[%swap3A_159, %swap3A_160], %get3A_150 {strides = array<i32>} : memref<128x64xf32, #tpu.memory_space<vmem>>, vector<16xf32>,
      %scan3A_162 = arith.constant 1 : i32
      %scan3A_163 = arith.addi %scan3A_135, %scan3A_162 : i32
      %mul3A_164 = arith.constant 1 : i32
      %mul3A_165 = arith.muli %scan3A_163, %mul3A_164 : i32
      %add3A_166 = arith.constant 0 : i32
      %add3A_167 = arith.addi %add3A_166, %mul3A_165 : i32
      %get3A_168 = arith.index_cast %add3A_167 : i32 to index
      %get3A_169 = arith.constant 0 : index
      %get3A_170 = tpu.vector_load %arg6[%get3A_168, %get3A_169] {strides = array<i32>} : memref<128x128xf32, #tpu.memory_space<vmem>>, vector<16xf32>,
      %get3A_171 = arith.index_cast %add3A_167 : i32 to index
      %get3A_172 = arith.constant 16 : index
      %get3A_173 = tpu.vector_load %arg6[%get3A_171, %get3A_172] {strides = array<i32>} : memref<128x128xf32, #tpu.memory_space<vmem>>, vector<16xf32>,
      %get3A_174 = arith.index_cast %add3A_167 : i32 to index
      %get3A_175 = arith.constant 32 : index
      %get3A_176 = tpu.vector_load %arg6[%get3A_174, %get3A_175] {strides = array<i32>} : memref<128x128xf32, #tpu.memory_space<vmem>>, vector<16xf32>,
      %get3A_177 = arith.index_cast %add3A_167 : i32 to index
      %get3A_178 = arith.constant 48 : index
      %get3A_179 = tpu.vector_load %arg6[%get3A_177, %get3A_178] {strides = array<i32>} : memref<128x128xf32, #tpu.memory_space<vmem>>, vector<16xf32>,
      %swap3A_180 = arith.index_cast %add3A_167 : i32 to index
      %swap3A_181 = arith.constant 0 : index
      %swap3A_182 = tpu.vector_load %arg8[%swap3A_180, %swap3A_181] {strides = array<i32>} : memref<128x64xf32, #tpu.memory_space<vmem>>, vector<16xf32>,
      tpu.vector_store %arg8[%swap3A_180, %swap3A_181], %get3A_170 {strides = array<i32>} : memref<128x64xf32, #tpu.memory_space<vmem>>, vector<16xf32>,
      %swap3A_183 = arith.index_cast %add3A_167 : i32 to index
      %swap3A_184 = arith.constant 16 : index
      %swap3A_185 = tpu.vector_load %arg8[%swap3A_183, %swap3A_184] {strides = array<i32>} : memref<128x64xf32, #tpu.memory_space<vmem>>, vector<16xf32>,
      tpu.vector_store %arg8[%swap3A_183, %swap3A_184], %get3A_173 {strides = array<i32>} : memref<128x64xf32, #tpu.memory_space<vmem>>, vector<16xf32>,
      %swap3A_186 = arith.index_cast %add3A_167 : i32 to index
      %swap3A_187 = arith.constant 32 : index
      %swap3A_188 = tpu.vector_load %arg8[%swap3A_186, %swap3A_187] {strides = array<i32>} : memref<128x64xf32, #tpu.memory_space<vmem>>, vector<16xf32>,
      tpu.vector_store %arg8[%swap3A_186, %swap3A_187], %get3A_176 {strides = array<i32>} : memref<128x64xf32, #tpu.memory_space<vmem>>, vector<16xf32>,
      %swap3A_189 = arith.index_cast %add3A_167 : i32 to index
      %swap3A_190 = arith.constant 48 : index
      %swap3A_191 = tpu.vector_load %arg8[%swap3A_189, %swap3A_190] {strides = array<i32>} : memref<128x64xf32, #tpu.memory_space<vmem>>, vector<16xf32>,
      tpu.vector_store %arg8[%swap3A_189, %swap3A_190], %get3A_179 {strides = array<i32>} : memref<128x64xf32, #tpu.memory_space<vmem>>, vector<16xf32>,
    }
    %scan3A_23 = arith.constant 128 : i32
    %dma_start3A_24 = arith.constant 2 : i32
    %dma_start3A_25 = arith.constant 0 : i32
    %dma_start3A_26 = tpu.memref_slice %arg5[%dma_start3A_24, %dma_start3A_25] : memref<200x128xi32, #tpu.memory_space<vmem>> -> memref<1x128xi32, #tpu.memory_space<vmem>>
    %dma_start3A_27 = tpu.memref_squeeze %dma_start3A_26 : memref<1x128xi32, #tpu.memory_space<vmem>> -> memref<128xi32, #tpu.memory_space<vmem>>
    %dma_start3A_28 = arith.constant 0 : i32
    %dma_start3A_29 = arith.constant 0 : i32
    %dma_start3A_30 = tpu.memref_slice %arg3[%dma_start3A_28, %dma_start3A_29] : memref<1000000x128xf32, #tpu.memory_space<hbm>> -> memref<1000000x128xf32, #tpu.memory_space<hbm>>
    tpu.enqueue_indirect_dma source(%dma_start3A_30 : memref<1000000x128xf32, #tpu.memory_space<hbm>>) target(%arg6 : memref<128x128xf32, #tpu.memory_space<vmem>>) offsets(%dma_start3A_27 : memref<128xi32, #tpu.memory_space<vmem>>) semaphore(%arg10 : memref<!tpu.dma_semaphore, #tpu.memory_space<semaphore_mem>>)
    %mul3A_31 = arith.constant 25600 : i32
    %mul3A_32 = arith.muli %add3A, %mul3A_31 : i32
    %add3A_33 = arith.constant 0 : i32
    %add3A_34 = arith.addi %mul3A_32, %add3A_33 : i32
    %dma_start3A_35 = arith.constant 0 : i32
    %dma_start3A_36 = tpu.memref_slice %arg4[%add3A_34, %dma_start3A_35] : memref<819200x64xf32, #tpu.memory_space<hbm>> -> memref<128x64xf32, #tpu.memory_space<hbm>>
    %dma_start3A_37 = arith.constant 0 : i32
    %dma_start3A_38 = tpu.memref_slice %arg4[%add3A_34, %dma_start3A_37] : memref<819200x64xf32, #tpu.memory_space<hbm>> -> memref<128x64xf32, #tpu.memory_space<hbm>>
    tpu.enqueue_dma source(%arg8 : memref<128x64xf32, #tpu.memory_space<vmem>>) target(%dma_start3A_38 : memref<128x64xf32, #tpu.memory_space<hbm>>) target_semaphore(%arg12 : memref<!tpu.dma_semaphore, #tpu.memory_space<semaphore_mem>>)
    %dma_wait3A_39 = arith.constant 0 : i32
    %dma_wait3A_40 = arith.constant 0 : i32
    %dma_wait3A_41 = tpu.memref_slice %arg5[%dma_wait3A_39, %dma_wait3A_40] : memref<200x128xi32, #tpu.memory_space<vmem>> -> memref<1x128xi32, #tpu.memory_space<vmem>>
    %dma_wait3A_42 = tpu.memref_squeeze %dma_wait3A_41 : memref<1x128xi32, #tpu.memory_space<vmem>> -> memref<128xi32, #tpu.memory_space<vmem>>
    %dma_wait3A_43 = arith.constant 0 : i32
    %dma_wait3A_44 = arith.constant 0 : i32
    %dma_wait3A_45 = tpu.memref_slice %arg3[%dma_wait3A_43, %dma_wait3A_44] : memref<1000000x128xf32, #tpu.memory_space<hbm>> -> memref<1000000x128xf32, #tpu.memory_space<hbm>>
    tpu.wait_indirect_dma semaphore(%arg11 : memref<!tpu.dma_semaphore, #tpu.memory_space<semaphore_mem>>) src(%dma_wait3A_45 : memref<1000000x128xf32, #tpu.memory_space<hbm>>) dst(%arg7 : memref<128x128xf32, #tpu.memory_space<vmem>>)
    %scan3A_46 = arith.constant 0 : i32
    %scan3A_47 = arith.constant 128 : i32
    %scan3A_48 = arith.addi %scan3A_46, %scan3A_47 : i32
    %scan3A_49 = arith.constant 2 : i32
    scf.for %scan3A_135 = %scan3A_46 to %scan3A_48 step %scan3A_49  : i32 {
      %mul3A_136 = arith.constant 1 : i32
      %mul3A_137 = arith.muli %scan3A_135, %mul3A_136 : i32
      %add3A_138 = arith.constant 0 : i32
      %add3A_139 = arith.addi %add3A_138, %mul3A_137 : i32
      %get3A = arith.index_cast %add3A_139 : i32 to index
      %get3A_140 = arith.constant 0 : index
      %get3A_141 = tpu.vector_load %arg7[%get3A, %get3A_140] {strides = array<i32>} : memref<128x128xf32, #tpu.memory_space<vmem>>, vector<16xf32>,
      %get3A_142 = arith.index_cast %add3A_139 : i32 to index
      %get3A_143 = arith.constant 16 : index
      %get3A_144 = tpu.vector_load %arg7[%get3A_142, %get3A_143] {strides = array<i32>} : memref<128x128xf32, #tpu.memory_space<vmem>>, vector<16xf32>,
      %get3A_145 = arith.index_cast %add3A_139 : i32 to index
      %get3A_146 = arith.constant 32 : index
      %get3A_147 = tpu.vector_load %arg7[%get3A_145, %get3A_146] {strides = array<i32>} : memref<128x128xf32, #tpu.memory_space<vmem>>, vector<16xf32>,
      %get3A_148 = arith.index_cast %add3A_139 : i32 to index
      %get3A_149 = arith.constant 48 : index
      %get3A_150 = tpu.vector_load %arg7[%get3A_148, %get3A_149] {strides = array<i32>} : memref<128x128xf32, #tpu.memory_space<vmem>>, vector<16xf32>,
      %swap3A = arith.index_cast %add3A_139 : i32 to index
      %swap3A_151 = arith.constant 0 : index
      %swap3A_152 = tpu.vector_load %arg9[%swap3A, %swap3A_151] {strides = array<i32>} : memref<128x64xf32, #tpu.memory_space<vmem>>, vector<16xf32>,
      tpu.vector_store %arg9[%swap3A, %swap3A_151], %get3A_141 {strides = array<i32>} : memref<128x64xf32, #tpu.memory_space<vmem>>, vector<16xf32>,
      %swap3A_153 = arith.index_cast %add3A_139 : i32 to index
      %swap3A_154 = arith.constant 16 : index
      %swap3A_155 = tpu.vector_load %arg9[%swap3A_153, %swap3A_154] {strides = array<i32>} : memref<128x64xf32, #tpu.memory_space<vmem>>, vector<16xf32>,
      tpu.vector_store %arg9[%swap3A_153, %swap3A_154], %get3A_144 {strides = array<i32>} : memref<128x64xf32, #tpu.memory_space<vmem>>, vector<16xf32>,
      %swap3A_156 = arith.index_cast %add3A_139 : i32 to index
      %swap3A_157 = arith.constant 32 : index
      %swap3A_158 = tpu.vector_load %arg9[%swap3A_156, %swap3A_157] {strides = array<i32>} : memref<128x64xf32, #tpu.memory_space<vmem>>, vector<16xf32>,
      tpu.vector_store %arg9[%swap3A_156, %swap3A_157], %get3A_147 {strides = array<i32>} : memref<128x64xf32, #tpu.memory_space<vmem>>, vector<16xf32>,
      %swap3A_159 = arith.index_cast %add3A_139 : i32 to index
      %swap3A_160 = arith.constant 48 : index
      %swap3A_161 = tpu.vector_load %arg9[%swap3A_159, %swap3A_160] {strides = array<i32>} : memref<128x64xf32, #tpu.memory_space<vmem>>, vector<16xf32>,
      tpu.vector_store %arg9[%swap3A_159, %swap3A_160], %get3A_150 {strides = array<i32>} : memref<128x64xf32, #tpu.memory_space<vmem>>, vector<16xf32>,
      %scan3A_162 = arith.constant 1 : i32
      %scan3A_163 = arith.addi %scan3A_135, %scan3A_162 : i32
      %mul3A_164 = arith.constant 1 : i32
      %mul3A_165 = arith.muli %scan3A_163, %mul3A_164 : i32
      %add3A_166 = arith.constant 0 : i32
      %add3A_167 = arith.addi %add3A_166, %mul3A_165 : i32
      %get3A_168 = arith.index_cast %add3A_167 : i32 to index
      %get3A_169 = arith.constant 0 : index
      %get3A_170 = tpu.vector_load %arg7[%get3A_168, %get3A_169] {strides = array<i32>} : memref<128x128xf32, #tpu.memory_space<vmem>>, vector<16xf32>,
      %get3A_171 = arith.index_cast %add3A_167 : i32 to index
      %get3A_172 = arith.constant 16 : index
      %get3A_173 = tpu.vector_load %arg7[%get3A_171, %get3A_172] {strides = array<i32>} : memref<128x128xf32, #tpu.memory_space<vmem>>, vector<16xf32>,
      %get3A_174 = arith.index_cast %add3A_167 : i32 to index
      %get3A_175 = arith.constant 32 : index
      %get3A_176 = tpu.vector_load %arg7[%get3A_174, %get3A_175] {strides = array<i32>} : memref<128x128xf32, #tpu.memory_space<vmem>>, vector<16xf32>,
      %get3A_177 = arith.index_cast %add3A_167 : i32 to index
      %get3A_178 = arith.constant 48 : index
      %get3A_179 = tpu.vector_load %arg7[%get3A_177, %get3A_178] {strides = array<i32>} : memref<128x128xf32, #tpu.memory_space<vmem>>, vector<16xf32>,
      %swap3A_180 = arith.index_cast %add3A_167 : i32 to index
      %swap3A_181 = arith.constant 0 : index
      %swap3A_182 = tpu.vector_load %arg9[%swap3A_180, %swap3A_181] {strides = array<i32>} : memref<128x64xf32, #tpu.memory_space<vmem>>, vector<16xf32>,
      tpu.vector_store %arg9[%swap3A_180, %swap3A_181], %get3A_170 {strides = array<i32>} : memref<128x64xf32, #tpu.memory_space<vmem>>, vector<16xf32>,
      %swap3A_183 = arith.index_cast %add3A_167 : i32 to index
      %swap3A_184 = arith.constant 16 : index
      %swap3A_185 = tpu.vector_load %arg9[%swap3A_183, %swap3A_184] {strides = array<i32>} : memref<128x64xf32, #tpu.memory_space<vmem>>, vector<16xf32>,
      tpu.vector_store %arg9[%swap3A_183, %swap3A_184], %get3A_173 {strides = array<i32>} : memref<128x64xf32, #tpu.memory_space<vmem>>, vector<16xf32>,
      %swap3A_186 = arith.index_cast %add3A_167 : i32 to index
      %swap3A_187 = arith.constant 32 : index
      %swap3A_188 = tpu.vector_load %arg9[%swap3A_186, %swap3A_187] {strides = array<i32>} : memref<128x64xf32, #tpu.memory_space<vmem>>, vector<16xf32>,
      tpu.vector_store %arg9[%swap3A_186, %swap3A_187], %get3A_176 {strides = array<i32>} : memref<128x64xf32, #tpu.memory_space<vmem>>, vector<16xf32>,
      %swap3A_189 = arith.index_cast %add3A_167 : i32 to index
      %swap3A_190 = arith.constant 48 : index
      %swap3A_191 = tpu.vector_load %arg9[%swap3A_189, %swap3A_190] {strides = array<i32>} : memref<128x64xf32, #tpu.memory_space<vmem>>, vector<16xf32>,
      tpu.vector_store %arg9[%swap3A_189, %swap3A_190], %get3A_179 {strides = array<i32>} : memref<128x64xf32, #tpu.memory_space<vmem>>, vector<16xf32>,
    }
    %scan3A_50 = arith.constant 128 : i32
    %dma_start3A_51 = arith.constant 3 : i32
    %dma_start3A_52 = arith.constant 0 : i32
    %dma_start3A_53 = tpu.memref_slice %arg5[%dma_start3A_51, %dma_start3A_52] : memref<200x128xi32, #tpu.memory_space<vmem>> -> memref<1x128xi32, #tpu.memory_space<vmem>>
    %dma_start3A_54 = tpu.memref_squeeze %dma_start3A_53 : memref<1x128xi32, #tpu.memory_space<vmem>> -> memref<128xi32, #tpu.memory_space<vmem>>
    %dma_start3A_55 = arith.constant 0 : i32
    %dma_start3A_56 = arith.constant 0 : i32
    %dma_start3A_57 = tpu.memref_slice %arg3[%dma_start3A_55, %dma_start3A_56] : memref<1000000x128xf32, #tpu.memory_space<hbm>> -> memref<1000000x128xf32, #tpu.memory_space<hbm>>
    tpu.enqueue_indirect_dma source(%dma_start3A_57 : memref<1000000x128xf32, #tpu.memory_space<hbm>>) target(%arg7 : memref<128x128xf32, #tpu.memory_space<vmem>>) offsets(%dma_start3A_54 : memref<128xi32, #tpu.memory_space<vmem>>) semaphore(%arg11 : memref<!tpu.dma_semaphore, #tpu.memory_space<semaphore_mem>>)
    %mul3A_58 = arith.constant 25600 : i32
    %mul3A_59 = arith.muli %add3A, %mul3A_58 : i32
    %add3A_60 = arith.constant 128 : i32
    %add3A_61 = arith.addi %mul3A_59, %add3A_60 : i32
    %dma_start3A_62 = arith.constant 0 : i32
    %dma_start3A_63 = tpu.memref_slice %arg4[%add3A_61, %dma_start3A_62] : memref<819200x64xf32, #tpu.memory_space<hbm>> -> memref<128x64xf32, #tpu.memory_space<hbm>>
    %dma_start3A_64 = arith.constant 0 : i32
    %dma_start3A_65 = tpu.memref_slice %arg4[%add3A_61, %dma_start3A_64] : memref<819200x64xf32, #tpu.memory_space<hbm>> -> memref<128x64xf32, #tpu.memory_space<hbm>>
    tpu.enqueue_dma source(%arg9 : memref<128x64xf32, #tpu.memory_space<vmem>>) target(%dma_start3A_65 : memref<128x64xf32, #tpu.memory_space<hbm>>) target_semaphore(%arg13 : memref<!tpu.dma_semaphore, #tpu.memory_space<semaphore_mem>>)
    %scan3A_66 = arith.constant 0 : i32
    %scan3A_67 = arith.constant 98 : i32
    %scan3A_68 = arith.addi %scan3A_66, %scan3A_67 : i32
    %scan3A_69 = arith.constant 1 : i32
    scf.for %scan3A_135 = %scan3A_66 to %scan3A_68 step %scan3A_69  : i32 {
      %mul3A_136 = arith.constant 2 : i32
      %mul3A_137 = arith.muli %scan3A_135, %mul3A_136 : i32
      %add3A_138 = arith.constant 2 : i32
      %add3A_139 = arith.addi %add3A_138, %mul3A_137 : i32
      %add3A_140 = arith.constant 0 : i32
      %add3A_141 = arith.addi %add3A_139, %add3A_140 : i32
      %dma_wait3A_142 = arith.constant 0 : i32
      %dma_wait3A_143 = arith.constant 0 : i32
      %dma_wait3A_144 = tpu.memref_slice %arg5[%dma_wait3A_142, %dma_wait3A_143] : memref<200x128xi32, #tpu.memory_space<vmem>> -> memref<1x128xi32, #tpu.memory_space<vmem>>
      %dma_wait3A_145 = tpu.memref_squeeze %dma_wait3A_144 : memref<1x128xi32, #tpu.memory_space<vmem>> -> memref<128xi32, #tpu.memory_space<vmem>>
      %dma_wait3A_146 = arith.constant 0 : i32
      %dma_wait3A_147 = arith.constant 0 : i32
      %dma_wait3A_148 = tpu.memref_slice %arg3[%dma_wait3A_146, %dma_wait3A_147] : memref<1000000x128xf32, #tpu.memory_space<hbm>> -> memref<1000000x128xf32, #tpu.memory_space<hbm>>
      tpu.wait_indirect_dma semaphore(%arg10 : memref<!tpu.dma_semaphore, #tpu.memory_space<semaphore_mem>>) src(%dma_wait3A_148 : memref<1000000x128xf32, #tpu.memory_space<hbm>>) dst(%arg6 : memref<128x128xf32, #tpu.memory_space<vmem>>)
      %dma_wait3A_149 = arith.constant 0 : i32
      %dma_wait3A_150 = arith.constant 0 : i32
      %dma_wait3A_151 = tpu.memref_slice %arg4[%dma_wait3A_149, %dma_wait3A_150] : memref<819200x64xf32, #tpu.memory_space<hbm>> -> memref<128x64xf32, #tpu.memory_space<hbm>>
      %dma_wait3A_152 = arith.constant 0 : i32
      %dma_wait3A_153 = arith.constant 0 : i32
      %dma_wait3A_154 = tpu.memref_slice %arg4[%dma_wait3A_152, %dma_wait3A_153] : memref<819200x64xf32, #tpu.memory_space<hbm>> -> memref<128x64xf32, #tpu.memory_space<hbm>>
      tpu.wait_dma2 semaphore(%arg12 : memref<!tpu.dma_semaphore, #tpu.memory_space<semaphore_mem>>) src(%arg8 : memref<128x64xf32, #tpu.memory_space<vmem>>) dst(%dma_wait3A_154 : memref<128x64xf32, #tpu.memory_space<hbm>>)
      %scan3A_155 = arith.constant 0 : i32
      %scan3A_156 = arith.constant 128 : i32
      %scan3A_157 = arith.addi %scan3A_155, %scan3A_156 : i32
      %scan3A_158 = arith.constant 2 : i32
      scf.for %scan3A_214 = %scan3A_155 to %scan3A_157 step %scan3A_158  : i32 {
        %mul3A_215 = arith.constant 1 : i32
        %mul3A_216 = arith.muli %scan3A_214, %mul3A_215 : i32
        %add3A_217 = arith.constant 0 : i32
        %add3A_218 = arith.addi %add3A_217, %mul3A_216 : i32
        %get3A = arith.index_cast %add3A_218 : i32 to index
        %get3A_219 = arith.constant 0 : index
        %get3A_220 = tpu.vector_load %arg6[%get3A, %get3A_219] {strides = array<i32>} : memref<128x128xf32, #tpu.memory_space<vmem>>, vector<16xf32>,
        %get3A_221 = arith.index_cast %add3A_218 : i32 to index
        %get3A_222 = arith.constant 16 : index
        %get3A_223 = tpu.vector_load %arg6[%get3A_221, %get3A_222] {strides = array<i32>} : memref<128x128xf32, #tpu.memory_space<vmem>>, vector<16xf32>,
        %get3A_224 = arith.index_cast %add3A_218 : i32 to index
        %get3A_225 = arith.constant 32 : index
        %get3A_226 = tpu.vector_load %arg6[%get3A_224, %get3A_225] {strides = array<i32>} : memref<128x128xf32, #tpu.memory_space<vmem>>, vector<16xf32>,
        %get3A_227 = arith.index_cast %add3A_218 : i32 to index
        %get3A_228 = arith.constant 48 : index
        %get3A_229 = tpu.vector_load %arg6[%get3A_227, %get3A_228] {strides = array<i32>} : memref<128x128xf32, #tpu.memory_space<vmem>>, vector<16xf32>,
        %swap3A = arith.index_cast %add3A_218 : i32 to index
        %swap3A_230 = arith.constant 0 : index
        %swap3A_231 = tpu.vector_load %arg8[%swap3A, %swap3A_230] {strides = array<i32>} : memref<128x64xf32, #tpu.memory_space<vmem>>, vector<16xf32>,
        tpu.vector_store %arg8[%swap3A, %swap3A_230], %get3A_220 {strides = array<i32>} : memref<128x64xf32, #tpu.memory_space<vmem>>, vector<16xf32>,
        %swap3A_232 = arith.index_cast %add3A_218 : i32 to index
        %swap3A_233 = arith.constant 16 : index
        %swap3A_234 = tpu.vector_load %arg8[%swap3A_232, %swap3A_233] {strides = array<i32>} : memref<128x64xf32, #tpu.memory_space<vmem>>, vector<16xf32>,
        tpu.vector_store %arg8[%swap3A_232, %swap3A_233], %get3A_223 {strides = array<i32>} : memref<128x64xf32, #tpu.memory_space<vmem>>, vector<16xf32>,
        %swap3A_235 = arith.index_cast %add3A_218 : i32 to index
        %swap3A_236 = arith.constant 32 : index
        %swap3A_237 = tpu.vector_load %arg8[%swap3A_235, %swap3A_236] {strides = array<i32>} : memref<128x64xf32, #tpu.memory_space<vmem>>, vector<16xf32>,
        tpu.vector_store %arg8[%swap3A_235, %swap3A_236], %get3A_226 {strides = array<i32>} : memref<128x64xf32, #tpu.memory_space<vmem>>, vector<16xf32>,
        %swap3A_238 = arith.index_cast %add3A_218 : i32 to index
        %swap3A_239 = arith.constant 48 : index
        %swap3A_240 = tpu.vector_load %arg8[%swap3A_238, %swap3A_239] {strides = array<i32>} : memref<128x64xf32, #tpu.memory_space<vmem>>, vector<16xf32>,
        tpu.vector_store %arg8[%swap3A_238, %swap3A_239], %get3A_229 {strides = array<i32>} : memref<128x64xf32, #tpu.memory_space<vmem>>, vector<16xf32>,
        %scan3A_241 = arith.constant 1 : i32
        %scan3A_242 = arith.addi %scan3A_214, %scan3A_241 : i32
        %mul3A_243 = arith.constant 1 : i32
        %mul3A_244 = arith.muli %scan3A_242, %mul3A_243 : i32
        %add3A_245 = arith.constant 0 : i32
        %add3A_246 = arith.addi %add3A_245, %mul3A_244 : i32
        %get3A_247 = arith.index_cast %add3A_246 : i32 to index
        %get3A_248 = arith.constant 0 : index
        %get3A_249 = tpu.vector_load %arg6[%get3A_247, %get3A_248] {strides = array<i32>} : memref<128x128xf32, #tpu.memory_space<vmem>>, vector<16xf32>,
        %get3A_250 = arith.index_cast %add3A_246 : i32 to index
        %get3A_251 = arith.constant 16 : index
        %get3A_252 = tpu.vector_load %arg6[%get3A_250, %get3A_251] {strides = array<i32>} : memref<128x128xf32, #tpu.memory_space<vmem>>, vector<16xf32>,
        %get3A_253 = arith.index_cast %add3A_246 : i32 to index
        %get3A_254 = arith.constant 32 : index
        %get3A_255 = tpu.vector_load %arg6[%get3A_253, %get3A_254] {strides = array<i32>} : memref<128x128xf32, #tpu.memory_space<vmem>>, vector<16xf32>,
        %get3A_256 = arith.index_cast %add3A_246 : i32 to index
        %get3A_257 = arith.constant 48 : index
        %get3A_258 = tpu.vector_load %arg6[%get3A_256, %get3A_257] {strides = array<i32>} : memref<128x128xf32, #tpu.memory_space<vmem>>, vector<16xf32>,
        %swap3A_259 = arith.index_cast %add3A_246 : i32 to index
        %swap3A_260 = arith.constant 0 : index
        %swap3A_261 = tpu.vector_load %arg8[%swap3A_259, %swap3A_260] {strides = array<i32>} : memref<128x64xf32, #tpu.memory_space<vmem>>, vector<16xf32>,
        tpu.vector_store %arg8[%swap3A_259, %swap3A_260], %get3A_249 {strides = array<i32>} : memref<128x64xf32, #tpu.memory_space<vmem>>, vector<16xf32>,
        %swap3A_262 = arith.index_cast %add3A_246 : i32 to index
        %swap3A_263 = arith.constant 16 : index
        %swap3A_264 = tpu.vector_load %arg8[%swap3A_262, %swap3A_263] {strides = array<i32>} : memref<128x64xf32, #tpu.memory_space<vmem>>, vector<16xf32>,
        tpu.vector_store %arg8[%swap3A_262, %swap3A_263], %get3A_252 {strides = array<i32>} : memref<128x64xf32, #tpu.memory_space<vmem>>, vector<16xf32>,
        %swap3A_265 = arith.index_cast %add3A_246 : i32 to index
        %swap3A_266 = arith.constant 32 : index
        %swap3A_267 = tpu.vector_load %arg8[%swap3A_265, %swap3A_266] {strides = array<i32>} : memref<128x64xf32, #tpu.memory_space<vmem>>, vector<16xf32>,
        tpu.vector_store %arg8[%swap3A_265, %swap3A_266], %get3A_255 {strides = array<i32>} : memref<128x64xf32, #tpu.memory_space<vmem>>, vector<16xf32>,
        %swap3A_268 = arith.index_cast %add3A_246 : i32 to index
        %swap3A_269 = arith.constant 48 : index
        %swap3A_270 = tpu.vector_load %arg8[%swap3A_268, %swap3A_269] {strides = array<i32>} : memref<128x64xf32, #tpu.memory_space<vmem>>, vector<16xf32>,
        tpu.vector_store %arg8[%swap3A_268, %swap3A_269], %get3A_258 {strides = array<i32>} : memref<128x64xf32, #tpu.memory_space<vmem>>, vector<16xf32>,
      }
      %scan3A_159 = arith.constant 128 : i32
      %add3A_160 = arith.constant 2 : i32
      %add3A_161 = arith.addi %add3A_141, %add3A_160 : i32
      %dma_start3A_162 = arith.constant 0 : i32
      %dma_start3A_163 = tpu.memref_slice %arg5[%add3A_161, %dma_start3A_162] : memref<200x128xi32, #tpu.memory_space<vmem>> -> memref<1x128xi32, #tpu.memory_space<vmem>>
      %dma_start3A_164 = tpu.memref_squeeze %dma_start3A_163 : memref<1x128xi32, #tpu.memory_space<vmem>> -> memref<128xi32, #tpu.memory_space<vmem>>
      %dma_start3A_165 = arith.constant 0 : i32
      %dma_start3A_166 = arith.constant 0 : i32
      %dma_start3A_167 = tpu.memref_slice %arg3[%dma_start3A_165, %dma_start3A_166] : memref<1000000x128xf32, #tpu.memory_space<hbm>> -> memref<1000000x128xf32, #tpu.memory_space<hbm>>
      tpu.enqueue_indirect_dma source(%dma_start3A_167 : memref<1000000x128xf32, #tpu.memory_space<hbm>>) target(%arg6 : memref<128x128xf32, #tpu.memory_space<vmem>>) offsets(%dma_start3A_164 : memref<128xi32, #tpu.memory_space<vmem>>) semaphore(%arg10 : memref<!tpu.dma_semaphore, #tpu.memory_space<semaphore_mem>>)
      %mul3A_168 = arith.constant 25600 : i32
      %mul3A_169 = arith.muli %add3A, %mul3A_168 : i32
      %mul3A_170 = arith.constant 128 : i32
      %mul3A_171 = arith.muli %add3A_141, %mul3A_170 : i32
      %add3A_172 = arith.addi %mul3A_169, %mul3A_171 : i32
      %dma_start3A_173 = arith.constant 0 : i32
      %dma_start3A_174 = tpu.memref_slice %arg4[%add3A_172, %dma_start3A_173] : memref<819200x64xf32, #tpu.memory_space<hbm>> -> memref<128x64xf32, #tpu.memory_space<hbm>>
      %dma_start3A_175 = arith.constant 0 : i32
      %dma_start3A_176 = tpu.memref_slice %arg4[%add3A_172, %dma_start3A_175] : memref<819200x64xf32, #tpu.memory_space<hbm>> -> memref<128x64xf32, #tpu.memory_space<hbm>>
      tpu.enqueue_dma source(%arg8 : memref<128x64xf32, #tpu.memory_space<vmem>>) target(%dma_start3A_176 : memref<128x64xf32, #tpu.memory_space<hbm>>) target_semaphore(%arg12 : memref<!tpu.dma_semaphore, #tpu.memory_space<semaphore_mem>>)
      %add3A_177 = arith.constant 1 : i32
      %add3A_178 = arith.addi %add3A_139, %add3A_177 : i32
      %dma_wait3A_179 = arith.constant 0 : i32
      %dma_wait3A_180 = arith.constant 0 : i32
      %dma_wait3A_181 = tpu.memref_slice %arg5[%dma_wait3A_179, %dma_wait3A_180] : memref<200x128xi32, #tpu.memory_space<vmem>> -> memref<1x128xi32, #tpu.memory_space<vmem>>
      %dma_wait3A_182 = tpu.memref_squeeze %dma_wait3A_181 : memref<1x128xi32, #tpu.memory_space<vmem>> -> memref<128xi32, #tpu.memory_space<vmem>>
      %dma_wait3A_183 = arith.constant 0 : i32
      %dma_wait3A_184 = arith.constant 0 : i32
      %dma_wait3A_185 = tpu.memref_slice %arg3[%dma_wait3A_183, %dma_wait3A_184] : memref<1000000x128xf32, #tpu.memory_space<hbm>> -> memref<1000000x128xf32, #tpu.memory_space<hbm>>
      tpu.wait_indirect_dma semaphore(%arg11 : memref<!tpu.dma_semaphore, #tpu.memory_space<semaphore_mem>>) src(%dma_wait3A_185 : memref<1000000x128xf32, #tpu.memory_space<hbm>>) dst(%arg7 : memref<128x128xf32, #tpu.memory_space<vmem>>)
      %dma_wait3A_186 = arith.constant 0 : i32
      %dma_wait3A_187 = arith.constant 0 : i32
      %dma_wait3A_188 = tpu.memref_slice %arg4[%dma_wait3A_186, %dma_wait3A_187] : memref<819200x64xf32, #tpu.memory_space<hbm>> -> memref<128x64xf32, #tpu.memory_space<hbm>>
      %dma_wait3A_189 = arith.constant 0 : i32
      %dma_wait3A_190 = arith.constant 0 : i32
      %dma_wait3A_191 = tpu.memref_slice %arg4[%dma_wait3A_189, %dma_wait3A_190] : memref<819200x64xf32, #tpu.memory_space<hbm>> -> memref<128x64xf32, #tpu.memory_space<hbm>>
      tpu.wait_dma2 semaphore(%arg13 : memref<!tpu.dma_semaphore, #tpu.memory_space<semaphore_mem>>) src(%arg9 : memref<128x64xf32, #tpu.memory_space<vmem>>) dst(%dma_wait3A_191 : memref<128x64xf32, #tpu.memory_space<hbm>>)
      %scan3A_192 = arith.constant 0 : i32
      %scan3A_193 = arith.constant 128 : i32
      %scan3A_194 = arith.addi %scan3A_192, %scan3A_193 : i32
      %scan3A_195 = arith.constant 2 : i32
      scf.for %scan3A_214 = %scan3A_192 to %scan3A_194 step %scan3A_195  : i32 {
        %mul3A_215 = arith.constant 1 : i32
        %mul3A_216 = arith.muli %scan3A_214, %mul3A_215 : i32
        %add3A_217 = arith.constant 0 : i32
        %add3A_218 = arith.addi %add3A_217, %mul3A_216 : i32
        %get3A = arith.index_cast %add3A_218 : i32 to index
        %get3A_219 = arith.constant 0 : index
        %get3A_220 = tpu.vector_load %arg7[%get3A, %get3A_219] {strides = array<i32>} : memref<128x128xf32, #tpu.memory_space<vmem>>, vector<16xf32>,
        %get3A_221 = arith.index_cast %add3A_218 : i32 to index
        %get3A_222 = arith.constant 16 : index
        %get3A_223 = tpu.vector_load %arg7[%get3A_221, %get3A_222] {strides = array<i32>} : memref<128x128xf32, #tpu.memory_space<vmem>>, vector<16xf32>,
        %get3A_224 = arith.index_cast %add3A_218 : i32 to index
        %get3A_225 = arith.constant 32 : index
        %get3A_226 = tpu.vector_load %arg7[%get3A_224, %get3A_225] {strides = array<i32>} : memref<128x128xf32, #tpu.memory_space<vmem>>, vector<16xf32>,
        %get3A_227 = arith.index_cast %add3A_218 : i32 to index
        %get3A_228 = arith.constant 48 : index
        %get3A_229 = tpu.vector_load %arg7[%get3A_227, %get3A_228] {strides = array<i32>} : memref<128x128xf32, #tpu.memory_space<vmem>>, vector<16xf32>,
        %swap3A = arith.index_cast %add3A_218 : i32 to index
        %swap3A_230 = arith.constant 0 : index
        %swap3A_231 = tpu.vector_load %arg9[%swap3A, %swap3A_230] {strides = array<i32>} : memref<128x64xf32, #tpu.memory_space<vmem>>, vector<16xf32>,
        tpu.vector_store %arg9[%swap3A, %swap3A_230], %get3A_220 {strides = array<i32>} : memref<128x64xf32, #tpu.memory_space<vmem>>, vector<16xf32>,
        %swap3A_232 = arith.index_cast %add3A_218 : i32 to index
        %swap3A_233 = arith.constant 16 : index
        %swap3A_234 = tpu.vector_load %arg9[%swap3A_232, %swap3A_233] {strides = array<i32>} : memref<128x64xf32, #tpu.memory_space<vmem>>, vector<16xf32>,
        tpu.vector_store %arg9[%swap3A_232, %swap3A_233], %get3A_223 {strides = array<i32>} : memref<128x64xf32, #tpu.memory_space<vmem>>, vector<16xf32>,
        %swap3A_235 = arith.index_cast %add3A_218 : i32 to index
        %swap3A_236 = arith.constant 32 : index
        %swap3A_237 = tpu.vector_load %arg9[%swap3A_235, %swap3A_236] {strides = array<i32>} : memref<128x64xf32, #tpu.memory_space<vmem>>, vector<16xf32>,
        tpu.vector_store %arg9[%swap3A_235, %swap3A_236], %get3A_226 {strides = array<i32>} : memref<128x64xf32, #tpu.memory_space<vmem>>, vector<16xf32>,
        %swap3A_238 = arith.index_cast %add3A_218 : i32 to index
        %swap3A_239 = arith.constant 48 : index
        %swap3A_240 = tpu.vector_load %arg9[%swap3A_238, %swap3A_239] {strides = array<i32>} : memref<128x64xf32, #tpu.memory_space<vmem>>, vector<16xf32>,
        tpu.vector_store %arg9[%swap3A_238, %swap3A_239], %get3A_229 {strides = array<i32>} : memref<128x64xf32, #tpu.memory_space<vmem>>, vector<16xf32>,
        %scan3A_241 = arith.constant 1 : i32
        %scan3A_242 = arith.addi %scan3A_214, %scan3A_241 : i32
        %mul3A_243 = arith.constant 1 : i32
        %mul3A_244 = arith.muli %scan3A_242, %mul3A_243 : i32
        %add3A_245 = arith.constant 0 : i32
        %add3A_246 = arith.addi %add3A_245, %mul3A_244 : i32
        %get3A_247 = arith.index_cast %add3A_246 : i32 to index
        %get3A_248 = arith.constant 0 : index
        %get3A_249 = tpu.vector_load %arg7[%get3A_247, %get3A_248] {strides = array<i32>} : memref<128x128xf32, #tpu.memory_space<vmem>>, vector<16xf32>,
        %get3A_250 = arith.index_cast %add3A_246 : i32 to index
        %get3A_251 = arith.constant 16 : index
        %get3A_252 = tpu.vector_load %arg7[%get3A_250, %get3A_251] {strides = array<i32>} : memref<128x128xf32, #tpu.memory_space<vmem>>, vector<16xf32>,
        %get3A_253 = arith.index_cast %add3A_246 : i32 to index
        %get3A_254 = arith.constant 32 : index
        %get3A_255 = tpu.vector_load %arg7[%get3A_253, %get3A_254] {strides = array<i32>} : memref<128x128xf32, #tpu.memory_space<vmem>>, vector<16xf32>,
        %get3A_256 = arith.index_cast %add3A_246 : i32 to index
        %get3A_257 = arith.constant 48 : index
        %get3A_258 = tpu.vector_load %arg7[%get3A_256, %get3A_257] {strides = array<i32>} : memref<128x128xf32, #tpu.memory_space<vmem>>, vector<16xf32>,
        %swap3A_259 = arith.index_cast %add3A_246 : i32 to index
        %swap3A_260 = arith.constant 0 : index
        %swap3A_261 = tpu.vector_load %arg9[%swap3A_259, %swap3A_260] {strides = array<i32>} : memref<128x64xf32, #tpu.memory_space<vmem>>, vector<16xf32>,
        tpu.vector_store %arg9[%swap3A_259, %swap3A_260], %get3A_249 {strides = array<i32>} : memref<128x64xf32, #tpu.memory_space<vmem>>, vector<16xf32>,
        %swap3A_262 = arith.index_cast %add3A_246 : i32 to index
        %swap3A_263 = arith.constant 16 : index
        %swap3A_264 = tpu.vector_load %arg9[%swap3A_262, %swap3A_263] {strides = array<i32>} : memref<128x64xf32, #tpu.memory_space<vmem>>, vector<16xf32>,
        tpu.vector_store %arg9[%swap3A_262, %swap3A_263], %get3A_252 {strides = array<i32>} : memref<128x64xf32, #tpu.memory_space<vmem>>, vector<16xf32>,
        %swap3A_265 = arith.index_cast %add3A_246 : i32 to index
        %swap3A_266 = arith.constant 32 : index
        %swap3A_267 = tpu.vector_load %arg9[%swap3A_265, %swap3A_266] {strides = array<i32>} : memref<128x64xf32, #tpu.memory_space<vmem>>, vector<16xf32>,
        tpu.vector_store %arg9[%swap3A_265, %swap3A_266], %get3A_255 {strides = array<i32>} : memref<128x64xf32, #tpu.memory_space<vmem>>, vector<16xf32>,
        %swap3A_268 = arith.index_cast %add3A_246 : i32 to index
        %swap3A_269 = arith.constant 48 : index
        %swap3A_270 = tpu.vector_load %arg9[%swap3A_268, %swap3A_269] {strides = array<i32>} : memref<128x64xf32, #tpu.memory_space<vmem>>, vector<16xf32>,
        tpu.vector_store %arg9[%swap3A_268, %swap3A_269], %get3A_258 {strides = array<i32>} : memref<128x64xf32, #tpu.memory_space<vmem>>, vector<16xf32>,
      }
      %scan3A_196 = arith.constant 128 : i32
      %add3A_197 = arith.constant 2 : i32
      %add3A_198 = arith.addi %add3A_178, %add3A_197 : i32
      %dma_start3A_199 = arith.constant 0 : i32
      %dma_start3A_200 = tpu.memref_slice %arg5[%add3A_198, %dma_start3A_199] : memref<200x128xi32, #tpu.memory_space<vmem>> -> memref<1x128xi32, #tpu.memory_space<vmem>>
      %dma_start3A_201 = tpu.memref_squeeze %dma_start3A_200 : memref<1x128xi32, #tpu.memory_space<vmem>> -> memref<128xi32, #tpu.memory_space<vmem>>
      %dma_start3A_202 = arith.constant 0 : i32
      %dma_start3A_203 = arith.constant 0 : i32
      %dma_start3A_204 = tpu.memref_slice %arg3[%dma_start3A_202, %dma_start3A_203] : memref<1000000x128xf32, #tpu.memory_space<hbm>> -> memref<1000000x128xf32, #tpu.memory_space<hbm>>
      tpu.enqueue_indirect_dma source(%dma_start3A_204 : memref<1000000x128xf32, #tpu.memory_space<hbm>>) target(%arg7 : memref<128x128xf32, #tpu.memory_space<vmem>>) offsets(%dma_start3A_201 : memref<128xi32, #tpu.memory_space<vmem>>) semaphore(%arg11 : memref<!tpu.dma_semaphore, #tpu.memory_space<semaphore_mem>>)
      %mul3A_205 = arith.constant 25600 : i32
      %mul3A_206 = arith.muli %add3A, %mul3A_205 : i32
      %mul3A_207 = arith.constant 128 : i32
      %mul3A_208 = arith.muli %add3A_178, %mul3A_207 : i32
      %add3A_209 = arith.addi %mul3A_206, %mul3A_208 : i32
      %dma_start3A_210 = arith.constant 0 : i32
      %dma_start3A_211 = tpu.memref_slice %arg4[%add3A_209, %dma_start3A_210] : memref<819200x64xf32, #tpu.memory_space<hbm>> -> memref<128x64xf32, #tpu.memory_space<hbm>>
      %dma_start3A_212 = arith.constant 0 : i32
      %dma_start3A_213 = tpu.memref_slice %arg4[%add3A_209, %dma_start3A_212] : memref<819200x64xf32, #tpu.memory_space<hbm>> -> memref<128x64xf32, #tpu.memory_space<hbm>>
      tpu.enqueue_dma source(%arg9 : memref<128x64xf32, #tpu.memory_space<vmem>>) target(%dma_start3A_213 : memref<128x64xf32, #tpu.memory_space<hbm>>) target_semaphore(%arg13 : memref<!tpu.dma_semaphore, #tpu.memory_space<semaphore_mem>>)
    }
    %scan3A_70 = arith.constant 98 : i32
    %dma_wait3A_71 = arith.constant 0 : i32
    %dma_wait3A_72 = arith.constant 0 : i32
    %dma_wait3A_73 = tpu.memref_slice %arg5[%dma_wait3A_71, %dma_wait3A_72] : memref<200x128xi32, #tpu.memory_space<vmem>> -> memref<1x128xi32, #tpu.memory_space<vmem>>
    %dma_wait3A_74 = tpu.memref_squeeze %dma_wait3A_73 : memref<1x128xi32, #tpu.memory_space<vmem>> -> memref<128xi32, #tpu.memory_space<vmem>>
    %dma_wait3A_75 = arith.constant 0 : i32
    %dma_wait3A_76 = arith.constant 0 : i32
    %dma_wait3A_77 = tpu.memref_slice %arg3[%dma_wait3A_75, %dma_wait3A_76] : memref<1000000x128xf32, #tpu.memory_space<hbm>> -> memref<1000000x128xf32, #tpu.memory_space<hbm>>
    tpu.wait_indirect_dma semaphore(%arg10 : memref<!tpu.dma_semaphore, #tpu.memory_space<semaphore_mem>>) src(%dma_wait3A_77 : memref<1000000x128xf32, #tpu.memory_space<hbm>>) dst(%arg6 : memref<128x128xf32, #tpu.memory_space<vmem>>)
    %dma_wait3A_78 = arith.constant 0 : i32
    %dma_wait3A_79 = arith.constant 0 : i32
    %dma_wait3A_80 = tpu.memref_slice %arg4[%dma_wait3A_78, %dma_wait3A_79] : memref<819200x64xf32, #tpu.memory_space<hbm>> -> memref<128x64xf32, #tpu.memory_space<hbm>>
    %dma_wait3A_81 = arith.constant 0 : i32
    %dma_wait3A_82 = arith.constant 0 : i32
    %dma_wait3A_83 = tpu.memref_slice %arg4[%dma_wait3A_81, %dma_wait3A_82] : memref<819200x64xf32, #tpu.memory_space<hbm>> -> memref<128x64xf32, #tpu.memory_space<hbm>>
    tpu.wait_dma2 semaphore(%arg12 : memref<!tpu.dma_semaphore, #tpu.memory_space<semaphore_mem>>) src(%arg8 : memref<128x64xf32, #tpu.memory_space<vmem>>) dst(%dma_wait3A_83 : memref<128x64xf32, #tpu.memory_space<hbm>>)
    %scan3A_84 = arith.constant 0 : i32
    %scan3A_85 = arith.constant 128 : i32
    %scan3A_86 = arith.addi %scan3A_84, %scan3A_85 : i32
    %scan3A_87 = arith.constant 2 : i32
    scf.for %scan3A_135 = %scan3A_84 to %scan3A_86 step %scan3A_87  : i32 {
      %mul3A_136 = arith.constant 1 : i32
      %mul3A_137 = arith.muli %scan3A_135, %mul3A_136 : i32
      %add3A_138 = arith.constant 0 : i32
      %add3A_139 = arith.addi %add3A_138, %mul3A_137 : i32
      %get3A = arith.index_cast %add3A_139 : i32 to index
      %get3A_140 = arith.constant 0 : index
      %get3A_141 = tpu.vector_load %arg6[%get3A, %get3A_140] {strides = array<i32>} : memref<128x128xf32, #tpu.memory_space<vmem>>, vector<16xf32>,
      %get3A_142 = arith.index_cast %add3A_139 : i32 to index
      %get3A_143 = arith.constant 16 : index
      %get3A_144 = tpu.vector_load %arg6[%get3A_142, %get3A_143] {strides = array<i32>} : memref<128x128xf32, #tpu.memory_space<vmem>>, vector<16xf32>,
      %get3A_145 = arith.index_cast %add3A_139 : i32 to index
      %get3A_146 = arith.constant 32 : index
      %get3A_147 = tpu.vector_load %arg6[%get3A_145, %get3A_146] {strides = array<i32>} : memref<128x128xf32, #tpu.memory_space<vmem>>, vector<16xf32>,
      %get3A_148 = arith.index_cast %add3A_139 : i32 to index
      %get3A_149 = arith.constant 48 : index
      %get3A_150 = tpu.vector_load %arg6[%get3A_148, %get3A_149] {strides = array<i32>} : memref<128x128xf32, #tpu.memory_space<vmem>>, vector<16xf32>,
      %swap3A = arith.index_cast %add3A_139 : i32 to index
      %swap3A_151 = arith.constant 0 : index
      %swap3A_152 = tpu.vector_load %arg8[%swap3A, %swap3A_151] {strides = array<i32>} : memref<128x64xf32, #tpu.memory_space<vmem>>, vector<16xf32>,
      tpu.vector_store %arg8[%swap3A, %swap3A_151], %get3A_141 {strides = array<i32>} : memref<128x64xf32, #tpu.memory_space<vmem>>, vector<16xf32>,
      %swap3A_153 = arith.index_cast %add3A_139 : i32 to index
      %swap3A_154 = arith.constant 16 : index
      %swap3A_155 = tpu.vector_load %arg8[%swap3A_153, %swap3A_154] {strides = array<i32>} : memref<128x64xf32, #tpu.memory_space<vmem>>, vector<16xf32>,
      tpu.vector_store %arg8[%swap3A_153, %swap3A_154], %get3A_144 {strides = array<i32>} : memref<128x64xf32, #tpu.memory_space<vmem>>, vector<16xf32>,
      %swap3A_156 = arith.index_cast %add3A_139 : i32 to index
      %swap3A_157 = arith.constant 32 : index
      %swap3A_158 = tpu.vector_load %arg8[%swap3A_156, %swap3A_157] {strides = array<i32>} : memref<128x64xf32, #tpu.memory_space<vmem>>, vector<16xf32>,
      tpu.vector_store %arg8[%swap3A_156, %swap3A_157], %get3A_147 {strides = array<i32>} : memref<128x64xf32, #tpu.memory_space<vmem>>, vector<16xf32>,
      %swap3A_159 = arith.index_cast %add3A_139 : i32 to index
      %swap3A_160 = arith.constant 48 : index
      %swap3A_161 = tpu.vector_load %arg8[%swap3A_159, %swap3A_160] {strides = array<i32>} : memref<128x64xf32, #tpu.memory_space<vmem>>, vector<16xf32>,
      tpu.vector_store %arg8[%swap3A_159, %swap3A_160], %get3A_150 {strides = array<i32>} : memref<128x64xf32, #tpu.memory_space<vmem>>, vector<16xf32>,
      %scan3A_162 = arith.constant 1 : i32
      %scan3A_163 = arith.addi %scan3A_135, %scan3A_162 : i32
      %mul3A_164 = arith.constant 1 : i32
      %mul3A_165 = arith.muli %scan3A_163, %mul3A_164 : i32
      %add3A_166 = arith.constant 0 : i32
      %add3A_167 = arith.addi %add3A_166, %mul3A_165 : i32
      %get3A_168 = arith.index_cast %add3A_167 : i32 to index
      %get3A_169 = arith.constant 0 : index
      %get3A_170 = tpu.vector_load %arg6[%get3A_168, %get3A_169] {strides = array<i32>} : memref<128x128xf32, #tpu.memory_space<vmem>>, vector<16xf32>,
      %get3A_171 = arith.index_cast %add3A_167 : i32 to index
      %get3A_172 = arith.constant 16 : index
      %get3A_173 = tpu.vector_load %arg6[%get3A_171, %get3A_172] {strides = array<i32>} : memref<128x128xf32, #tpu.memory_space<vmem>>, vector<16xf32>,
      %get3A_174 = arith.index_cast %add3A_167 : i32 to index
      %get3A_175 = arith.constant 32 : index
      %get3A_176 = tpu.vector_load %arg6[%get3A_174, %get3A_175] {strides = array<i32>} : memref<128x128xf32, #tpu.memory_space<vmem>>, vector<16xf32>,
      %get3A_177 = arith.index_cast %add3A_167 : i32 to index
      %get3A_178 = arith.constant 48 : index
      %get3A_179 = tpu.vector_load %arg6[%get3A_177, %get3A_178] {strides = array<i32>} : memref<128x128xf32, #tpu.memory_space<vmem>>, vector<16xf32>,
      %swap3A_180 = arith.index_cast %add3A_167 : i32 to index
      %swap3A_181 = arith.constant 0 : index
      %swap3A_182 = tpu.vector_load %arg8[%swap3A_180, %swap3A_181] {strides = array<i32>} : memref<128x64xf32, #tpu.memory_space<vmem>>, vector<16xf32>,
      tpu.vector_store %arg8[%swap3A_180, %swap3A_181], %get3A_170 {strides = array<i32>} : memref<128x64xf32, #tpu.memory_space<vmem>>, vector<16xf32>,
      %swap3A_183 = arith.index_cast %add3A_167 : i32 to index
      %swap3A_184 = arith.constant 16 : index
      %swap3A_185 = tpu.vector_load %arg8[%swap3A_183, %swap3A_184] {strides = array<i32>} : memref<128x64xf32, #tpu.memory_space<vmem>>, vector<16xf32>,
      tpu.vector_store %arg8[%swap3A_183, %swap3A_184], %get3A_173 {strides = array<i32>} : memref<128x64xf32, #tpu.memory_space<vmem>>, vector<16xf32>,
      %swap3A_186 = arith.index_cast %add3A_167 : i32 to index
      %swap3A_187 = arith.constant 32 : index
      %swap3A_188 = tpu.vector_load %arg8[%swap3A_186, %swap3A_187] {strides = array<i32>} : memref<128x64xf32, #tpu.memory_space<vmem>>, vector<16xf32>,
      tpu.vector_store %arg8[%swap3A_186, %swap3A_187], %get3A_176 {strides = array<i32>} : memref<128x64xf32, #tpu.memory_space<vmem>>, vector<16xf32>,
      %swap3A_189 = arith.index_cast %add3A_167 : i32 to index
      %swap3A_190 = arith.constant 48 : index
      %swap3A_191 = tpu.vector_load %arg8[%swap3A_189, %swap3A_190] {strides = array<i32>} : memref<128x64xf32, #tpu.memory_space<vmem>>, vector<16xf32>,
      tpu.vector_store %arg8[%swap3A_189, %swap3A_190], %get3A_179 {strides = array<i32>} : memref<128x64xf32, #tpu.memory_space<vmem>>, vector<16xf32>,
    }
    %scan3A_88 = arith.constant 128 : i32
    %mul3A_89 = arith.constant 25600 : i32
    %mul3A_90 = arith.muli %add3A, %mul3A_89 : i32
    %add3A_91 = arith.constant 25344 : i32
    %add3A_92 = arith.addi %mul3A_90, %add3A_91 : i32
    %dma_start3A_93 = arith.constant 0 : i32
    %dma_start3A_94 = tpu.memref_slice %arg4[%add3A_92, %dma_start3A_93] : memref<819200x64xf32, #tpu.memory_space<hbm>> -> memref<128x64xf32, #tpu.memory_space<hbm>>
    %dma_start3A_95 = arith.constant 0 : i32
    %dma_start3A_96 = tpu.memref_slice %arg4[%add3A_92, %dma_start3A_95] : memref<819200x64xf32, #tpu.memory_space<hbm>> -> memref<128x64xf32, #tpu.memory_space<hbm>>
    tpu.enqueue_dma source(%arg8 : memref<128x64xf32, #tpu.memory_space<vmem>>) target(%dma_start3A_96 : memref<128x64xf32, #tpu.memory_space<hbm>>) target_semaphore(%arg12 : memref<!tpu.dma_semaphore, #tpu.memory_space<semaphore_mem>>)
    %dma_wait3A_97 = arith.constant 0 : i32
    %dma_wait3A_98 = arith.constant 0 : i32
    %dma_wait3A_99 = tpu.memref_slice %arg5[%dma_wait3A_97, %dma_wait3A_98] : memref<200x128xi32, #tpu.memory_space<vmem>> -> memref<1x128xi32, #tpu.memory_space<vmem>>
    %dma_wait3A_100 = tpu.memref_squeeze %dma_wait3A_99 : memref<1x128xi32, #tpu.memory_space<vmem>> -> memref<128xi32, #tpu.memory_space<vmem>>
    %dma_wait3A_101 = arith.constant 0 : i32
    %dma_wait3A_102 = arith.constant 0 : i32
    %dma_wait3A_103 = tpu.memref_slice %arg3[%dma_wait3A_101, %dma_wait3A_102] : memref<1000000x128xf32, #tpu.memory_space<hbm>> -> memref<1000000x128xf32, #tpu.memory_space<hbm>>
    tpu.wait_indirect_dma semaphore(%arg11 : memref<!tpu.dma_semaphore, #tpu.memory_space<semaphore_mem>>) src(%dma_wait3A_103 : memref<1000000x128xf32, #tpu.memory_space<hbm>>) dst(%arg7 : memref<128x128xf32, #tpu.memory_space<vmem>>)
    %dma_wait3A_104 = arith.constant 0 : i32
    %dma_wait3A_105 = arith.constant 0 : i32
    %dma_wait3A_106 = tpu.memref_slice %arg4[%dma_wait3A_104, %dma_wait3A_105] : memref<819200x64xf32, #tpu.memory_space<hbm>> -> memref<128x64xf32, #tpu.memory_space<hbm>>
    %dma_wait3A_107 = arith.constant 0 : i32
    %dma_wait3A_108 = arith.constant 0 : i32
    %dma_wait3A_109 = tpu.memref_slice %arg4[%dma_wait3A_107, %dma_wait3A_108] : memref<819200x64xf32, #tpu.memory_space<hbm>> -> memref<128x64xf32, #tpu.memory_space<hbm>>
    tpu.wait_dma2 semaphore(%arg13 : memref<!tpu.dma_semaphore, #tpu.memory_space<semaphore_mem>>) src(%arg9 : memref<128x64xf32, #tpu.memory_space<vmem>>) dst(%dma_wait3A_109 : memref<128x64xf32, #tpu.memory_space<hbm>>)
    %scan3A_110 = arith.constant 0 : i32
    %scan3A_111 = arith.constant 128 : i32
    %scan3A_112 = arith.addi %scan3A_110, %scan3A_111 : i32
    %scan3A_113 = arith.constant 2 : i32
    scf.for %scan3A_135 = %scan3A_110 to %scan3A_112 step %scan3A_113  : i32 {
      %mul3A_136 = arith.constant 1 : i32
      %mul3A_137 = arith.muli %scan3A_135, %mul3A_136 : i32
      %add3A_138 = arith.constant 0 : i32
      %add3A_139 = arith.addi %add3A_138, %mul3A_137 : i32
      %get3A = arith.index_cast %add3A_139 : i32 to index
      %get3A_140 = arith.constant 0 : index
      %get3A_141 = tpu.vector_load %arg7[%get3A, %get3A_140] {strides = array<i32>} : memref<128x128xf32, #tpu.memory_space<vmem>>, vector<16xf32>,
      %get3A_142 = arith.index_cast %add3A_139 : i32 to index
      %get3A_143 = arith.constant 16 : index
      %get3A_144 = tpu.vector_load %arg7[%get3A_142, %get3A_143] {strides = array<i32>} : memref<128x128xf32, #tpu.memory_space<vmem>>, vector<16xf32>,
      %get3A_145 = arith.index_cast %add3A_139 : i32 to index
      %get3A_146 = arith.constant 32 : index
      %get3A_147 = tpu.vector_load %arg7[%get3A_145, %get3A_146] {strides = array<i32>} : memref<128x128xf32, #tpu.memory_space<vmem>>, vector<16xf32>,
      %get3A_148 = arith.index_cast %add3A_139 : i32 to index
      %get3A_149 = arith.constant 48 : index
      %get3A_150 = tpu.vector_load %arg7[%get3A_148, %get3A_149] {strides = array<i32>} : memref<128x128xf32, #tpu.memory_space<vmem>>, vector<16xf32>,
      %swap3A = arith.index_cast %add3A_139 : i32 to index
      %swap3A_151 = arith.constant 0 : index
      %swap3A_152 = tpu.vector_load %arg9[%swap3A, %swap3A_151] {strides = array<i32>} : memref<128x64xf32, #tpu.memory_space<vmem>>, vector<16xf32>,
      tpu.vector_store %arg9[%swap3A, %swap3A_151], %get3A_141 {strides = array<i32>} : memref<128x64xf32, #tpu.memory_space<vmem>>, vector<16xf32>,
      %swap3A_153 = arith.index_cast %add3A_139 : i32 to index
      %swap3A_154 = arith.constant 16 : index
      %swap3A_155 = tpu.vector_load %arg9[%swap3A_153, %swap3A_154] {strides = array<i32>} : memref<128x64xf32, #tpu.memory_space<vmem>>, vector<16xf32>,
      tpu.vector_store %arg9[%swap3A_153, %swap3A_154], %get3A_144 {strides = array<i32>} : memref<128x64xf32, #tpu.memory_space<vmem>>, vector<16xf32>,
      %swap3A_156 = arith.index_cast %add3A_139 : i32 to index
      %swap3A_157 = arith.constant 32 : index
      %swap3A_158 = tpu.vector_load %arg9[%swap3A_156, %swap3A_157] {strides = array<i32>} : memref<128x64xf32, #tpu.memory_space<vmem>>, vector<16xf32>,
      tpu.vector_store %arg9[%swap3A_156, %swap3A_157], %get3A_147 {strides = array<i32>} : memref<128x64xf32, #tpu.memory_space<vmem>>, vector<16xf32>,
      %swap3A_159 = arith.index_cast %add3A_139 : i32 to index
      %swap3A_160 = arith.constant 48 : index
      %swap3A_161 = tpu.vector_load %arg9[%swap3A_159, %swap3A_160] {strides = array<i32>} : memref<128x64xf32, #tpu.memory_space<vmem>>, vector<16xf32>,
      tpu.vector_store %arg9[%swap3A_159, %swap3A_160], %get3A_150 {strides = array<i32>} : memref<128x64xf32, #tpu.memory_space<vmem>>, vector<16xf32>,
      %scan3A_162 = arith.constant 1 : i32
      %scan3A_163 = arith.addi %scan3A_135, %scan3A_162 : i32
      %mul3A_164 = arith.constant 1 : i32
      %mul3A_165 = arith.muli %scan3A_163, %mul3A_164 : i32
      %add3A_166 = arith.constant 0 : i32
      %add3A_167 = arith.addi %add3A_166, %mul3A_165 : i32
      %get3A_168 = arith.index_cast %add3A_167 : i32 to index
      %get3A_169 = arith.constant 0 : index
      %get3A_170 = tpu.vector_load %arg7[%get3A_168, %get3A_169] {strides = array<i32>} : memref<128x128xf32, #tpu.memory_space<vmem>>, vector<16xf32>,
      %get3A_171 = arith.index_cast %add3A_167 : i32 to index
      %get3A_172 = arith.constant 16 : index
      %get3A_173 = tpu.vector_load %arg7[%get3A_171, %get3A_172] {strides = array<i32>} : memref<128x128xf32, #tpu.memory_space<vmem>>, vector<16xf32>,
      %get3A_174 = arith.index_cast %add3A_167 : i32 to index
      %get3A_175 = arith.constant 32 : index
      %get3A_176 = tpu.vector_load %arg7[%get3A_174, %get3A_175] {strides = array<i32>} : memref<128x128xf32, #tpu.memory_space<vmem>>, vector<16xf32>,
      %get3A_177 = arith.index_cast %add3A_167 : i32 to index
      %get3A_178 = arith.constant 48 : index
      %get3A_179 = tpu.vector_load %arg7[%get3A_177, %get3A_178] {strides = array<i32>} : memref<128x128xf32, #tpu.memory_space<vmem>>, vector<16xf32>,
      %swap3A_180 = arith.index_cast %add3A_167 : i32 to index
      %swap3A_181 = arith.constant 0 : index
      %swap3A_182 = tpu.vector_load %arg9[%swap3A_180, %swap3A_181] {strides = array<i32>} : memref<128x64xf32, #tpu.memory_space<vmem>>, vector<16xf32>,
      tpu.vector_store %arg9[%swap3A_180, %swap3A_181], %get3A_170 {strides = array<i32>} : memref<128x64xf32, #tpu.memory_space<vmem>>, vector<16xf32>,
      %swap3A_183 = arith.index_cast %add3A_167 : i32 to index
      %swap3A_184 = arith.constant 16 : index
      %swap3A_185 = tpu.vector_load %arg9[%swap3A_183, %swap3A_184] {strides = array<i32>} : memref<128x64xf32, #tpu.memory_space<vmem>>, vector<16xf32>,
      tpu.vector_store %arg9[%swap3A_183, %swap3A_184], %get3A_173 {strides = array<i32>} : memref<128x64xf32, #tpu.memory_space<vmem>>, vector<16xf32>,
      %swap3A_186 = arith.index_cast %add3A_167 : i32 to index
      %swap3A_187 = arith.constant 32 : index
      %swap3A_188 = tpu.vector_load %arg9[%swap3A_186, %swap3A_187] {strides = array<i32>} : memref<128x64xf32, #tpu.memory_space<vmem>>, vector<16xf32>,
      tpu.vector_store %arg9[%swap3A_186, %swap3A_187], %get3A_176 {strides = array<i32>} : memref<128x64xf32, #tpu.memory_space<vmem>>, vector<16xf32>,
      %swap3A_189 = arith.index_cast %add3A_167 : i32 to index
      %swap3A_190 = arith.constant 48 : index
      %swap3A_191 = tpu.vector_load %arg9[%swap3A_189, %swap3A_190] {strides = array<i32>} : memref<128x64xf32, #tpu.memory_space<vmem>>, vector<16xf32>,
      tpu.vector_store %arg9[%swap3A_189, %swap3A_190], %get3A_179 {strides = array<i32>} : memref<128x64xf32, #tpu.memory_space<vmem>>, vector<16xf32>,
    }
    %scan3A_114 = arith.constant 128 : i32
    %mul3A_115 = arith.constant 25600 : i32
    %mul3A_116 = arith.muli %add3A, %mul3A_115 : i32
    %add3A_117 = arith.constant 25472 : i32
    %add3A_118 = arith.addi %mul3A_116, %add3A_117 : i32
    %dma_start3A_119 = arith.constant 0 : i32
    %dma_start3A_120 = tpu.memref_slice %arg4[%add3A_118, %dma_start3A_119] : memref<819200x64xf32, #tpu.memory_space<hbm>> -> memref<128x64xf32, #tpu.memory_space<hbm>>
    %dma_start3A_121 = arith.constant 0 : i32
    %dma_start3A_122 = tpu.memref_slice %arg4[%add3A_118, %dma_start3A_121] : memref<819200x64xf32, #tpu.memory_space<hbm>> -> memref<128x64xf32, #tpu.memory_space<hbm>>
    tpu.enqueue_dma source(%arg9 : memref<128x64xf32, #tpu.memory_space<vmem>>) target(%dma_start3A_122 : memref<128x64xf32, #tpu.memory_space<hbm>>) target_semaphore(%arg13 : memref<!tpu.dma_semaphore, #tpu.memory_space<semaphore_mem>>)
    %dma_wait3A_123 = arith.constant 0 : i32
    %dma_wait3A_124 = arith.constant 0 : i32
    %dma_wait3A_125 = tpu.memref_slice %arg4[%dma_wait3A_123, %dma_wait3A_124] : memref<819200x64xf32, #tpu.memory_space<hbm>> -> memref<128x64xf32, #tpu.memory_space<hbm>>
    %dma_wait3A_126 = arith.constant 0 : i32
    %dma_wait3A_127 = arith.constant 0 : i32
    %dma_wait3A_128 = tpu.memref_slice %arg4[%dma_wait3A_126, %dma_wait3A_127] : memref<819200x64xf32, #tpu.memory_space<hbm>> -> memref<128x64xf32, #tpu.memory_space<hbm>>
    tpu.wait_dma2 semaphore(%arg12 : memref<!tpu.dma_semaphore, #tpu.memory_space<semaphore_mem>>) src(%arg8 : memref<128x64xf32, #tpu.memory_space<vmem>>) dst(%dma_wait3A_128 : memref<128x64xf32, #tpu.memory_space<hbm>>)
    %dma_wait3A_129 = arith.constant 0 : i32
    %dma_wait3A_130 = arith.constant 0 : i32
    %dma_wait3A_131 = tpu.memref_slice %arg4[%dma_wait3A_129, %dma_wait3A_130] : memref<819200x64xf32, #tpu.memory_space<hbm>> -> memref<128x64xf32, #tpu.memory_space<hbm>>
    %dma_wait3A_132 = arith.constant 0 : i32
    %dma_wait3A_133 = arith.constant 0 : i32
    %dma_wait3A_134 = tpu.memref_slice %arg4[%dma_wait3A_132, %dma_wait3A_133] : memref<819200x64xf32, #tpu.memory_space<hbm>> -> memref<128x64xf32, #tpu.memory_space<hbm>>
    tpu.wait_dma2 semaphore(%arg13 : memref<!tpu.dma_semaphore, #tpu.memory_space<semaphore_mem>>) src(%arg9 : memref<128x64xf32, #tpu.memory_space<vmem>>) dst(%dma_wait3A_134 : memref<128x64xf32, #tpu.memory_space<hbm>>)
    return
  }
}

</mosaic_0001>

<sc_bundles>
// kernel: kernel.4.cloned.1.call-start
scs
__scs_entry_jumppad:
0x0: {  	(pc) =	sbr.rel $0x88, $3  }
0x1: {  	(tag) =	ssettag $0x0;
	lr =	simm.s32 $0x1  }
0x2: {  	[smem:$0x3F9F] =	sst lr;
	_ =	strace $0xD0000000  }
0x3: {  	_ = 	snop  }
0x4: {  	_ = 	snop  }
0x5: {  	_ = 	snop  }
0x6: {  	_ = 	snop  }
0x7: {  	_ = 	snop  }
__scs_overlays_trampoline_lowered:
0x8: {  	[smem:$0x3FAE] =	sst s0  }
0x9: {  	[smem:$0x3FAF] =	sst s1  }
0xa: {  	[smem:$0x3FB0] =	sst s2  }
0xb: {  	[smem:$0x3FB1] =	sst s3  }
0xc: {  	[smem:$0x3FB2] =	sst s4  }
0xd: {  	[smem:$0x3FB3] =	sst s5  }
0xe: {  	[smem:$0x3FB4] =	sst s6  }
0xf: {  	[smem:$0x3FB5] =	sst s7  }
0x10: {  	[smem:$0x3FB6] =	sst s8  }
0x11: {  	[smem:$0x3FB7] =	sst s9;
	s0 =	simm.s32 @!p0 $0x0  }
0x12: {  	s1 =	sld [smem:$0x3F9D];
	s0 =	simm.s32 @p0 $0x1  }
0x13: {  	[smem:$0x3FB8] =	sst s0;
	s0 =	simm.s32 @!p1 $0x0  }
0x14: {  	s2 =	sld [smem:$0x3F9C];
	s0 =	simm.s32 @p1 $0x1  }
0x15: {  	[smem:$0x3FB9] =	sst s0;
	s0 =	simm.s32 @!p2 $0x0  }
0x16: {  	s3 =	sld [smem:$0x3FDB];
	s0 =	simm.s32 @p2 $0x1  }
0x17: {  	s4 =	simm.s32 $0x1BF5;
	[smem:$0x3FBB] =	sst s0  }
0x18: {  	s0 =	sld [smem:$0x3F9E];
	_ =	swait.ge [sflag:s4], $0x0  }
0x19: {  	s7 =	sld [smem:$0x3F9F]  }
0x1a: {  	s8 =	sadd.s32 $0xFFFFE003, lr  }
0x1b: {  	s9 =	sadd.s32 $0xFFFFFEF7, lr;
	s5 =	simm.s32 $0xFFFFFFFF;
	p2 =	slt.u32 s8, $0xFFFFF086  }
0x1c: {  	p1 =	slt.u32 s9, $0xF7A;
	s5 =	simm.s32 @!p2 $0x0  }
0x1d: {  	s5 =	simm.s32 @p1 $0x1;
	p0 =	seq.s32 s7, s2  }
0x1e: {  	s7 =	smul.u32 @!p0 $0xF7A, s2;
	p2 =	seq.s32 @!p0 s5, $0x0  }
0x1f: {  	s9 =	smul.u32 $0xF7A, s1;
	s8 =	simm.s32 @!p0 $0x1BF5;
	p2 =	por !p2, p0  }
0x20: {  	[sflag:s8] =	ssyncset.s32 @!p0 $0xFFFFF086;
	s6 =	sadd.s32 @!p0 s3, s7;
	s7 =	simm.s32 @!p0 $0x108  }
0x21: {  	s3 =	sadd.s32 s3, s9;
	s6 =	sadd.s32 @!p0 $0x88, s6;
	s7 =	simm.s32 @p2 $0x1082  }
0x22: {  	[simem:s7], [sflag:s8] =	dma.local @!p0 [hbm:s6], $0xF7A  }
0x23: {  	s9 =	sor.u32 $0xD0000000, s2;
	s6 =	simm.s32 $0x108;
	_ =	swait.ge @!p0 [sflag:s8], $0x0  }
0x24: {  	s3 =	sadd.s32 $0x88, s3;
	s6 =	simm.s32 @!p1 $0x1082;
	[sflag:s4] =	ssyncset.s32 $0xFFFFF086  }
0x25: {  	[simem:s6], [sflag:s4] =	dma.local [hbm:s3], $0xF7A  }
0x26: {  	[smem:$0x3F9F] =	sst s1;
	(tag) =	ssettag s2;
	_ =	strace s9  }
0x27: {  	s1 =	sld [smem:$0x3FAF]  }
0x28: {  	s2 =	sld [smem:$0x3FB0]  }
0x29: {  	s4 =	sld [smem:$0x3FB2]  }
0x2a: {  	p0 =	seq.s32 s5, $0x0;
	s5 =	sld [smem:$0x3FB3]  }
0x2b: {  	s6 =	sld [smem:$0x3FB4]  }
0x2c: {  	s7 =	sld [smem:$0x3FB5]  }
0x2d: {  	s3 =	simm.s32 $0x108;
	s8 =	sld [smem:$0x3FB6]  }
0x2e: {  	s3 =	simm.s32 @!p0 $0x1082;
	s9 =	sld [smem:$0x3FB7]  }
0x2f: {  	lr =	sadd.s32 s0, s3;
	s0 =	sld [smem:$0x3FAE]  }
0x30: {  	s3 =	sld [smem:$0x3FB1]  }
0x31: {  	[smem:$0x3FBA] =	sst s10  }
0x32: {  	s10 =	sld [smem:$0x3FB8];
	_ =	sdelay $0x3  }
0x33: {  	p0 =	seq.s32 s10, $0x1;
	s10 =	sld [smem:$0x3FBA];
	_ =	sdelay $0x3  }
0x34: {  	[smem:$0x3FBA] =	sst s10  }
0x35: {  	s10 =	sld [smem:$0x3FB9];
	_ =	sdelay $0x3  }
0x36: {  	p1 =	seq.s32 s10, $0x1;
	s10 =	sld [smem:$0x3FBA];
	_ =	sdelay $0x3  }
0x37: {  	[smem:$0x3FBA] =	sst s10  }
0x38: {  	s10 =	sld [smem:$0x3FBB]  }
0x39: {  	_ = 	snop;
	(pc) =	sbr.ind lr, $3  }
0x3a: {  	_ = 	snop  }
0x3b: {  	_ = 	snop  }
0x3c: {  	p2 =	seq.s32 s10, $0x1;
	s10 =	sld [smem:$0x3FBA]  }
0x3d: {  	_ =	shalt  }
0x3e: {  	_ =	shalt  }
0x3f: {  	_ =	shalt  }
0x40: {  	_ =	shalt  }
0x41: {  	_ =	shalt  }
0x42: {  	_ =	shalt  }
0x43: {  	_ =	shalt  }
0x44: {  	_ =	shalt  }
0x45: {  	_ =	shalt  }
0x46: {  	_ =	shalt  }
0x47: {  	_ =	shalt  }
0x48: {  	_ =	shalt  }
0x49: {  	_ =	shalt  }
0x4a: {  	_ =	shalt  }
0x4b: {  	_ =	shalt  }
0x4c: {  	_ =	shalt  }
0x4d: {  	_ =	shalt  }
0x4e: {  	_ =	shalt  }
0x4f: {  	_ =	shalt  }
0x50: {  	_ =	shalt  }
0x51: {  	_ =	shalt  }
0x52: {  	_ =	shalt  }
0x53: {  	_ =	shalt  }
0x54: {  	_ =	shalt  }
0x55: {  	_ =	shalt  }
0x56: {  	_ =	shalt  }
0x57: {  	_ =	shalt  }
0x58: {  	_ =	shalt  }
0x59: {  	_ =	shalt  }
0x5a: {  	_ =	shalt  }
0x5b: {  	_ =	shalt  }
0x5c: {  	_ =	shalt  }
0x5d: {  	_ =	shalt  }
0x5e: {  	_ =	shalt  }
0x5f: {  	_ =	shalt  }
0x60: {  	_ =	shalt  }
0x61: {  	_ =	shalt  }
0x62: {  	_ =	shalt  }
0x63: {  	_ =	shalt  }
0x64: {  	_ =	shalt  }
0x65: {  	_ =	shalt  }
0x66: {  	_ =	shalt  }
0x67: {  	_ =	shalt  }
0x68: {  	_ =	shalt  }
0x69: {  	_ =	shalt  }
0x6a: {  	_ =	shalt  }
0x6b: {  	_ =	shalt  }
0x6c: {  	_ =	shalt  }
0x6d: {  	_ =	shalt  }
0x6e: {  	_ =	shalt  }
0x6f: {  	_ =	shalt  }
0x70: {  	_ =	shalt  }
0x71: {  	_ =	shalt  }
0x72: {  	_ =	shalt  }
0x73: {  	_ =	shalt  }
0x74: {  	_ =	shalt  }
0x75: {  	_ =	shalt  }
0x76: {  	_ =	shalt  }
0x77: {  	_ =	shalt  }
0x78: {  	_ =	shalt  }
0x79: {  	_ =	shalt  }
0x7a: {  	_ =	shalt  }
0x7b: {  	_ =	shalt  }
0x7c: {  	_ =	shalt  }
0x7d: {  	_ =	shalt  }
0x7e: {  	_ =	shalt  }
0x7f: {  	_ =	shalt  }
0x80: {  	_ =	shalt  }
0x81: {  	_ =	shalt  }
0x82: {  	_ =	shalt  }
0x83: {  	_ =	shalt  }
0x84: {  	_ =	shalt  }
0x85: {  	_ =	shalt  }
0x86: {  	_ =	shalt  }
0x87: {  	_ =	shalt  }
.Lfunc_end0:
.L_simem_size_0:
called_computation.1_lowered:
.L_overlay_start_0:
0x88: {  	s2 =	sld [smem:$0x3FD9]  }
0x89: {  	s3 =	sld [smem:$0x3FFE];
	_ =	sdelay $0x1  }
0x8a: {  	s1 =	srdreg.scid  }
0x8b: {  	s0 =	sand.u32 $0x1, s1  }
0x8c: {  	s16 =	sshll.u32 s0, $0xA;
	s2 =	sadd.s32 s3, s2  }
0x8d: {  	s2 =	sadd.s32 s2, s16  }
0x8e: {  	[smem:$0x3FC6] =	sst s2  }
0x8f: {  	_ = 	snop  }
0x90: {  	(tm) =	ssettm $0x1  }
0x91: {  	s17 =	sld [smem:$0x3FFB];
	_ =	sdelay $0x3  }
0x92: {  	_ =	strace s17  }
0x93: {  	s2 =	sld [smem:$0x3FFC];
	_ =	sdelay $0x3  }
0x94: {  	_ =	strace s2  }
0x95: {  	s2 =	sld [smem:$0x3FFD];
	_ =	sdelay $0x3  }
0x96: {  	_ =	strace s2  }
0x97: {  	_ =	strace $0x8FFFFFFF  }
0x98: {  	s18 =	sld [smem:$0x3FDB];
	_ =	sdelay $0x1  }
0x99: {  	s19 =	simm.s32 $_scs_section_size  }
0x9a: {  	s4 =	simm.s32 $_size__tile_overlayer_lowered;
	s5 =	simm.s32 $_tile_overlayer_lowered  }
0x9b: {  	s22 =	simm.s32 $0x1BFF;
	s21 =	sshll.u32 s5, $0x1;
	s2 =	sadd.s32 s19, s18  }
0x9c: {  	s6 =	simm.s32 $0x0;
	s20 =	sshll.u32 s4, $0x1;
	s4 =	sadd.s32 s21, s2  }
0x9d: {  	[timem:s6], [sflag:s22] =	dma.local [hbm:s4], s20  }
0x9e: {  	_ =	swait.ge [sflag:s22], s20  }
0x9f: {  	s3 =	ssub.s32 $0x0, s20;
	[sflag:s22] =	ssyncset.done $0x0  }
0xa0: {  	[sflag:s22] =	ssyncadd.s32 s3;
	_ =	sdelay $0x1  }
0xa1: {  	s23 =	simm.s32 $0x1B8B  }
0xa2: {  	_ =	swait.ge [sflag:s23], $0x1  }
0xa3: {  	[sflag:s23] =	ssyncset.done $0x0  }
0xa4: {  	s25 =	simm.s32 $0x1B8E;
	s24 =	sld [smem:$0x3FFE];
	[sflag:s23] =	ssyncadd.s32 $0xFFFFFFFF  }
0xa5: {  	s26 =	simm.s32 $execute0_lowered;
	[smem:$0x3FD2] =	sst s25  }
0xa6: {  	s4 =	sshll.u32 s26, $0x1;
	_ =	strace $0x80000046;
	[dreg:$0x1] =	wrdreg $0xFFFFFFFF  }
0xa7: {  	s28 =	simm.s32 $_size_execute0_lowered;
	s2 =	sadd.s32 s2, s4;
	[dreg:$0x0] =	wrdreg $0x0  }
0xa8: {  	s4 =	sshll.u32 s28, $0x1;
	[dreg:$0x2] =	wrdreg s2  }
0xa9: {  	[dreg:$0x3] =	wrdreg s4  }
0xaa: {  	[dreg:$0x4] =	wrdreg $0xC0  }
0xab: {  	_ =	task [dreg:s6], $0x5FFFF  }
0xac: {  	[dreg:$0x1] =	wrdreg $0xFFFFFFFF  }
0xad: {  	[dreg:$0x0] =	wrdreg $0x60  }
0xae: {  	[dreg:$0x2] =	wrdreg s24  }
0xaf: {  	[dreg:$0x3] =	wrdreg $0x9  }
0xb0: {  	_ =	task.clear_ibuf [dreg:s6], $0x4FFFF;
	_ =	strace $0x90000046  }
0xb1: {  	s29 =	simm.s32 $0x9;
	_ =	strace $0x80000048  }
0xb2: {  	_ =	swait.ge [sflag:s29], $0x1  }
0xb3: {  	[sflag:s29] =	ssyncadd.s32 $0xFFFFFFFF  }
0xb4: {  	_ =	strace $0x90000048  }
0xb5: {  	_ =	sfence  }
0xb6: {  	s30 =	sld [smem:$0x0];
	_ =	sdelay $0x2  }
0xb7: {  	s31 =	sshll.u32 s1, $0xD;
	s1 =	sshrl.u32 s1, $0x2  }
0xb8: {  	s3 =	sand.u32 $0x4000, s31;
	s1 =	sadd.s32 s1, s30  }
0xb9: {  	s0 =	sor.u32 s3, s0;
	s1 =	sshll.u32 s1, $0x11  }
0xba: {  	s0 =	sor.u32 s1, s0  }
0xbb: {  	s0 =	sadd.s32 $0x8F2B, s0  }
0xbc: {  	[sflag:s0] =	ssyncadd.remote.s32 $0x1  }
0xbd: {  	_ =	sfence.sel $0xFFFF  }
0xbe: {  	[dreg:$0x0] =	wrdreg $0xFFFFFFFF;
	(pc) =	sbr.abs _section_cstart, $3  }
0xbf: {  	[dreg:$0x1] =	wrdreg $0xFFFFFFFF  }
0xc0: {  	_ =	task.clear_ibuf [dreg:s6], $0x2FFFF;
	_ =	strace $0x9FFFFFFF  }
0xc1: {  	(tm) =	ssettm $0x7FFFFFFF  }
tec
execute0_lowered:
.L_overlay_start_1:
0x0: {  	(tag) =	ssettag $0x1  }
0x1: {  	s0 =	rddreg [dreg:$0x0]  }
0x2: {  	s2 =	simm.s32 $0x0;
	s1 =	srdreg.scid;
	s3 =	stileid.u32  }
0x3: {  	s12 =	simm.s32 $0x0;
	s20 =	simm.s32 $0x8000;
	s21 =	simm.s32 $0x1  }
0x4: {  	s22 =	simm.s32 $0x10000;
	s23 =	simm.s32 $0x2;
	s24 =	simm.s32 $0x18000  }
0x5: {  	s25 =	simm.s32 $0x3;
	s26 =	simm.s32 $0x4;
	s28 =	simm.s32 $0x5  }
0x6: {  	s29 =	simm.s32 $0x0;
	[smem:$0x7FF] =	sst s2;
	s1 =	sand.u32 $0x1, s1  }
0x7: {  	s3 =	sshll.u32 s3, $0x1;
	s4 =	sadd.s32 $0xF43200, s0;
	s16 =	sadd.s32 $0x1E84200, s0  }
0x8: {  	s17 =	sadd.s32 $0xF42E00, s0;
	_ =	strace $0x80000047;
	s6 =	sor.u32 s1, s3  }
0x9: {  	s3 =	sadd.s32 $0xE00, s0;
	s1 =	ssub.s32 $0x2, s1;
	[dreg:$0x3] =	wrdreg s17  }
0xa: {  	s0 =	sadd.s32 $0x1E85200, s0;
	s8 =	sshll.u32 s6, $0xC;
	s5 =	sshrl.u32 s1, $0x1  }
0xb: {  	p0 =	seq.s32 s6, $0x0;
	s11 =	sor.u32 $0x80, s6;
	s13 =	sor.u32 $0xA0, s6  }
0xc: {  	s15 =	sor.u32 $0x60, s6;
	[dreg:$0x4] =	wrdreg s0;
	s10 =	sor.u32 $0x20000, s8  }
.Ltmp0:
0xd: {  	s1 =	ssub.s32 s1, s5;
	s5 =	sadd.s32 s3, s8;
	(pc) =	sbr.rel .LBB2_1-.Ltmp0, $4  }
0xe: {  	s8 =	sadd.s32 s4, s8;
	s12 =	simm.s32 @!p0 $0x1000;
	p0 =	sne.s32 s6, $0x0  }
0xf: {  	s7 =	sadd.s32 s3, s10;
	s9 =	sadd.s32 $0x60000, s5;
	s10 =	sadd.s32 s4, s10  }
0x10: {  	s14 =	sadd.s32 s12, s4;
	s12 =	sor.u32 $0x40, s6;
	s19 =	smax.u32 s1, $0x1  }
0x11: {  	[dreg:$0x2] =	wrdreg s7;
	s7 =	sadd.s32 $0x40000, s5;
	s14 =	sadd.s32 $0xF40000, s14  }
.LBB2_19:
0x12: {  	s29 =	sadd.s32 $0x1, s29  }
0x13: {  	p1 =	sne.s32 s29, s19  }
.Ltmp1:
0x14: {  	_ = 	snop;
	(pc) =	sbr.rel @!p1 .LBB2_20-.Ltmp1, $1  }
0x15: {  	_ =	sdelay $0x3  }
.LBB2_1:
0x16: {  	[tilespmem:s2], [sflag:$0x1] =	stream.linear.gather [hbm4b:s5+s2], $0x8000, $0x38;
	v63 =	vld [tilespmem:$0x0]  }
0x17: {  	s0 =	rddreg [dreg:$0x2]  }
0x18: {  	[tilespmem:s20], [sflag:$0x2] =	stream.linear.gather [hbm4b:s0+s2], $0x8000, $0x38;
	v63 =	vld [tilespmem:$0x0]  }
0x19: {  	_ =	swait.ge [sflag:s21], $0x8000  }
0x1a: {  	[sflag:s21] =	ssyncset.done $0x0  }
0x1b: {  	s30 =	simm.s32 $0x100;
	[sflag:s21] =	ssyncadd.s32 $0xFFFF8000  }
0x1c: {  	v1 =	vld [tilespmem:s30+$0xFFFFFF00]  }
0x1d: {  	v2 =	vld [tilespmem:s30+$0xFFFFFF90]  }
0x1e: {  	v0 =	vld [tilespmem:s30+$0xFFFFFFB0]  }
0x1f: {  	v3 =	vld [tilespmem:s30+$0xFFFFFF30]  }
0x20: {  	v4 =	vld [tilespmem:s30+$0xFFFFFF20]  }
0x21: {  	v5 =	vld [tilespmem:s30+$0xFFFFFF80];
	v1 =	vmul.f32 $8.000000000e+00, v1  }
0x22: {  	s0 =	simm.s32 $0x10100;
	v6 =	vld [tilespmem:s30+$0xFFFFFFA0];
	v2 =	vmul.f32 $8.000000000e+00, v2  }
0x23: {  	v7 =	vld [tilespmem:s30+$0xFFFFFF10];
	v0 =	vmul.f32 $8.000000000e+00, v0;
	[tilespmem:s0+$0xFFFFFF00] =	vst v1  }
0x24: {  	v1 =	vmul.f32 $8.000000000e+00, v3;
	[tilespmem:s0+$0xFFFFFF90] =	vst v2  }
0x25: {  	v3 =	vmul.f32 $8.000000000e+00, v4;
	[tilespmem:s0+$0xFFFFFFB0] =	vst v0  }
0x26: {  	[tilespmem:s0+$0xFFFFFF30] =	vst v1;
	v1 =	vmul.f32 $8.000000000e+00, v5  }
0x27: {  	v2 =	vmul.f32 $8.000000000e+00, v6;
	[tilespmem:s0+$0xFFFFFF20] =	vst v3  }
0x28: {  	[tilespmem:s0+$0xFFFFFF80] =	vst v1;
	v1 =	vmul.f32 $8.000000000e+00, v7  }
0x29: {  	[tilespmem:s0+$0xFFFFFFA0] =	vst v2  }
0x2a: {  	[tilespmem:s0+$0xFFFFFF10] =	vst v1  }
0x2b: {  	v0 =	vld [tilespmem:s30+$0x0]  }
0x2c: {  	v4 =	vld [tilespmem:s30+$0x10]  }
0x2d: {  	v3 =	vld [tilespmem:s30+$0xB0]  }
0x2e: {  	v1 =	vld [tilespmem:s30+$0x30]  }
0x2f: {  	s17 =	simm.s32 $0x0;
	s18 =	simm.s32 $0x100;
	s1 =	simm.s32 $0x10100;
	v2 =	vld [tilespmem:s30+$0x80]  }
.LBB2_2:
0x30: {  	s17 =	sadd.s32 $0x2, s17;
	v5 =	vld [tilespmem:s30+$0x90];
	s0 =	sadd.s32 $0x200, s0;
	s18 =	sadd.s32 $0x200, s18  }
0x31: {  	p1 =	slt.u32 s17, $0x7E;
	v6 =	vld [tilespmem:s30+$0xA0];
	v4 =	vmul.f32 $8.000000000e+00, v4  }
0x32: {  	v7 =	vld [tilespmem:s30+$0x20];
	v3 =	vmul.f32 $8.000000000e+00, v3;
	s30 =	smov.u32 s18  }
0x33: {  	[tilespmem:s1+$0x10] =	vst v4;
	v1 =	vmul.f32 $8.000000000e+00, v1  }
0x34: {  	v2 =	vmul.f32 $8.000000000e+00, v2;
	[tilespmem:s1+$0xB0] =	vst v3  }
0x35: {  	[tilespmem:s1+$0x30] =	vst v1;
	v1 =	vmul.f32 $8.000000000e+00, v5  }
0x36: {  	[tilespmem:s1+$0x80] =	vst v2;
	v2 =	vmul.f32 $8.000000000e+00, v6  }
0x37: {  	v3 =	vmul.f32 $8.000000000e+00, v7;
	[tilespmem:s1+$0x90] =	vst v1  }
0x38: {  	v0 =	vmul.f32 $8.000000000e+00, v0;
	[tilespmem:s1+$0xA0] =	vst v2  }
0x39: {  	[tilespmem:s1+$0x20] =	vst v3  }
0x3a: {  	[tilespmem:s1+$0x0] =	vst v0;
	s1 =	smov.u32 s0  }
0x3b: {  	v0 =	vld [tilespmem:s18+$0xFFFFFFB0]  }
0x3c: {  	v1 =	vld [tilespmem:s18+$0xFFFFFF90]  }
0x3d: {  	v2 =	vld [tilespmem:s18+$0xFFFFFF00]  }
0x3e: {  	v3 =	vld [tilespmem:s18+$0xFFFFFFA0]  }
0x3f: {  	v4 =	vld [tilespmem:s18+$0xFFFFFF30]  }
0x40: {  	v5 =	vld [tilespmem:s18+$0xFFFFFF20]  }
0x41: {  	v6 =	vld [tilespmem:s18+$0xFFFFFF80]  }
0x42: {  	v0 =	vmul.f32 $8.000000000e+00, v0;
	v7 =	vld [tilespmem:s18+$0xFFFFFF10];
	v2 =	vmul.f32 $8.000000000e+00, v2  }
0x43: {  	v1 =	vmul.f32 $8.000000000e+00, v1  }
0x44: {  	v3 =	vmul.f32 $8.000000000e+00, v3;
	[tilespmem:s0+$0xFFFFFF00] =	vst v2;
	v2 =	vmul.f32 $8.000000000e+00, v4  }
0x45: {  	v4 =	vmul.f32 $8.000000000e+00, v5;
	[tilespmem:s0+$0xFFFFFF90] =	vst v1  }
0x46: {  	[tilespmem:s0+$0xFFFFFF30] =	vst v2;
	v1 =	vmul.f32 $8.000000000e+00, v6  }
0x47: {  	v2 =	vmul.f32 $8.000000000e+00, v7;
	[tilespmem:s0+$0xFFFFFF20] =	vst v4  }
0x48: {  	[tilespmem:s0+$0xFFFFFF80] =	vst v1  }
0x49: {  	[tilespmem:s0+$0xFFFFFFA0] =	vst v3  }
0x4a: {  	[tilespmem:s0+$0xFFFFFFB0] =	vst v0  }
0x4b: {  	[tilespmem:s0+$0xFFFFFF10] =	vst v2  }
.Ltmp2:
0x4c: {  	v0 =	vld [tilespmem:s18+$0x0];
	(pc) =	sbr.rel @p1 .LBB2_2-.Ltmp2, $4  }
0x4d: {  	v4 =	vld [tilespmem:s18+$0x10]  }
0x4e: {  	v3 =	vld [tilespmem:s18+$0xB0]  }
0x4f: {  	v1 =	vld [tilespmem:s18+$0x30]  }
0x50: {  	v2 =	vld [tilespmem:s18+$0x80]  }
0x51: {  	v5 =	vld [tilespmem:s30+$0x90];
	v0 =	vmul.f32 $8.000000000e+00, v0  }
0x52: {  	v7 =	vld [tilespmem:s30+$0x20];
	v4 =	vmul.f32 $8.000000000e+00, v4  }
0x53: {  	v6 =	vld [tilespmem:s30+$0xA0];
	v3 =	vmul.f32 $8.000000000e+00, v3;
	[tilespmem:s1+$0x0] =	vst v0  }
0x54: {  	[tilespmem:s1+$0x10] =	vst v4;
	v1 =	vmul.f32 $8.000000000e+00, v1  }
0x55: {  	v2 =	vmul.f32 $8.000000000e+00, v2;
	[tilespmem:s1+$0xB0] =	vst v3  }
0x56: {  	[tilespmem:s1+$0x30] =	vst v1;
	v1 =	vmul.f32 $8.000000000e+00, v5  }
0x57: {  	v3 =	vmul.f32 $8.000000000e+00, v7;
	[tilespmem:s1+$0x80] =	vst v2  }
0x58: {  	v2 =	vmul.f32 $8.000000000e+00, v6;
	[tilespmem:s1+$0x90] =	vst v1  }
0x59: {  	[tilespmem:s1+$0x20] =	vst v3  }
0x5a: {  	[tilespmem:s1+$0xA0] =	vst v2  }
0x5b: {  	[tilespmem:s2], [sflag:$0x1] =	stream.linear.gather [hbm4b:s7+s2], $0x8000, $0x38;
	v63 =	vld [tilespmem:$0x0]  }
0x5c: {  	_ = 	snop  }
0x5d: {  	[hbm4b:s8+s2] =	stream.linear.scatter [tilespmem:s22], [sflag:$0x3], $0x8000, $0x38;
	v63 =	vld [tilespmem:$0x0]  }
0x5e: {  	_ =	swait.ge [sflag:s23], $0x8000  }
0x5f: {  	[sflag:s23] =	ssyncset.done $0x0  }
0x60: {  	s30 =	simm.s32 $0x8100;
	[sflag:s23] =	ssyncadd.s32 $0xFFFF8000  }
0x61: {  	v1 =	vld [tilespmem:s30+$0xFFFFFF00]  }
0x62: {  	v2 =	vld [tilespmem:s30+$0xFFFFFF90]  }
0x63: {  	v0 =	vld [tilespmem:s30+$0xFFFFFFB0]  }
0x64: {  	v3 =	vld [tilespmem:s30+$0xFFFFFF30]  }
0x65: {  	v4 =	vld [tilespmem:s30+$0xFFFFFF20]  }
0x66: {  	v5 =	vld [tilespmem:s30+$0xFFFFFF80];
	v1 =	vmul.f32 $8.000000000e+00, v1  }
0x67: {  	s0 =	simm.s32 $0x18100;
	v6 =	vld [tilespmem:s30+$0xFFFFFFA0];
	v2 =	vmul.f32 $8.000000000e+00, v2  }
0x68: {  	v7 =	vld [tilespmem:s30+$0xFFFFFF10];
	v0 =	vmul.f32 $8.000000000e+00, v0;
	[tilespmem:s0+$0xFFFFFF00] =	vst v1  }
0x69: {  	v1 =	vmul.f32 $8.000000000e+00, v3;
	[tilespmem:s0+$0xFFFFFF90] =	vst v2  }
0x6a: {  	v3 =	vmul.f32 $8.000000000e+00, v4;
	[tilespmem:s0+$0xFFFFFFB0] =	vst v0  }
0x6b: {  	[tilespmem:s0+$0xFFFFFF30] =	vst v1;
	v1 =	vmul.f32 $8.000000000e+00, v5  }
0x6c: {  	v2 =	vmul.f32 $8.000000000e+00, v6;
	[tilespmem:s0+$0xFFFFFF20] =	vst v3  }
0x6d: {  	[tilespmem:s0+$0xFFFFFF80] =	vst v1;
	v1 =	vmul.f32 $8.000000000e+00, v7  }
0x6e: {  	[tilespmem:s0+$0xFFFFFFA0] =	vst v2  }
0x6f: {  	[tilespmem:s0+$0xFFFFFF10] =	vst v1  }
0x70: {  	v0 =	vld [tilespmem:s30+$0x0]  }
0x71: {  	v4 =	vld [tilespmem:s30+$0x10]  }
0x72: {  	v3 =	vld [tilespmem:s30+$0xB0]  }
0x73: {  	v1 =	vld [tilespmem:s30+$0x30]  }
0x74: {  	s17 =	simm.s32 $0x0;
	s18 =	simm.s32 $0x8100;
	s1 =	simm.s32 $0x18100;
	v2 =	vld [tilespmem:s30+$0x80]  }
.LBB2_4:
0x75: {  	s17 =	sadd.s32 $0x2, s17;
	v5 =	vld [tilespmem:s30+$0x90];
	s0 =	sadd.s32 $0x200, s0;
	s18 =	sadd.s32 $0x200, s18  }
0x76: {  	p1 =	slt.u32 s17, $0x7E;
	v6 =	vld [tilespmem:s30+$0xA0];
	v4 =	vmul.f32 $8.000000000e+00, v4  }
0x77: {  	v7 =	vld [tilespmem:s30+$0x20];
	v3 =	vmul.f32 $8.000000000e+00, v3;
	s30 =	smov.u32 s18  }
0x78: {  	[tilespmem:s1+$0x10] =	vst v4;
	v1 =	vmul.f32 $8.000000000e+00, v1  }
0x79: {  	v2 =	vmul.f32 $8.000000000e+00, v2;
	[tilespmem:s1+$0xB0] =	vst v3  }
0x7a: {  	[tilespmem:s1+$0x30] =	vst v1;
	v1 =	vmul.f32 $8.000000000e+00, v5  }
0x7b: {  	[tilespmem:s1+$0x80] =	vst v2;
	v2 =	vmul.f32 $8.000000000e+00, v6  }
0x7c: {  	v3 =	vmul.f32 $8.000000000e+00, v7;
	[tilespmem:s1+$0x90] =	vst v1  }
0x7d: {  	v0 =	vmul.f32 $8.000000000e+00, v0;
	[tilespmem:s1+$0xA0] =	vst v2  }
0x7e: {  	[tilespmem:s1+$0x20] =	vst v3  }
0x7f: {  	[tilespmem:s1+$0x0] =	vst v0;
	s1 =	smov.u32 s0  }
0x80: {  	v0 =	vld [tilespmem:s18+$0xFFFFFFB0]  }
0x81: {  	v1 =	vld [tilespmem:s18+$0xFFFFFF90]  }
0x82: {  	v2 =	vld [tilespmem:s18+$0xFFFFFF00]  }
0x83: {  	v3 =	vld [tilespmem:s18+$0xFFFFFFA0]  }
0x84: {  	v4 =	vld [tilespmem:s18+$0xFFFFFF30]  }
0x85: {  	v5 =	vld [tilespmem:s18+$0xFFFFFF20]  }
0x86: {  	v6 =	vld [tilespmem:s18+$0xFFFFFF80]  }
0x87: {  	v0 =	vmul.f32 $8.000000000e+00, v0;
	v7 =	vld [tilespmem:s18+$0xFFFFFF10];
	v2 =	vmul.f32 $8.000000000e+00, v2  }
0x88: {  	v1 =	vmul.f32 $8.000000000e+00, v1  }
0x89: {  	v3 =	vmul.f32 $8.000000000e+00, v3;
	[tilespmem:s0+$0xFFFFFF00] =	vst v2;
	v2 =	vmul.f32 $8.000000000e+00, v4  }
0x8a: {  	v4 =	vmul.f32 $8.000000000e+00, v5;
	[tilespmem:s0+$0xFFFFFF90] =	vst v1  }
0x8b: {  	[tilespmem:s0+$0xFFFFFF30] =	vst v2;
	v1 =	vmul.f32 $8.000000000e+00, v6  }
0x8c: {  	v2 =	vmul.f32 $8.000000000e+00, v7;
	[tilespmem:s0+$0xFFFFFF20] =	vst v4  }
0x8d: {  	[tilespmem:s0+$0xFFFFFF80] =	vst v1  }
0x8e: {  	[tilespmem:s0+$0xFFFFFFA0] =	vst v3  }
0x8f: {  	[tilespmem:s0+$0xFFFFFFB0] =	vst v0  }
0x90: {  	[tilespmem:s0+$0xFFFFFF10] =	vst v2  }
.Ltmp3:
0x91: {  	v0 =	vld [tilespmem:s18+$0x0];
	(pc) =	sbr.rel @p1 .LBB2_4-.Ltmp3, $4  }
0x92: {  	v4 =	vld [tilespmem:s18+$0x10]  }
0x93: {  	v3 =	vld [tilespmem:s18+$0xB0]  }
0x94: {  	v1 =	vld [tilespmem:s18+$0x30]  }
0x95: {  	v2 =	vld [tilespmem:s18+$0x80]  }
0x96: {  	v5 =	vld [tilespmem:s30+$0x90];
	v0 =	vmul.f32 $8.000000000e+00, v0  }
0x97: {  	v6 =	vld [tilespmem:s30+$0xA0];
	v4 =	vmul.f32 $8.000000000e+00, v4  }
0x98: {  	v7 =	vld [tilespmem:s30+$0x20];
	v3 =	vmul.f32 $8.000000000e+00, v3;
	[tilespmem:s1+$0x0] =	vst v0  }
0x99: {  	[tilespmem:s1+$0x10] =	vst v4;
	v1 =	vmul.f32 $8.000000000e+00, v1  }
0x9a: {  	v2 =	vmul.f32 $8.000000000e+00, v2;
	[tilespmem:s1+$0xB0] =	vst v3  }
0x9b: {  	[tilespmem:s1+$0x30] =	vst v1;
	v60 =	vmul.f32 $8.000000000e+00, v5  }
0x9c: {  	v61 =	vmul.f32 $8.000000000e+00, v6;
	[tilespmem:s1+$0x80] =	vst v2  }
0x9d: {  	v62 =	vmul.f32 $8.000000000e+00, v7;
	[tilespmem:s1+$0x90] =	vst v60  }
0x9e: {  	[tilespmem:s1+$0xA0] =	vst v61  }
0x9f: {  	s30 =	simm.s32 $0x0;
	[tilespmem:s1+$0x20] =	vst v62  }
0xa0: {  	[tilespmem:s20], [sflag:$0x2] =	stream.linear.gather [hbm4b:s9+s30], $0x8000, $0x38;
	v63 =	vld [tilespmem:$0x0]  }
0xa1: {  	_ = 	snop  }
0xa2: {  	[hbm4b:s10+s30] =	stream.linear.scatter [tilespmem:s24], [sflag:$0x4], $0x8000, $0x38;
	v63 =	vld [tilespmem:$0x0]  }
.LBB2_6:
0xa3: {  	_ =	swait.ge [sflag:s21], $0x8000  }
0xa4: {  	[sflag:s21] =	ssyncset.done $0x0  }
0xa5: {  	[sflag:s21] =	ssyncadd.s32 $0xFFFF8000  }
0xa6: {  	_ =	swait.ge [sflag:s25], $0x8000  }
0xa7: {  	[sflag:s25] =	ssyncset.done $0x0  }
0xa8: {  	s31 =	simm.s32 $0x100;
	[sflag:s25] =	ssyncadd.s32 $0xFFFF8000  }
0xa9: {  	v1 =	vld [tilespmem:s31+$0xFFFFFF00]  }
0xaa: {  	v2 =	vld [tilespmem:s31+$0xFFFFFF90]  }
0xab: {  	v0 =	vld [tilespmem:s31+$0xFFFFFFB0]  }
0xac: {  	v3 =	vld [tilespmem:s31+$0xFFFFFF30]  }
0xad: {  	v4 =	vld [tilespmem:s31+$0xFFFFFF20]  }
0xae: {  	v5 =	vld [tilespmem:s31+$0xFFFFFF80];
	v1 =	vmul.f32 $8.000000000e+00, v1  }
0xaf: {  	s0 =	simm.s32 $0x10100;
	v6 =	vld [tilespmem:s31+$0xFFFFFFA0];
	v2 =	vmul.f32 $8.000000000e+00, v2  }
0xb0: {  	v7 =	vld [tilespmem:s31+$0xFFFFFF10];
	v0 =	vmul.f32 $8.000000000e+00, v0;
	[tilespmem:s0+$0xFFFFFF00] =	vst v1  }
0xb1: {  	v1 =	vmul.f32 $8.000000000e+00, v3;
	[tilespmem:s0+$0xFFFFFF90] =	vst v2  }
0xb2: {  	v3 =	vmul.f32 $8.000000000e+00, v4;
	[tilespmem:s0+$0xFFFFFFB0] =	vst v0  }
0xb3: {  	[tilespmem:s0+$0xFFFFFF30] =	vst v1;
	v1 =	vmul.f32 $8.000000000e+00, v5  }
0xb4: {  	v2 =	vmul.f32 $8.000000000e+00, v6;
	[tilespmem:s0+$0xFFFFFF20] =	vst v3  }
0xb5: {  	[tilespmem:s0+$0xFFFFFF80] =	vst v1;
	v1 =	vmul.f32 $8.000000000e+00, v7  }
0xb6: {  	[tilespmem:s0+$0xFFFFFFA0] =	vst v2  }
0xb7: {  	[tilespmem:s0+$0xFFFFFF10] =	vst v1  }
0xb8: {  	v0 =	vld [tilespmem:s31+$0x0]  }
0xb9: {  	v4 =	vld [tilespmem:s31+$0x10]  }
0xba: {  	v3 =	vld [tilespmem:s31+$0xB0]  }
0xbb: {  	v1 =	vld [tilespmem:s31+$0x30]  }
0xbc: {  	s17 =	simm.s32 $0x0;
	s18 =	simm.s32 $0x100;
	s1 =	simm.s32 $0x10100;
	v2 =	vld [tilespmem:s31+$0x80]  }
.LBB2_7:
0xbd: {  	s17 =	sadd.s32 $0x2, s17;
	v5 =	vld [tilespmem:s31+$0x90];
	s0 =	sadd.s32 $0x200, s0;
	s18 =	sadd.s32 $0x200, s18  }
0xbe: {  	p1 =	slt.u32 s17, $0x7E;
	v6 =	vld [tilespmem:s31+$0xA0];
	v4 =	vmul.f32 $8.000000000e+00, v4  }
0xbf: {  	v7 =	vld [tilespmem:s31+$0x20];
	v3 =	vmul.f32 $8.000000000e+00, v3;
	s31 =	smov.u32 s18  }
0xc0: {  	[tilespmem:s1+$0x10] =	vst v4;
	v1 =	vmul.f32 $8.000000000e+00, v1  }
0xc1: {  	v2 =	vmul.f32 $8.000000000e+00, v2;
	[tilespmem:s1+$0xB0] =	vst v3  }
0xc2: {  	[tilespmem:s1+$0x30] =	vst v1;
	v1 =	vmul.f32 $8.000000000e+00, v5  }
0xc3: {  	[tilespmem:s1+$0x80] =	vst v2;
	v2 =	vmul.f32 $8.000000000e+00, v6  }
0xc4: {  	v3 =	vmul.f32 $8.000000000e+00, v7;
	[tilespmem:s1+$0x90] =	vst v1  }
0xc5: {  	v0 =	vmul.f32 $8.000000000e+00, v0;
	[tilespmem:s1+$0xA0] =	vst v2  }
0xc6: {  	[tilespmem:s1+$0x20] =	vst v3  }
0xc7: {  	[tilespmem:s1+$0x0] =	vst v0;
	s1 =	smov.u32 s0  }
0xc8: {  	v0 =	vld [tilespmem:s18+$0xFFFFFFB0]  }
0xc9: {  	v1 =	vld [tilespmem:s18+$0xFFFFFF90]  }
0xca: {  	v2 =	vld [tilespmem:s18+$0xFFFFFF00]  }
0xcb: {  	v3 =	vld [tilespmem:s18+$0xFFFFFFA0]  }
0xcc: {  	v4 =	vld [tilespmem:s18+$0xFFFFFF30]  }
0xcd: {  	v5 =	vld [tilespmem:s18+$0xFFFFFF20]  }
0xce: {  	v6 =	vld [tilespmem:s18+$0xFFFFFF80]  }
0xcf: {  	v0 =	vmul.f32 $8.000000000e+00, v0;
	v7 =	vld [tilespmem:s18+$0xFFFFFF10];
	v2 =	vmul.f32 $8.000000000e+00, v2  }
0xd0: {  	v1 =	vmul.f32 $8.000000000e+00, v1  }
0xd1: {  	v3 =	vmul.f32 $8.000000000e+00, v3;
	[tilespmem:s0+$0xFFFFFF00] =	vst v2;
	v2 =	vmul.f32 $8.000000000e+00, v4  }
0xd2: {  	v4 =	vmul.f32 $8.000000000e+00, v5;
	[tilespmem:s0+$0xFFFFFF90] =	vst v1  }
0xd3: {  	[tilespmem:s0+$0xFFFFFF30] =	vst v2;
	v1 =	vmul.f32 $8.000000000e+00, v6  }
0xd4: {  	v2 =	vmul.f32 $8.000000000e+00, v7;
	[tilespmem:s0+$0xFFFFFF20] =	vst v4  }
0xd5: {  	[tilespmem:s0+$0xFFFFFF80] =	vst v1  }
0xd6: {  	[tilespmem:s0+$0xFFFFFFA0] =	vst v3  }
0xd7: {  	[tilespmem:s0+$0xFFFFFFB0] =	vst v0  }
0xd8: {  	[tilespmem:s0+$0xFFFFFF10] =	vst v2  }
.Ltmp4:
0xd9: {  	v0 =	vld [tilespmem:s18+$0x0];
	(pc) =	sbr.rel @p1 .LBB2_7-.Ltmp4, $4  }
0xda: {  	v4 =	vld [tilespmem:s18+$0x10]  }
0xdb: {  	v3 =	vld [tilespmem:s18+$0xB0]  }
0xdc: {  	v1 =	vld [tilespmem:s18+$0x30]  }
0xdd: {  	v2 =	vld [tilespmem:s18+$0x80]  }
0xde: {  	v5 =	vld [tilespmem:s31+$0x90];
	v0 =	vmul.f32 $8.000000000e+00, v0  }
0xdf: {  	v7 =	vld [tilespmem:s31+$0x20];
	v4 =	vmul.f32 $8.000000000e+00, v4  }
0xe0: {  	v6 =	vld [tilespmem:s31+$0xA0];
	v3 =	vmul.f32 $8.000000000e+00, v3;
	[tilespmem:s1+$0x0] =	vst v0  }
0xe1: {  	[tilespmem:s1+$0x10] =	vst v4;
	v1 =	vmul.f32 $8.000000000e+00, v1  }
0xe2: {  	v2 =	vmul.f32 $8.000000000e+00, v2;
	[tilespmem:s1+$0xB0] =	vst v3  }
0xe3: {  	s31 =	sshll.u32 s30, $0x6;
	[tilespmem:s1+$0x30] =	vst v1;
	v1 =	vmul.f32 $8.000000000e+00, v5  }
0xe4: {  	s0 =	sadd.s32 s11, s31;
	v3 =	vmul.f32 $8.000000000e+00, v7;
	[tilespmem:s1+$0x80] =	vst v2  }
0xe5: {  	s0 =	smin.u32 s0, $0xF41;
	v2 =	vmul.f32 $8.000000000e+00, v6;
	[tilespmem:s1+$0x90] =	vst v1  }
0xe6: {  	s0 =	sshll.u32 s0, $0xC;
	[tilespmem:s1+$0x20] =	vst v3  }
0xe7: {  	s18 =	sadd.s32 s12, s31;
	s0 =	sadd.s32 s3, s0;
	[tilespmem:s1+$0xA0] =	vst v2  }
0xe8: {  	[tilespmem:s2], [sflag:$0x1] =	stream.linear.gather [hbm4b:s0+s2], $0x8000, $0x38;
	v63 =	vld [tilespmem:$0x0]  }
0xe9: {  	s0 =	sshll.u32 s18, $0xC  }
0xea: {  	s0 =	sadd.s32 s4, s0  }
0xeb: {  	[hbm4b:s0+s2] =	stream.linear.scatter [tilespmem:s22], [sflag:$0x3], $0x8000, $0x38;
	v63 =	vld [tilespmem:$0x0]  }
0xec: {  	_ =	swait.ge [sflag:s23], $0x8000  }
0xed: {  	[sflag:s23] =	ssyncset.done $0x0  }
0xee: {  	[sflag:s23] =	ssyncadd.s32 $0xFFFF8000  }
0xef: {  	_ =	swait.ge [sflag:s26], $0x8000  }
0xf0: {  	[sflag:s26] =	ssyncset.done $0x0  }
0xf1: {  	s0 =	simm.s32 $0x8100;
	[sflag:s26] =	ssyncadd.s32 $0xFFFF8000  }
0xf2: {  	v1 =	vld [tilespmem:s0+$0xFFFFFF00]  }
0xf3: {  	v2 =	vld [tilespmem:s0+$0xFFFFFF90]  }
0xf4: {  	v0 =	vld [tilespmem:s0+$0xFFFFFFB0]  }
0xf5: {  	v3 =	vld [tilespmem:s0+$0xFFFFFF30]  }
0xf6: {  	v4 =	vld [tilespmem:s0+$0xFFFFFF20]  }
0xf7: {  	v5 =	vld [tilespmem:s0+$0xFFFFFF80];
	v1 =	vmul.f32 $8.000000000e+00, v1  }
0xf8: {  	s1 =	simm.s32 $0x18100;
	v6 =	vld [tilespmem:s0+$0xFFFFFFA0];
	v2 =	vmul.f32 $8.000000000e+00, v2  }
0xf9: {  	v7 =	vld [tilespmem:s0+$0xFFFFFF10];
	v0 =	vmul.f32 $8.000000000e+00, v0;
	[tilespmem:s1+$0xFFFFFF00] =	vst v1  }
0xfa: {  	v1 =	vmul.f32 $8.000000000e+00, v3;
	[tilespmem:s1+$0xFFFFFF90] =	vst v2  }
0xfb: {  	v3 =	vmul.f32 $8.000000000e+00, v4;
	[tilespmem:s1+$0xFFFFFFB0] =	vst v0  }
0xfc: {  	[tilespmem:s1+$0xFFFFFF30] =	vst v1;
	v1 =	vmul.f32 $8.000000000e+00, v5  }
0xfd: {  	v2 =	vmul.f32 $8.000000000e+00, v6;
	[tilespmem:s1+$0xFFFFFF20] =	vst v3  }
0xfe: {  	[tilespmem:s1+$0xFFFFFF80] =	vst v1;
	v1 =	vmul.f32 $8.000000000e+00, v7  }
0xff: {  	[tilespmem:s1+$0xFFFFFFA0] =	vst v2  }
0x100: {  	[tilespmem:s1+$0xFFFFFF10] =	vst v1  }
0x101: {  	v0 =	vld [tilespmem:s0+$0x0]  }
0x102: {  	v4 =	vld [tilespmem:s0+$0x10]  }
0x103: {  	v3 =	vld [tilespmem:s0+$0xB0]  }
0x104: {  	v1 =	vld [tilespmem:s0+$0x30]  }
0x105: {  	s6 =	simm.s32 $0x8100;
	s17 =	simm.s32 $0x18100;
	s18 =	simm.s32 $0x0;
	v2 =	vld [tilespmem:s0+$0x80]  }
.LBB2_9:
0x106: {  	s18 =	sadd.s32 $0x2, s18;
	v5 =	vld [tilespmem:s0+$0x90];
	s1 =	sadd.s32 $0x200, s1;
	s6 =	sadd.s32 $0x200, s6  }
0x107: {  	p1 =	slt.u32 s18, $0x7E;
	v6 =	vld [tilespmem:s0+$0xA0];
	v4 =	vmul.f32 $8.000000000e+00, v4  }
0x108: {  	v7 =	vld [tilespmem:s0+$0x20];
	v3 =	vmul.f32 $8.000000000e+00, v3;
	s0 =	smov.u32 s6  }
0x109: {  	[tilespmem:s17+$0x10] =	vst v4;
	v1 =	vmul.f32 $8.000000000e+00, v1  }
0x10a: {  	v2 =	vmul.f32 $8.000000000e+00, v2;
	[tilespmem:s17+$0xB0] =	vst v3  }
0x10b: {  	[tilespmem:s17+$0x30] =	vst v1;
	v1 =	vmul.f32 $8.000000000e+00, v5  }
0x10c: {  	[tilespmem:s17+$0x80] =	vst v2;
	v2 =	vmul.f32 $8.000000000e+00, v6  }
0x10d: {  	v3 =	vmul.f32 $8.000000000e+00, v7;
	[tilespmem:s17+$0x90] =	vst v1  }
0x10e: {  	v0 =	vmul.f32 $8.000000000e+00, v0;
	[tilespmem:s17+$0xA0] =	vst v2  }
0x10f: {  	[tilespmem:s17+$0x20] =	vst v3  }
0x110: {  	[tilespmem:s17+$0x0] =	vst v0;
	s17 =	smov.u32 s1  }
0x111: {  	v0 =	vld [tilespmem:s6+$0xFFFFFFB0]  }
0x112: {  	v1 =	vld [tilespmem:s6+$0xFFFFFF90]  }
0x113: {  	v2 =	vld [tilespmem:s6+$0xFFFFFF00]  }
0x114: {  	v3 =	vld [tilespmem:s6+$0xFFFFFFA0]  }
0x115: {  	v4 =	vld [tilespmem:s6+$0xFFFFFF30]  }
0x116: {  	v5 =	vld [tilespmem:s6+$0xFFFFFF20]  }
0x117: {  	v6 =	vld [tilespmem:s6+$0xFFFFFF80]  }
0x118: {  	v0 =	vmul.f32 $8.000000000e+00, v0;
	v7 =	vld [tilespmem:s6+$0xFFFFFF10];
	v2 =	vmul.f32 $8.000000000e+00, v2  }
0x119: {  	v1 =	vmul.f32 $8.000000000e+00, v1  }
0x11a: {  	v3 =	vmul.f32 $8.000000000e+00, v3;
	[tilespmem:s1+$0xFFFFFF00] =	vst v2;
	v2 =	vmul.f32 $8.000000000e+00, v4  }
0x11b: {  	v4 =	vmul.f32 $8.000000000e+00, v5;
	[tilespmem:s1+$0xFFFFFF90] =	vst v1  }
0x11c: {  	[tilespmem:s1+$0xFFFFFF30] =	vst v2;
	v1 =	vmul.f32 $8.000000000e+00, v6  }
0x11d: {  	v2 =	vmul.f32 $8.000000000e+00, v7;
	[tilespmem:s1+$0xFFFFFF20] =	vst v4  }
0x11e: {  	[tilespmem:s1+$0xFFFFFF80] =	vst v1  }
0x11f: {  	[tilespmem:s1+$0xFFFFFFA0] =	vst v3  }
0x120: {  	[tilespmem:s1+$0xFFFFFFB0] =	vst v0  }
0x121: {  	[tilespmem:s1+$0xFFFFFF10] =	vst v2  }
.Ltmp5:
0x122: {  	v0 =	vld [tilespmem:s6+$0x0];
	(pc) =	sbr.rel @p1 .LBB2_9-.Ltmp5, $4  }
0x123: {  	v4 =	vld [tilespmem:s6+$0x10]  }
0x124: {  	v3 =	vld [tilespmem:s6+$0xB0]  }
0x125: {  	v1 =	vld [tilespmem:s6+$0x30]  }
0x126: {  	v2 =	vld [tilespmem:s6+$0x80]  }
0x127: {  	v5 =	vld [tilespmem:s0+$0x90];
	v0 =	vmul.f32 $8.000000000e+00, v0  }
0x128: {  	v6 =	vld [tilespmem:s0+$0xA0];
	v4 =	vmul.f32 $8.000000000e+00, v4  }
0x129: {  	v7 =	vld [tilespmem:s0+$0x20];
	v3 =	vmul.f32 $8.000000000e+00, v3;
	[tilespmem:s17+$0x0] =	vst v0  }
0x12a: {  	[tilespmem:s17+$0x10] =	vst v4;
	v1 =	vmul.f32 $8.000000000e+00, v1  }
0x12b: {  	v2 =	vmul.f32 $8.000000000e+00, v2;
	[tilespmem:s17+$0xB0] =	vst v3  }
0x12c: {  	[tilespmem:s17+$0x30] =	vst v1;
	v60 =	vmul.f32 $8.000000000e+00, v5  }
0x12d: {  	s18 =	sadd.s32 s13, s31;
	v61 =	vmul.f32 $8.000000000e+00, v6;
	[tilespmem:s17+$0x80] =	vst v2  }
0x12e: {  	s30 =	sadd.s32 $0x1, s30;
	s0 =	smin.u32 s18, $0xF41;
	v62 =	vmul.f32 $8.000000000e+00, v7;
	[tilespmem:s17+$0x90] =	vst v60  }
0x12f: {  	p1 =	sne.s32 s30, $0x3C;
	s0 =	sshll.u32 s0, $0xC;
	[tilespmem:s17+$0xA0] =	vst v61  }
.Ltmp6:
0x130: {  	s31 =	sadd.s32 s15, s31;
	s0 =	sadd.s32 s3, s0;
	[tilespmem:s17+$0x20] =	vst v62;
	(pc) =	sbr.rel @p1 .LBB2_6-.Ltmp6, $4  }
0x131: {  	[tilespmem:s20], [sflag:$0x2] =	stream.linear.gather [hbm4b:s0+s2], $0x8000, $0x38;
	v63 =	vld [tilespmem:$0x0]  }
0x132: {  	s0 =	sshll.u32 s31, $0xC  }
0x133: {  	s0 =	sadd.s32 s4, s0  }
0x134: {  	[hbm4b:s0+s2] =	stream.linear.scatter [tilespmem:s24], [sflag:$0x4], $0x8000, $0x38;
	v63 =	vld [tilespmem:$0x0]  }
0x135: {  	_ =	swait.ge [sflag:s21], $0x8000  }
0x136: {  	[sflag:s21] =	ssyncset.done $0x0  }
0x137: {  	[sflag:s21] =	ssyncadd.s32 $0xFFFF8000  }
0x138: {  	_ =	swait.ge [sflag:s25], $0x8000  }
0x139: {  	[sflag:s25] =	ssyncset.done $0x0  }
0x13a: {  	s0 =	simm.s32 $0x100;
	[sflag:s25] =	ssyncadd.s32 $0xFFFF8000  }
0x13b: {  	v1 =	vld [tilespmem:s0+$0xFFFFFF00]  }
0x13c: {  	v2 =	vld [tilespmem:s0+$0xFFFFFF90]  }
0x13d: {  	v0 =	vld [tilespmem:s0+$0xFFFFFFB0]  }
0x13e: {  	v3 =	vld [tilespmem:s0+$0xFFFFFF30]  }
0x13f: {  	v4 =	vld [tilespmem:s0+$0xFFFFFF20]  }
0x140: {  	v5 =	vld [tilespmem:s0+$0xFFFFFF80];
	v1 =	vmul.f32 $8.000000000e+00, v1  }
0x141: {  	s1 =	simm.s32 $0x10100;
	v6 =	vld [tilespmem:s0+$0xFFFFFFA0];
	v2 =	vmul.f32 $8.000000000e+00, v2  }
0x142: {  	v7 =	vld [tilespmem:s0+$0xFFFFFF10];
	v0 =	vmul.f32 $8.000000000e+00, v0;
	[tilespmem:s1+$0xFFFFFF00] =	vst v1  }
0x143: {  	v1 =	vmul.f32 $8.000000000e+00, v3;
	[tilespmem:s1+$0xFFFFFF90] =	vst v2  }
0x144: {  	v3 =	vmul.f32 $8.000000000e+00, v4;
	[tilespmem:s1+$0xFFFFFFB0] =	vst v0  }
0x145: {  	[tilespmem:s1+$0xFFFFFF30] =	vst v1;
	v1 =	vmul.f32 $8.000000000e+00, v5  }
0x146: {  	v2 =	vmul.f32 $8.000000000e+00, v6;
	[tilespmem:s1+$0xFFFFFF20] =	vst v3  }
0x147: {  	[tilespmem:s1+$0xFFFFFF80] =	vst v1;
	v1 =	vmul.f32 $8.000000000e+00, v7  }
0x148: {  	[tilespmem:s1+$0xFFFFFFA0] =	vst v2  }
0x149: {  	[tilespmem:s1+$0xFFFFFF10] =	vst v1  }
0x14a: {  	v0 =	vld [tilespmem:s0+$0x0]  }
0x14b: {  	v4 =	vld [tilespmem:s0+$0x10]  }
0x14c: {  	v3 =	vld [tilespmem:s0+$0xB0]  }
0x14d: {  	v1 =	vld [tilespmem:s0+$0x30]  }
0x14e: {  	s18 =	simm.s32 $0x0;
	s6 =	simm.s32 $0x100;
	s17 =	simm.s32 $0x10100;
	v2 =	vld [tilespmem:s0+$0x80]  }
.LBB2_12:
0x14f: {  	s18 =	sadd.s32 $0x2, s18;
	v5 =	vld [tilespmem:s0+$0x90];
	s1 =	sadd.s32 $0x200, s1;
	s6 =	sadd.s32 $0x200, s6  }
0x150: {  	p1 =	slt.u32 s18, $0x7E;
	v6 =	vld [tilespmem:s0+$0xA0];
	v4 =	vmul.f32 $8.000000000e+00, v4  }
0x151: {  	v7 =	vld [tilespmem:s0+$0x20];
	v3 =	vmul.f32 $8.000000000e+00, v3;
	s0 =	smov.u32 s6  }
0x152: {  	[tilespmem:s17+$0x10] =	vst v4;
	v1 =	vmul.f32 $8.000000000e+00, v1  }
0x153: {  	v2 =	vmul.f32 $8.000000000e+00, v2;
	[tilespmem:s17+$0xB0] =	vst v3  }
0x154: {  	[tilespmem:s17+$0x30] =	vst v1;
	v1 =	vmul.f32 $8.000000000e+00, v5  }
0x155: {  	[tilespmem:s17+$0x80] =	vst v2;
	v2 =	vmul.f32 $8.000000000e+00, v6  }
0x156: {  	v3 =	vmul.f32 $8.000000000e+00, v7;
	[tilespmem:s17+$0x90] =	vst v1  }
0x157: {  	v0 =	vmul.f32 $8.000000000e+00, v0;
	[tilespmem:s17+$0xA0] =	vst v2  }
0x158: {  	[tilespmem:s17+$0x20] =	vst v3  }
0x159: {  	[tilespmem:s17+$0x0] =	vst v0;
	s17 =	smov.u32 s1  }
0x15a: {  	v0 =	vld [tilespmem:s6+$0xFFFFFFB0]  }
0x15b: {  	v1 =	vld [tilespmem:s6+$0xFFFFFF90]  }
0x15c: {  	v2 =	vld [tilespmem:s6+$0xFFFFFF00]  }
0x15d: {  	v3 =	vld [tilespmem:s6+$0xFFFFFFA0]  }
0x15e: {  	v4 =	vld [tilespmem:s6+$0xFFFFFF30]  }
0x15f: {  	v5 =	vld [tilespmem:s6+$0xFFFFFF20]  }
0x160: {  	v6 =	vld [tilespmem:s6+$0xFFFFFF80]  }
0x161: {  	v0 =	vmul.f32 $8.000000000e+00, v0;
	v7 =	vld [tilespmem:s6+$0xFFFFFF10];
	v2 =	vmul.f32 $8.000000000e+00, v2  }
0x162: {  	v1 =	vmul.f32 $8.000000000e+00, v1  }
0x163: {  	v3 =	vmul.f32 $8.000000000e+00, v3;
	[tilespmem:s1+$0xFFFFFF00] =	vst v2;
	v2 =	vmul.f32 $8.000000000e+00, v4  }
0x164: {  	v4 =	vmul.f32 $8.000000000e+00, v5;
	[tilespmem:s1+$0xFFFFFF90] =	vst v1  }
0x165: {  	[tilespmem:s1+$0xFFFFFF30] =	vst v2;
	v1 =	vmul.f32 $8.000000000e+00, v6  }
0x166: {  	v2 =	vmul.f32 $8.000000000e+00, v7;
	[tilespmem:s1+$0xFFFFFF20] =	vst v4  }
0x167: {  	[tilespmem:s1+$0xFFFFFF80] =	vst v1  }
0x168: {  	[tilespmem:s1+$0xFFFFFFA0] =	vst v3  }
0x169: {  	[tilespmem:s1+$0xFFFFFFB0] =	vst v0  }
0x16a: {  	[tilespmem:s1+$0xFFFFFF10] =	vst v2  }
.Ltmp7:
0x16b: {  	v0 =	vld [tilespmem:s6+$0x0];
	(pc) =	sbr.rel @p1 .LBB2_12-.Ltmp7, $4  }
0x16c: {  	v4 =	vld [tilespmem:s6+$0x10]  }
0x16d: {  	v3 =	vld [tilespmem:s6+$0xB0]  }
0x16e: {  	v1 =	vld [tilespmem:s6+$0x30]  }
0x16f: {  	v2 =	vld [tilespmem:s6+$0x80]  }
0x170: {  	v5 =	vld [tilespmem:s0+$0x90];
	v0 =	vmul.f32 $8.000000000e+00, v0  }
0x171: {  	v7 =	vld [tilespmem:s0+$0x20];
	v4 =	vmul.f32 $8.000000000e+00, v4  }
0x172: {  	v6 =	vld [tilespmem:s0+$0xA0];
	v3 =	vmul.f32 $8.000000000e+00, v3;
	[tilespmem:s17+$0x0] =	vst v0  }
0x173: {  	[tilespmem:s17+$0x10] =	vst v4;
	v1 =	vmul.f32 $8.000000000e+00, v1  }
0x174: {  	v2 =	vmul.f32 $8.000000000e+00, v2;
	[tilespmem:s17+$0xB0] =	vst v3  }
0x175: {  	[tilespmem:s17+$0x30] =	vst v1;
	v1 =	vmul.f32 $8.000000000e+00, v5  }
0x176: {  	v3 =	vmul.f32 $8.000000000e+00, v7;
	[tilespmem:s17+$0x80] =	vst v2  }
0x177: {  	v2 =	vmul.f32 $8.000000000e+00, v6;
	[tilespmem:s17+$0x90] =	vst v1  }
0x178: {  	[tilespmem:s17+$0x20] =	vst v3  }
0x179: {  	[tilespmem:s17+$0xA0] =	vst v2  }
0x17a: {  	[hbm4b:s14+s2] =	stream.linear.scatter [tilespmem:s22], [sflag:$0x3], $0x8000, $0x38;
	v63 =	vld [tilespmem:$0x0]  }
0x17b: {  	_ =	swait.ge [sflag:s23], $0x8000  }
0x17c: {  	[sflag:s23] =	ssyncset.done $0x0  }
0x17d: {  	[sflag:s23] =	ssyncadd.s32 $0xFFFF8000  }
0x17e: {  	_ =	swait.ge [sflag:s26], $0x8000  }
0x17f: {  	[sflag:s26] =	ssyncset.done $0x0  }
0x180: {  	s0 =	simm.s32 $0x8100;
	[sflag:s26] =	ssyncadd.s32 $0xFFFF8000  }
0x181: {  	v1 =	vld [tilespmem:s0+$0xFFFFFF00]  }
0x182: {  	v2 =	vld [tilespmem:s0+$0xFFFFFF90]  }
0x183: {  	v0 =	vld [tilespmem:s0+$0xFFFFFFB0]  }
0x184: {  	v3 =	vld [tilespmem:s0+$0xFFFFFF30]  }
0x185: {  	v4 =	vld [tilespmem:s0+$0xFFFFFF20]  }
0x186: {  	v5 =	vld [tilespmem:s0+$0xFFFFFF80];
	v1 =	vmul.f32 $8.000000000e+00, v1  }
0x187: {  	s1 =	simm.s32 $0x18100;
	v6 =	vld [tilespmem:s0+$0xFFFFFFA0];
	v2 =	vmul.f32 $8.000000000e+00, v2  }
0x188: {  	v7 =	vld [tilespmem:s0+$0xFFFFFF10];
	v0 =	vmul.f32 $8.000000000e+00, v0;
	[tilespmem:s1+$0xFFFFFF00] =	vst v1  }
0x189: {  	v1 =	vmul.f32 $8.000000000e+00, v3;
	[tilespmem:s1+$0xFFFFFF90] =	vst v2  }
0x18a: {  	v3 =	vmul.f32 $8.000000000e+00, v4;
	[tilespmem:s1+$0xFFFFFFB0] =	vst v0  }
0x18b: {  	[tilespmem:s1+$0xFFFFFF30] =	vst v1;
	v1 =	vmul.f32 $8.000000000e+00, v5  }
0x18c: {  	v2 =	vmul.f32 $8.000000000e+00, v6;
	[tilespmem:s1+$0xFFFFFF20] =	vst v3  }
0x18d: {  	[tilespmem:s1+$0xFFFFFF80] =	vst v1;
	v1 =	vmul.f32 $8.000000000e+00, v7  }
0x18e: {  	[tilespmem:s1+$0xFFFFFFA0] =	vst v2  }
0x18f: {  	[tilespmem:s1+$0xFFFFFF10] =	vst v1  }
0x190: {  	v0 =	vld [tilespmem:s0+$0x0]  }
0x191: {  	v4 =	vld [tilespmem:s0+$0x10]  }
0x192: {  	v3 =	vld [tilespmem:s0+$0xB0]  }
0x193: {  	v1 =	vld [tilespmem:s0+$0x30]  }
0x194: {  	s18 =	simm.s32 $0x0;
	s6 =	simm.s32 $0x8100;
	s17 =	simm.s32 $0x18100;
	v2 =	vld [tilespmem:s0+$0x80]  }
.LBB2_14:
0x195: {  	s18 =	sadd.s32 $0x2, s18;
	v5 =	vld [tilespmem:s0+$0x90];
	s1 =	sadd.s32 $0x200, s1;
	s6 =	sadd.s32 $0x200, s6  }
0x196: {  	p1 =	slt.u32 s18, $0x7E;
	v6 =	vld [tilespmem:s0+$0xA0];
	v4 =	vmul.f32 $8.000000000e+00, v4  }
0x197: {  	v7 =	vld [tilespmem:s0+$0x20];
	v3 =	vmul.f32 $8.000000000e+00, v3;
	s0 =	smov.u32 s6  }
0x198: {  	[tilespmem:s17+$0x10] =	vst v4;
	v1 =	vmul.f32 $8.000000000e+00, v1  }
0x199: {  	v2 =	vmul.f32 $8.000000000e+00, v2;
	[tilespmem:s17+$0xB0] =	vst v3  }
0x19a: {  	[tilespmem:s17+$0x30] =	vst v1;
	v1 =	vmul.f32 $8.000000000e+00, v5  }
0x19b: {  	[tilespmem:s17+$0x80] =	vst v2;
	v2 =	vmul.f32 $8.000000000e+00, v6  }
0x19c: {  	v3 =	vmul.f32 $8.000000000e+00, v7;
	[tilespmem:s17+$0x90] =	vst v1  }
0x19d: {  	v0 =	vmul.f32 $8.000000000e+00, v0;
	[tilespmem:s17+$0xA0] =	vst v2  }
0x19e: {  	[tilespmem:s17+$0x20] =	vst v3  }
0x19f: {  	[tilespmem:s17+$0x0] =	vst v0;
	s17 =	smov.u32 s1  }
0x1a0: {  	v0 =	vld [tilespmem:s6+$0xFFFFFFB0]  }
0x1a1: {  	v1 =	vld [tilespmem:s6+$0xFFFFFF90]  }
0x1a2: {  	v2 =	vld [tilespmem:s6+$0xFFFFFF00]  }
0x1a3: {  	v3 =	vld [tilespmem:s6+$0xFFFFFFA0]  }
0x1a4: {  	v4 =	vld [tilespmem:s6+$0xFFFFFF30]  }
0x1a5: {  	v5 =	vld [tilespmem:s6+$0xFFFFFF20]  }
0x1a6: {  	v6 =	vld [tilespmem:s6+$0xFFFFFF80]  }
0x1a7: {  	v0 =	vmul.f32 $8.000000000e+00, v0;
	v7 =	vld [tilespmem:s6+$0xFFFFFF10];
	v2 =	vmul.f32 $8.000000000e+00, v2  }
0x1a8: {  	v1 =	vmul.f32 $8.000000000e+00, v1  }
0x1a9: {  	v3 =	vmul.f32 $8.000000000e+00, v3;
	[tilespmem:s1+$0xFFFFFF00] =	vst v2;
	v2 =	vmul.f32 $8.000000000e+00, v4  }
0x1aa: {  	v4 =	vmul.f32 $8.000000000e+00, v5;
	[tilespmem:s1+$0xFFFFFF90] =	vst v1  }
0x1ab: {  	[tilespmem:s1+$0xFFFFFF30] =	vst v2;
	v1 =	vmul.f32 $8.000000000e+00, v6  }
0x1ac: {  	v2 =	vmul.f32 $8.000000000e+00, v7;
	[tilespmem:s1+$0xFFFFFF20] =	vst v4  }
0x1ad: {  	[tilespmem:s1+$0xFFFFFF80] =	vst v1  }
0x1ae: {  	[tilespmem:s1+$0xFFFFFFA0] =	vst v3  }
0x1af: {  	[tilespmem:s1+$0xFFFFFFB0] =	vst v0  }
0x1b0: {  	[tilespmem:s1+$0xFFFFFF10] =	vst v2  }
.Ltmp8:
0x1b1: {  	v0 =	vld [tilespmem:s6+$0x0];
	(pc) =	sbr.rel @p1 .LBB2_14-.Ltmp8, $4  }
0x1b2: {  	v4 =	vld [tilespmem:s6+$0x10]  }
0x1b3: {  	v3 =	vld [tilespmem:s6+$0xB0]  }
0x1b4: {  	v1 =	vld [tilespmem:s6+$0x30]  }
0x1b5: {  	v2 =	vld [tilespmem:s6+$0x80]  }
0x1b6: {  	v5 =	vld [tilespmem:s0+$0x90];
	v0 =	vmul.f32 $8.000000000e+00, v0  }
0x1b7: {  	v6 =	vld [tilespmem:s0+$0xA0];
	v4 =	vmul.f32 $8.000000000e+00, v4  }
0x1b8: {  	v7 =	vld [tilespmem:s0+$0x20];
	v3 =	vmul.f32 $8.000000000e+00, v3;
	[tilespmem:s17+$0x0] =	vst v0  }
0x1b9: {  	[tilespmem:s17+$0x10] =	vst v4;
	v1 =	vmul.f32 $8.000000000e+00, v1  }
0x1ba: {  	v2 =	vmul.f32 $8.000000000e+00, v2;
	[tilespmem:s17+$0xB0] =	vst v3  }
0x1bb: {  	[tilespmem:s17+$0x30] =	vst v1;
	v60 =	vmul.f32 $8.000000000e+00, v5  }
0x1bc: {  	v61 =	vmul.f32 $8.000000000e+00, v6;
	[tilespmem:s17+$0x80] =	vst v2  }
0x1bd: {  	v62 =	vmul.f32 $8.000000000e+00, v7;
	[tilespmem:s17+$0x90] =	vst v60  }
0x1be: {  	[tilespmem:s17+$0xA0] =	vst v61  }
0x1bf: {  	[tilespmem:s17+$0x20] =	vst v62  }
0x1c0: {  	[hbm4b:s16+s2] =	stream.linear.scatter [tilespmem:s24], [sflag:$0x4], $0x8000, $0x38;
	v63 =	vld [tilespmem:$0x0]  }
0x1c1: {  	_ =	swait.ge [sflag:s25], $0x8000  }
.Ltmp9:
0x1c2: {  	[sflag:s25] =	ssyncset.done $0x0;
	(pc) =	sbr.rel @p0 .LBB2_19-.Ltmp9, $4  }
0x1c3: {  	[sflag:s25] =	ssyncadd.s32 $0xFFFF8000  }
0x1c4: {  	_ =	swait.ge [sflag:s26], $0x8000  }
0x1c5: {  	[sflag:s26] =	ssyncset.done $0x0  }
0x1c6: {  	[sflag:s26] =	ssyncadd.s32 $0xFFFF8000  }
0x1c7: {  	s0 =	simm.s32 $0x0;
	s1 =	rddreg [dreg:$0x3]  }
0x1c8: {  	[tilespmem:s0], [sflag:$0x5] =	stream.linear.gather [hbm4b:s1+s0], $0x2000, $0x38;
	v63 =	vld [tilespmem:$0x0]  }
0x1c9: {  	_ =	swait.ge [sflag:s28], $0x2000  }
0x1ca: {  	[sflag:s28] =	ssyncset.done $0x0  }
0x1cb: {  	s0 =	simm.s32 $0x0;
	[sflag:s28] =	ssyncadd.s32 $0xFFFFE000  }
0x1cc: {  	v1 =	vld [tilespmem:s0+$0x30]  }
0x1cd: {  	v2 =	vld [tilespmem:s0+$0x0]  }
0x1ce: {  	v3 =	vld [tilespmem:s0+$0x10]  }
0x1cf: {  	v0 =	vld [tilespmem:s0+$0x20]  }
0x1d0: {  	s1 =	simm.s32 $0x200  }
.LBB2_17:
0x1d1: {  	s6 =	sshra.s32 s1, $0x2;
	p1 =	sne.s32 s1, $0x7E00;
	s1 =	sadd.s32 $0x200, s1;
	v4 =	vmul.f32 $8.000000000e+00, v1  }
.Ltmp10:
0x1d2: {  	v1 =	vld [tilespmem:s6+$0x30];
	v5 =	vmul.f32 $8.000000000e+00, v2;
	(pc) =	sbr.rel @p1 .LBB2_17-.Ltmp10, $4  }
0x1d3: {  	v2 =	vld [tilespmem:s6+$0x0];
	v6 =	vmul.f32 $8.000000000e+00, v3;
	[tilespmem:s0+$0x10030] =	vst v4  }
0x1d4: {  	v3 =	vld [tilespmem:s6+$0x10];
	[tilespmem:s0+$0x10000] =	vst v5;
	v4 =	vmul.f32 $8.000000000e+00, v0  }
0x1d5: {  	v0 =	vld [tilespmem:s6+$0x20];
	[tilespmem:s0+$0x10010] =	vst v6  }
0x1d6: {  	[tilespmem:s0+$0x10020] =	vst v4;
	s0 =	smov.u32 s6  }
0x1d7: {  	v1 =	vmul.f32 $8.000000000e+00, v1  }
0x1d8: {  	v2 =	vmul.f32 $8.000000000e+00, v2  }
0x1d9: {  	v3 =	vmul.f32 $8.000000000e+00, v3;
	[tilespmem:s0+$0x10030] =	vst v1  }
0x1da: {  	[tilespmem:s0+$0x10000] =	vst v2;
	v0 =	vmul.f32 $8.000000000e+00, v0  }
0x1db: {  	[tilespmem:s0+$0x10010] =	vst v3  }
.Ltmp11:
0x1dc: {  	s31 =	rddreg [dreg:$0x4];
	[tilespmem:s0+$0x10020] =	vst v0;
	(pc) =	sbr.rel .LBB2_19-.Ltmp11, $4  }
0x1dd: {  	[hbm4b:s31+s2] =	stream.linear.scatter [tilespmem:s22], [sflag:$0x5], $0x2000, $0x38;
	v63 =	vld [tilespmem:$0x0]  }
0x1de: {  	_ =	swait.ge [sflag:s28], $0x2000  }
0x1df: {  	[sflag:s28] =	ssyncset.done $0x0  }
0x1e0: {  	[sflag:s28] =	ssyncadd.s32 $0xFFFFE000  }
.LBB2_20:
0x1e1: {  	_ =	sfence.sel $0x180000  }
0x1e2: {  	[bflag:$0x0] =	sbarrier.arrive $0xFFFF  }
0x1e3: {  	_ =	strace $0x90000047  }
0x1e4: {  	s0 =	stileid.u32;
	[bflag:$0x2] =	sbarrier.arrive $0xFFFF  }
0x1e5: {  	p0 =	sne.s32 s0, $0x0;
	s0 =	rddreg [dreg:$0x1]  }
0x1e6: {  	s0 =	sadd.s32 @!p0 $0x100000, s0  }
0x1e7: {  	[sflag:s0] =	ssyncadd.tile.s32 @!p0 $0x1;
	_ =	shalt  }
.Lfunc_end2:
_tile_overlayer_lowered:
.L_overlay_start_2:
0x1e8: {  	(tag) =	ssettag $0x2  }
0x1e9: {  	s0 =	rddreg [dreg:$0x0];
	s2 =	stileid.u32  }
0x1ea: {  	s1 =	rddreg [dreg:$0x1];
	p0 =	sne.s32 s2, $0x0  }
0x1eb: {  	s3 =	rddreg [dreg:$0x2];
	[bflag:$0x3] =	sbarrier.arrive $0xFFFF;
	s2 =	simm.s32 @!p0 $0x1C05  }
0x1ec: {  	[timem:s3], [sflag:s2] =	dma.local @!p0 [hbm:s0], s1  }
0x1ed: {  	s0 =	simm.s32 @!p0 $0x5  }
0x1ee: {  	_ =	swait.ge @!p0 [sflag:s0], s1  }
0x1ef: {  	s1 =	ssub.s32 @!p0 $0x0, s1;
	[sflag:s0] =	ssyncset.done @!p0 $0x0  }
0x1f0: {  	[sflag:s0] =	ssyncadd.s32 @!p0 s1  }
0x1f1: {  	[bflag:$0x3] =	sbarrier.arrive $0xFFFF  }
0x1f2: {  	_ =	shalt  }

// kernel: kernel.7.cloned.1.call-start
scs
__scs_entry_jumppad:
0x0: {  	(pc) =	sbr.rel $0x88, $3  }
0x1: {  	(tag) =	ssettag $0x0;
	lr =	simm.s32 $0x1  }
0x2: {  	[smem:$0x3F9F] =	sst lr;
	_ =	strace $0xD0000000  }
0x3: {  	_ = 	snop  }
0x4: {  	_ = 	snop  }
0x5: {  	_ = 	snop  }
0x6: {  	_ = 	snop  }
0x7: {  	_ = 	snop  }
__scs_overlays_trampoline_lowered:
0x8: {  	[smem:$0x3FAE] =	sst s0  }
0x9: {  	[smem:$0x3FAF] =	sst s1  }
0xa: {  	[smem:$0x3FB0] =	sst s2  }
0xb: {  	[smem:$0x3FB1] =	sst s3  }
0xc: {  	[smem:$0x3FB2] =	sst s4  }
0xd: {  	[smem:$0x3FB3] =	sst s5  }
0xe: {  	[smem:$0x3FB4] =	sst s6  }
0xf: {  	[smem:$0x3FB5] =	sst s7  }
0x10: {  	[smem:$0x3FB6] =	sst s8  }
0x11: {  	[smem:$0x3FB7] =	sst s9;
	s0 =	simm.s32 @!p0 $0x0  }
0x12: {  	s1 =	sld [smem:$0x3F9D];
	s0 =	simm.s32 @p0 $0x1  }
0x13: {  	[smem:$0x3FB8] =	sst s0;
	s0 =	simm.s32 @!p1 $0x0  }
0x14: {  	s2 =	sld [smem:$0x3F9C];
	s0 =	simm.s32 @p1 $0x1  }
0x15: {  	[smem:$0x3FB9] =	sst s0;
	s0 =	simm.s32 @!p2 $0x0  }
0x16: {  	s3 =	sld [smem:$0x3FDB];
	s0 =	simm.s32 @p2 $0x1  }
0x17: {  	s4 =	simm.s32 $0x1BF5;
	[smem:$0x3FBB] =	sst s0  }
0x18: {  	s0 =	sld [smem:$0x3F9E];
	_ =	swait.ge [sflag:s4], $0x0  }
0x19: {  	s7 =	sld [smem:$0x3F9F]  }
0x1a: {  	s8 =	sadd.s32 $0xFFFFE003, lr  }
0x1b: {  	s9 =	sadd.s32 $0xFFFFFEF7, lr;
	s5 =	simm.s32 $0xFFFFFFFF;
	p2 =	slt.u32 s8, $0xFFFFF086  }
0x1c: {  	p1 =	slt.u32 s9, $0xF7A;
	s5 =	simm.s32 @!p2 $0x0  }
0x1d: {  	s5 =	simm.s32 @p1 $0x1;
	p0 =	seq.s32 s7, s2  }
0x1e: {  	s7 =	smul.u32 @!p0 $0xF7A, s2;
	p2 =	seq.s32 @!p0 s5, $0x0  }
0x1f: {  	s9 =	smul.u32 $0xF7A, s1;
	s8 =	simm.s32 @!p0 $0x1BF5;
	p2 =	por !p2, p0  }
0x20: {  	[sflag:s8] =	ssyncset.s32 @!p0 $0xFFFFF086;
	s6 =	sadd.s32 @!p0 s3, s7;
	s7 =	simm.s32 @!p0 $0x108  }
0x21: {  	s3 =	sadd.s32 s3, s9;
	s6 =	sadd.s32 @!p0 $0x88, s6;
	s7 =	simm.s32 @p2 $0x1082  }
0x22: {  	[simem:s7], [sflag:s8] =	dma.local @!p0 [hbm:s6], $0xF7A  }
0x23: {  	s9 =	sor.u32 $0xD0000000, s2;
	s6 =	simm.s32 $0x108;
	_ =	swait.ge @!p0 [sflag:s8], $0x0  }
0x24: {  	s3 =	sadd.s32 $0x88, s3;
	s6 =	simm.s32 @!p1 $0x1082;
	[sflag:s4] =	ssyncset.s32 $0xFFFFF086  }
0x25: {  	[simem:s6], [sflag:s4] =	dma.local [hbm:s3], $0xF7A  }
0x26: {  	[smem:$0x3F9F] =	sst s1;
	(tag) =	ssettag s2;
	_ =	strace s9  }
0x27: {  	s1 =	sld [smem:$0x3FAF]  }
0x28: {  	s2 =	sld [smem:$0x3FB0]  }
0x29: {  	s4 =	sld [smem:$0x3FB2]  }
0x2a: {  	p0 =	seq.s32 s5, $0x0;
	s5 =	sld [smem:$0x3FB3]  }
0x2b: {  	s6 =	sld [smem:$0x3FB4]  }
0x2c: {  	s7 =	sld [smem:$0x3FB5]  }
0x2d: {  	s3 =	simm.s32 $0x108;
	s8 =	sld [smem:$0x3FB6]  }
0x2e: {  	s3 =	simm.s32 @!p0 $0x1082;
	s9 =	sld [smem:$0x3FB7]  }
0x2f: {  	lr =	sadd.s32 s0, s3;
	s0 =	sld [smem:$0x3FAE]  }
0x30: {  	s3 =	sld [smem:$0x3FB1]  }
0x31: {  	[smem:$0x3FBA] =	sst s10  }
0x32: {  	s10 =	sld [smem:$0x3FB8];
	_ =	sdelay $0x3  }
0x33: {  	p0 =	seq.s32 s10, $0x1;
	s10 =	sld [smem:$0x3FBA];
	_ =	sdelay $0x3  }
0x34: {  	[smem:$0x3FBA] =	sst s10  }
0x35: {  	s10 =	sld [smem:$0x3FB9];
	_ =	sdelay $0x3  }
0x36: {  	p1 =	seq.s32 s10, $0x1;
	s10 =	sld [smem:$0x3FBA];
	_ =	sdelay $0x3  }
0x37: {  	[smem:$0x3FBA] =	sst s10  }
0x38: {  	s10 =	sld [smem:$0x3FBB]  }
0x39: {  	_ = 	snop;
	(pc) =	sbr.ind lr, $3  }
0x3a: {  	_ = 	snop  }
0x3b: {  	_ = 	snop  }
0x3c: {  	p2 =	seq.s32 s10, $0x1;
	s10 =	sld [smem:$0x3FBA]  }
0x3d: {  	_ =	shalt  }
0x3e: {  	_ =	shalt  }
0x3f: {  	_ =	shalt  }
0x40: {  	_ =	shalt  }
0x41: {  	_ =	shalt  }
0x42: {  	_ =	shalt  }
0x43: {  	_ =	shalt  }
0x44: {  	_ =	shalt  }
0x45: {  	_ =	shalt  }
0x46: {  	_ =	shalt  }
0x47: {  	_ =	shalt  }
0x48: {  	_ =	shalt  }
0x49: {  	_ =	shalt  }
0x4a: {  	_ =	shalt  }
0x4b: {  	_ =	shalt  }
0x4c: {  	_ =	shalt  }
0x4d: {  	_ =	shalt  }
0x4e: {  	_ =	shalt  }
0x4f: {  	_ =	shalt  }
0x50: {  	_ =	shalt  }
0x51: {  	_ =	shalt  }
0x52: {  	_ =	shalt  }
0x53: {  	_ =	shalt  }
0x54: {  	_ =	shalt  }
0x55: {  	_ =	shalt  }
0x56: {  	_ =	shalt  }
0x57: {  	_ =	shalt  }
0x58: {  	_ =	shalt  }
0x59: {  	_ =	shalt  }
0x5a: {  	_ =	shalt  }
0x5b: {  	_ =	shalt  }
0x5c: {  	_ =	shalt  }
0x5d: {  	_ =	shalt  }
0x5e: {  	_ =	shalt  }
0x5f: {  	_ =	shalt  }
0x60: {  	_ =	shalt  }
0x61: {  	_ =	shalt  }
0x62: {  	_ =	shalt  }
0x63: {  	_ =	shalt  }
0x64: {  	_ =	shalt  }
0x65: {  	_ =	shalt  }
0x66: {  	_ =	shalt  }
0x67: {  	_ =	shalt  }
0x68: {  	_ =	shalt  }
0x69: {  	_ =	shalt  }
0x6a: {  	_ =	shalt  }
0x6b: {  	_ =	shalt  }
0x6c: {  	_ =	shalt  }
0x6d: {  	_ =	shalt  }
0x6e: {  	_ =	shalt  }
0x6f: {  	_ =	shalt  }
0x70: {  	_ =	shalt  }
0x71: {  	_ =	shalt  }
0x72: {  	_ =	shalt  }
0x73: {  	_ =	shalt  }
0x74: {  	_ =	shalt  }
0x75: {  	_ =	shalt  }
0x76: {  	_ =	shalt  }
0x77: {  	_ =	shalt  }
0x78: {  	_ =	shalt  }
0x79: {  	_ =	shalt  }
0x7a: {  	_ =	shalt  }
0x7b: {  	_ =	shalt  }
0x7c: {  	_ =	shalt  }
0x7d: {  	_ =	shalt  }
0x7e: {  	_ =	shalt  }
0x7f: {  	_ =	shalt  }
0x80: {  	_ =	shalt  }
0x81: {  	_ =	shalt  }
0x82: {  	_ =	shalt  }
0x83: {  	_ =	shalt  }
0x84: {  	_ =	shalt  }
0x85: {  	_ =	shalt  }
0x86: {  	_ =	shalt  }
0x87: {  	_ =	shalt  }
.Lfunc_end0:
.L_simem_size_0:
called_computation.2_lowered:
.L_overlay_start_0:
0x88: {  	s2 =	sld [smem:$0x3FD9]  }
0x89: {  	s3 =	sld [smem:$0x3FFE];
	_ =	sdelay $0x1  }
0x8a: {  	s1 =	srdreg.scid  }
0x8b: {  	s0 =	sand.u32 $0x1, s1  }
0x8c: {  	s17 =	sshll.u32 s0, $0xA;
	s2 =	sadd.s32 s3, s2  }
0x8d: {  	s2 =	sadd.s32 s2, s17  }
0x8e: {  	[smem:$0x3FC6] =	sst s2  }
0x8f: {  	_ = 	snop  }
0x90: {  	s2 =	sld [smem:$0x3FD0];
	(tm) =	ssettm $0x1  }
0x91: {  	s18 =	sld [smem:$0x3FFB];
	_ =	sdelay $0x3  }
0x92: {  	_ =	strace s18  }
0x93: {  	s3 =	sld [smem:$0x3FFC];
	_ =	sdelay $0x3  }
0x94: {  	_ =	strace s3  }
0x95: {  	s3 =	sld [smem:$0x3FFD];
	_ =	sdelay $0x3  }
0x96: {  	_ =	strace s3  }
0x97: {  	_ =	strace $0x8FFFFFFF  }
0x98: {  	s19 =	sld [smem:$0x3FDB];
	_ =	sdelay $0x1  }
0x99: {  	s4 =	simm.s32 $_scs_section_size  }
0x9a: {  	s5 =	simm.s32 $_size__tile_overlayer_lowered;
	s6 =	simm.s32 $_tile_overlayer_lowered  }
0x9b: {  	s22 =	simm.s32 $0x1BFF;
	s21 =	sshll.u32 s6, $0x1;
	s3 =	sadd.s32 s4, s19  }
0x9c: {  	s7 =	simm.s32 $0x0;
	s20 =	sshll.u32 s5, $0x1;
	s5 =	sadd.s32 s21, s3  }
0x9d: {  	[timem:s7], [sflag:s22] =	dma.local [hbm:s5], s20  }
0x9e: {  	_ =	swait.ge [sflag:s22], s20  }
0x9f: {  	s4 =	ssub.s32 $0x0, s20;
	[sflag:s22] =	ssyncset.done $0x0  }
0xa0: {  	[sflag:s22] =	ssyncadd.s32 s4;
	_ =	sdelay $0x1  }
0xa1: {  	s23 =	simm.s32 $0x1B8B  }
0xa2: {  	_ =	swait.ge [sflag:s23], $0x1  }
0xa3: {  	[sflag:s23] =	ssyncset.done $0x0  }
0xa4: {  	s25 =	simm.s32 $0x1B8E;
	s24 =	sld [smem:$0x3FFE];
	[sflag:s23] =	ssyncadd.s32 $0xFFFFFFFF  }
0xa5: {  	s26 =	simm.s32 $execute0_lowered;
	[smem:$0x3FD2] =	sst s25  }
0xa6: {  	s5 =	sshll.u32 s26, $0x1;
	_ =	strace $0x80000049;
	[dreg:$0x1] =	wrdreg $0xFFFFFFFF  }
0xa7: {  	s28 =	simm.s32 $_size_execute0_lowered;
	s3 =	sadd.s32 s3, s5;
	[dreg:$0x0] =	wrdreg $0x0  }
0xa8: {  	s5 =	sshll.u32 s28, $0x1;
	[dreg:$0x2] =	wrdreg s3  }
0xa9: {  	[dreg:$0x3] =	wrdreg s5  }
0xaa: {  	[dreg:$0x4] =	wrdreg $0xC0  }
0xab: {  	_ =	task [dreg:s7], $0x5FFFF  }
0xac: {  	[dreg:$0x1] =	wrdreg $0xFFFFFFFF  }
0xad: {  	[dreg:$0x0] =	wrdreg $0x60  }
0xae: {  	[dreg:$0x2] =	wrdreg s2  }
0xaf: {  	[dreg:$0x3] =	wrdreg s24  }
0xb0: {  	[dreg:$0x4] =	wrdreg $0x9  }
0xb1: {  	_ =	task.clear_ibuf [dreg:s7], $0x5FFFF;
	_ =	strace $0x90000049  }
0xb2: {  	s29 =	simm.s32 $0x9;
	_ =	strace $0x8000004B  }
0xb3: {  	_ =	swait.ge [sflag:s29], $0x1  }
0xb4: {  	[sflag:s29] =	ssyncadd.s32 $0xFFFFFFFF  }
0xb5: {  	_ =	strace $0x9000004B  }
0xb6: {  	_ =	sfence  }
0xb7: {  	s30 =	sld [smem:$0x0];
	_ =	sdelay $0x2  }
0xb8: {  	s31 =	sshll.u32 s1, $0xD;
	s1 =	sshrl.u32 s1, $0x2  }
0xb9: {  	s3 =	sand.u32 $0x4000, s31;
	s1 =	sadd.s32 s1, s30  }
0xba: {  	s0 =	sor.u32 s3, s0;
	s1 =	sshll.u32 s1, $0x11  }
0xbb: {  	s0 =	sor.u32 s1, s0  }
0xbc: {  	s0 =	sadd.s32 $0x8F2B, s0  }
0xbd: {  	[sflag:s0] =	ssyncadd.remote.s32 $0x1  }
0xbe: {  	_ =	sfence.sel $0xFFFF  }
0xbf: {  	[dreg:$0x0] =	wrdreg $0xFFFFFFFF;
	(pc) =	sbr.abs _section_cstart, $3  }
0xc0: {  	[dreg:$0x1] =	wrdreg $0xFFFFFFFF  }
0xc1: {  	_ =	task.clear_ibuf [dreg:s7], $0x2FFFF;
	_ =	strace $0x9FFFFFFF  }
0xc2: {  	(tm) =	ssettm $0x7FFFFFFF  }
0xc3: {  	_ =	shalt  }
tec
execute0_lowered:
.L_overlay_start_1:
0x0: {  	(tag) =	ssettag $0x1  }
0x1: {  	s0 =	srdreg.scid  }
0x2: {  	s2 =	stileid.u32;
	s1 =	rddreg [dreg:$0x0]  }
0x3: {  	s4 =	rddreg [dreg:$0x1];
	s13 =	simm.s32 $0x5;
	s14 =	simm.s32 $0x80  }
0x4: {  	s15 =	simm.s32 $0x6400;
	s16 =	simm.s32 $0xA400;
	s17 =	simm.s32 $0x1  }
0x5: {  	s18 =	simm.s32 $0x100;
	s19 =	simm.s32 $0xE400;
	s20 =	simm.s32 $0x2  }
0x6: {  	s21 =	simm.s32 $0x180;
	s0 =	sand.u32 $0x1, s0;
	s2 =	sshll.u32 s2, $0x1  }
0x7: {  	s22 =	simm.s32 $0x12400;
	s23 =	simm.s32 $0x3;
	s3 =	sor.u32 s0, s2  }
0x8: {  	s24 =	simm.s32 $0x4;
	s25 =	simm.s32 $0x0;
	s9 =	smul.u32 $0x6400, s3  }
0x9: {  	s2 =	simm.s32 $0x0;
	s0 =	ssub.s32 $0x2, s0;
	s5 =	smul.u32 $0x64000, s3  }
0xa: {  	[smem:$0x7FF] =	sst s2;
	s7 =	smul.u32 $0x320000, s3;
	s3 =	sadd.s32 $0xF43200, s4  }
0xb: {  	s6 =	sshrl.u32 s0, $0x1;
	s4 =	sadd.s32 $0xE00, s4;
	_ =	strace $0x8000004A  }
0xc: {  	s0 =	ssub.s32 s0, s6;
	s30 =	sshrl.u32 s9, $0x3;
	s5 =	sadd.s32 s4, s5  }
0xd: {  	s8 =	sshrl.u32 s7, $0x3;
	s12 =	smax.u32 s0, $0x1;
	s6 =	sadd.s32 s1, s30  }
0xe: {  	s7 =	sadd.s32 $0x800, s5;
	s31 =	sadd.s32 s4, s8;
	s8 =	sor.u32 $0x100, s9  }
0xf: {  	s9 =	sor.u32 $0x180, s9;
	s10 =	sadd.s32 $0x63000, s31;
	s11 =	sadd.s32 $0x63800, s31  }
.LBB2_1:
0x10: {  	[tilespmem:s2], [sflag:$0x5] =	stream.linear.gather [hbm4b:s6+s2], $0x6400, $0x38;
	[tilespmem:$0x16400] =	vst v63  }
0x11: {  	_ =	swait.ge [sflag:s13], $0x6400  }
0x12: {  	[sflag:s13] =	ssyncset.done $0x0  }
0x13: {  	[sflag:s13] =	ssyncadd.s32 $0xFFFF9C00  }
0x14: {  	[tilespmem:s15], [sflag:$0x1] =	stream.indirect.gather [hbm4b:s3+s14], $0x80, s2, s14, $0xb8;
	[tilespmem:$0x16400] =	vst v63  }
0x15: {  	_ = 	snop  }
0x16: {  	[tilespmem:s16], [sflag:$0x2] =	stream.indirect.gather [hbm4b:s3+s14], $0x80, s14, s14, $0xb8;
	[tilespmem:$0x16400] =	vst v63  }
0x17: {  	_ =	swait.ge [sflag:s17], $0x4000  }
0x18: {  	[sflag:s17] =	ssyncset.done $0x0  }
0x19: {  	s26 =	simm.s32 $0x6480;
	[sflag:s17] =	ssyncadd.s32 $0xFFFFC000  }
0x1a: {  	v0 =	vld [tilespmem:s26+$0xFFFFFF80]  }
0x1b: {  	v1 =	vld [tilespmem:s26+$0xFFFFFFB0]  }
0x1c: {  	v2 =	vld [tilespmem:s26+$0xFFFFFFA0]  }
0x1d: {  	v3 =	vld [tilespmem:s26+$0xFFFFFF90]  }
0x1e: {  	s28 =	simm.s32 $0xE480  }
0x1f: {  	[tilespmem:s28+$0xFFFFFF80] =	vst v0  }
0x20: {  	[tilespmem:s28+$0xFFFFFFB0] =	vst v1  }
0x21: {  	[tilespmem:s28+$0xFFFFFFA0] =	vst v2  }
0x22: {  	[tilespmem:s28+$0xFFFFFF90] =	vst v3  }
0x23: {  	v3 =	vld [tilespmem:s26+$0x30]  }
0x24: {  	v0 =	vld [tilespmem:s26+$0x20]  }
0x25: {  	v1 =	vld [tilespmem:s26+$0x10]  }
0x26: {  	s29 =	simm.s32 $0x0;
	s1 =	simm.s32 $0xE480;
	v2 =	vld [tilespmem:s26+$0x0]  }
.LBB2_2:
0x27: {  	_ = 	snop  }
0x28: {  	s29 =	sadd.s32 $0x2, s29;
	s1 =	sadd.s32 $0x100, s1;
	s26 =	sadd.s32 $0x100, s26;
	[tilespmem:s28+$0x30] =	vst v3  }
0x29: {  	p0 =	slt.u32 s29, $0x7E;
	[tilespmem:s28+$0x20] =	vst v0  }
0x2a: {  	[tilespmem:s28+$0x10] =	vst v1  }
0x2b: {  	[tilespmem:s28+$0x0] =	vst v2;
	s28 =	smov.u32 s1  }
0x2c: {  	v0 =	vld [tilespmem:s26+$0xFFFFFF80]  }
0x2d: {  	v1 =	vld [tilespmem:s26+$0xFFFFFFB0]  }
0x2e: {  	v2 =	vld [tilespmem:s26+$0xFFFFFFA0]  }
0x2f: {  	v3 =	vld [tilespmem:s26+$0xFFFFFF90];
	_ =	sdelay $0x1  }
0x30: {  	[tilespmem:s1+$0xFFFFFF80] =	vst v0  }
0x31: {  	[tilespmem:s1+$0xFFFFFFB0] =	vst v1  }
0x32: {  	[tilespmem:s1+$0xFFFFFFA0] =	vst v2  }
.Ltmp0:
0x33: {  	[tilespmem:s1+$0xFFFFFF90] =	vst v3;
	(pc) =	sbr.rel @p0 .LBB2_2-.Ltmp0, $4  }
0x34: {  	v3 =	vld [tilespmem:s26+$0x30]  }
0x35: {  	v0 =	vld [tilespmem:s26+$0x20]  }
0x36: {  	v1 =	vld [tilespmem:s26+$0x10]  }
0x37: {  	v2 =	vld [tilespmem:s26+$0x0]  }
0x38: {  	_ = 	snop  }
0x39: {  	[tilespmem:s28+$0x30] =	vst v3  }
0x3a: {  	[tilespmem:s28+$0x20] =	vst v0  }
0x3b: {  	[tilespmem:s28+$0x10] =	vst v1  }
0x3c: {  	[tilespmem:s28+$0x0] =	vst v2  }
0x3d: {  	[tilespmem:s15], [sflag:$0x1] =	stream.indirect.gather [hbm4b:s3+s14], $0x80, s18, s14, $0xb8;
	[tilespmem:$0x16400] =	vst v63  }
0x3e: {  	_ = 	snop  }
0x3f: {  	[hbm4b:s5+s2] =	stream.linear.scatter [tilespmem:s19], [sflag:$0x3], $0x4000, $0x38;
	[tilespmem:$0x16400] =	vst v63  }
0x40: {  	_ =	swait.ge [sflag:s20], $0x4000  }
0x41: {  	[sflag:s20] =	ssyncset.done $0x0  }
0x42: {  	s26 =	simm.s32 $0xA480;
	[sflag:s20] =	ssyncadd.s32 $0xFFFFC000  }
0x43: {  	v0 =	vld [tilespmem:s26+$0xFFFFFF80]  }
0x44: {  	v1 =	vld [tilespmem:s26+$0xFFFFFFB0]  }
0x45: {  	v2 =	vld [tilespmem:s26+$0xFFFFFFA0]  }
0x46: {  	v3 =	vld [tilespmem:s26+$0xFFFFFF90]  }
0x47: {  	s28 =	simm.s32 $0x12480  }
0x48: {  	[tilespmem:s28+$0xFFFFFF80] =	vst v0  }
0x49: {  	[tilespmem:s28+$0xFFFFFFB0] =	vst v1  }
0x4a: {  	[tilespmem:s28+$0xFFFFFFA0] =	vst v2  }
0x4b: {  	[tilespmem:s28+$0xFFFFFF90] =	vst v3  }
0x4c: {  	v3 =	vld [tilespmem:s26+$0x30]  }
0x4d: {  	v0 =	vld [tilespmem:s26+$0x20]  }
0x4e: {  	v1 =	vld [tilespmem:s26+$0x10]  }
0x4f: {  	s29 =	simm.s32 $0x0;
	s1 =	simm.s32 $0x12480;
	v2 =	vld [tilespmem:s26+$0x0]  }
.LBB2_4:
0x50: {  	_ = 	snop  }
0x51: {  	s29 =	sadd.s32 $0x2, s29;
	s1 =	sadd.s32 $0x100, s1;
	s26 =	sadd.s32 $0x100, s26;
	[tilespmem:s28+$0x30] =	vst v3  }
0x52: {  	p0 =	slt.u32 s29, $0x7E;
	[tilespmem:s28+$0x20] =	vst v0  }
0x53: {  	[tilespmem:s28+$0x10] =	vst v1  }
0x54: {  	[tilespmem:s28+$0x0] =	vst v2;
	s28 =	smov.u32 s1  }
0x55: {  	v0 =	vld [tilespmem:s26+$0xFFFFFF80]  }
0x56: {  	v1 =	vld [tilespmem:s26+$0xFFFFFFB0]  }
0x57: {  	v2 =	vld [tilespmem:s26+$0xFFFFFFA0]  }
0x58: {  	v3 =	vld [tilespmem:s26+$0xFFFFFF90];
	_ =	sdelay $0x1  }
0x59: {  	[tilespmem:s1+$0xFFFFFF80] =	vst v0  }
0x5a: {  	[tilespmem:s1+$0xFFFFFFB0] =	vst v1  }
0x5b: {  	[tilespmem:s1+$0xFFFFFFA0] =	vst v2  }
.Ltmp1:
0x5c: {  	[tilespmem:s1+$0xFFFFFF90] =	vst v3;
	(pc) =	sbr.rel @p0 .LBB2_4-.Ltmp1, $4  }
0x5d: {  	v3 =	vld [tilespmem:s26+$0x30]  }
0x5e: {  	v0 =	vld [tilespmem:s26+$0x20]  }
0x5f: {  	v1 =	vld [tilespmem:s26+$0x10]  }
0x60: {  	v2 =	vld [tilespmem:s26+$0x0]  }
0x61: {  	_ = 	snop  }
0x62: {  	[tilespmem:s28+$0x30] =	vst v3  }
0x63: {  	[tilespmem:s28+$0x20] =	vst v0  }
0x64: {  	[tilespmem:s28+$0x10] =	vst v1  }
0x65: {  	[tilespmem:s28+$0x0] =	vst v2  }
0x66: {  	[tilespmem:s16], [sflag:$0x2] =	stream.indirect.gather [hbm4b:s3+s14], $0x80, s21, s14, $0xb8;
	[tilespmem:$0x16400] =	vst v63  }
0x67: {  	s26 =	simm.s32 $0x0  }
0x68: {  	[hbm4b:s7+s26] =	stream.linear.scatter [tilespmem:s22], [sflag:$0x4], $0x4000, $0x38;
	[tilespmem:$0x16400] =	vst v63  }
.LBB2_6:
0x69: {  	_ =	swait.ge [sflag:s17], $0x4000  }
0x6a: {  	[sflag:s17] =	ssyncset.done $0x0  }
0x6b: {  	[sflag:s17] =	ssyncadd.s32 $0xFFFFC000  }
0x6c: {  	_ =	swait.ge [sflag:s23], $0x4000  }
0x6d: {  	[sflag:s23] =	ssyncset.done $0x0  }
0x6e: {  	s28 =	simm.s32 $0x6480;
	[sflag:s23] =	ssyncadd.s32 $0xFFFFC000  }
0x6f: {  	v0 =	vld [tilespmem:s28+$0xFFFFFF80]  }
0x70: {  	v1 =	vld [tilespmem:s28+$0xFFFFFFB0]  }
0x71: {  	v2 =	vld [tilespmem:s28+$0xFFFFFFA0]  }
0x72: {  	v3 =	vld [tilespmem:s28+$0xFFFFFF90]  }
0x73: {  	s30 =	simm.s32 $0xE480  }
0x74: {  	[tilespmem:s30+$0xFFFFFF80] =	vst v0  }
0x75: {  	[tilespmem:s30+$0xFFFFFFB0] =	vst v1  }
0x76: {  	[tilespmem:s30+$0xFFFFFFA0] =	vst v2  }
0x77: {  	[tilespmem:s30+$0xFFFFFF90] =	vst v3  }
0x78: {  	v3 =	vld [tilespmem:s28+$0x30]  }
0x79: {  	v2 =	vld [tilespmem:s28+$0x20]  }
0x7a: {  	v0 =	vld [tilespmem:s28+$0x10]  }
0x7b: {  	s29 =	simm.s32 $0x0;
	s1 =	simm.s32 $0xE480;
	v1 =	vld [tilespmem:s28+$0x0]  }
.LBB2_7:
0x7c: {  	_ = 	snop  }
0x7d: {  	s29 =	sadd.s32 $0x2, s29;
	s1 =	sadd.s32 $0x100, s1;
	s28 =	sadd.s32 $0x100, s28;
	[tilespmem:s30+$0x30] =	vst v3  }
0x7e: {  	p0 =	slt.u32 s29, $0x7E;
	[tilespmem:s30+$0x20] =	vst v2  }
0x7f: {  	[tilespmem:s30+$0x10] =	vst v0  }
0x80: {  	[tilespmem:s30+$0x0] =	vst v1;
	s30 =	smov.u32 s1  }
0x81: {  	v0 =	vld [tilespmem:s28+$0xFFFFFF80]  }
0x82: {  	v1 =	vld [tilespmem:s28+$0xFFFFFFB0]  }
0x83: {  	v2 =	vld [tilespmem:s28+$0xFFFFFFA0]  }
0x84: {  	v3 =	vld [tilespmem:s28+$0xFFFFFF90];
	_ =	sdelay $0x1  }
0x85: {  	[tilespmem:s1+$0xFFFFFF80] =	vst v0  }
0x86: {  	[tilespmem:s1+$0xFFFFFFB0] =	vst v1  }
0x87: {  	[tilespmem:s1+$0xFFFFFFA0] =	vst v2  }
.Ltmp2:
0x88: {  	[tilespmem:s1+$0xFFFFFF90] =	vst v3;
	(pc) =	sbr.rel @p0 .LBB2_7-.Ltmp2, $4  }
0x89: {  	v3 =	vld [tilespmem:s28+$0x30]  }
0x8a: {  	v2 =	vld [tilespmem:s28+$0x20]  }
0x8b: {  	v0 =	vld [tilespmem:s28+$0x10]  }
0x8c: {  	v1 =	vld [tilespmem:s28+$0x0]  }
0x8d: {  	_ = 	snop  }
0x8e: {  	[tilespmem:s30+$0x30] =	vst v3  }
0x8f: {  	s28 =	sshll.u32 s26, $0x8;
	[tilespmem:s30+$0x20] =	vst v2  }
0x90: {  	s29 =	sand.u32 $0x3FFFFF00, s28;
	[tilespmem:s30+$0x10] =	vst v0  }
0x91: {  	s1 =	sadd.s32 s28, s8;
	s0 =	sadd.s32 $0x200, s29;
	[tilespmem:s30+$0x0] =	vst v1  }
0x92: {  	[tilespmem:s15], [sflag:$0x1] =	stream.indirect.gather [hbm4b:s3+s14], $0x80, s0, s14, $0xb8;
	[tilespmem:$0x16400] =	vst v63  }
0x93: {  	s0 =	sshll.u32 s1, $0x4  }
0x94: {  	s0 =	sadd.s32 s4, s0  }
0x95: {  	[hbm4b:s0+s2] =	stream.linear.scatter [tilespmem:s19], [sflag:$0x3], $0x4000, $0x38;
	[tilespmem:$0x16400] =	vst v63  }
0x96: {  	_ =	swait.ge [sflag:s20], $0x4000  }
0x97: {  	[sflag:s20] =	ssyncset.done $0x0  }
0x98: {  	[sflag:s20] =	ssyncadd.s32 $0xFFFFC000  }
0x99: {  	_ =	swait.ge [sflag:s24], $0x4000  }
0x9a: {  	[sflag:s24] =	ssyncset.done $0x0  }
0x9b: {  	s30 =	simm.s32 $0xA480;
	[sflag:s24] =	ssyncadd.s32 $0xFFFFC000  }
0x9c: {  	v0 =	vld [tilespmem:s30+$0xFFFFFF80]  }
0x9d: {  	v1 =	vld [tilespmem:s30+$0xFFFFFFB0]  }
0x9e: {  	v2 =	vld [tilespmem:s30+$0xFFFFFFA0]  }
0x9f: {  	v3 =	vld [tilespmem:s30+$0xFFFFFF90]  }
0xa0: {  	s31 =	simm.s32 $0x12480  }
0xa1: {  	[tilespmem:s31+$0xFFFFFF80] =	vst v0  }
0xa2: {  	[tilespmem:s31+$0xFFFFFFB0] =	vst v1  }
0xa3: {  	[tilespmem:s31+$0xFFFFFFA0] =	vst v2  }
0xa4: {  	[tilespmem:s31+$0xFFFFFF90] =	vst v3  }
0xa5: {  	v3 =	vld [tilespmem:s30+$0x30]  }
0xa6: {  	v0 =	vld [tilespmem:s30+$0x20]  }
0xa7: {  	v1 =	vld [tilespmem:s30+$0x10]  }
0xa8: {  	s1 =	simm.s32 $0x0;
	s0 =	simm.s32 $0x12480;
	v2 =	vld [tilespmem:s30+$0x0]  }
.LBB2_9:
0xa9: {  	_ = 	snop  }
0xaa: {  	s1 =	sadd.s32 $0x2, s1;
	s0 =	sadd.s32 $0x100, s0;
	s30 =	sadd.s32 $0x100, s30;
	[tilespmem:s31+$0x30] =	vst v3  }
0xab: {  	p0 =	slt.u32 s1, $0x7E;
	[tilespmem:s31+$0x20] =	vst v0  }
0xac: {  	[tilespmem:s31+$0x10] =	vst v1  }
0xad: {  	[tilespmem:s31+$0x0] =	vst v2;
	s31 =	smov.u32 s0  }
0xae: {  	v0 =	vld [tilespmem:s30+$0xFFFFFF80]  }
0xaf: {  	v1 =	vld [tilespmem:s30+$0xFFFFFFB0]  }
0xb0: {  	v2 =	vld [tilespmem:s30+$0xFFFFFFA0]  }
0xb1: {  	v3 =	vld [tilespmem:s30+$0xFFFFFF90];
	_ =	sdelay $0x1  }
0xb2: {  	[tilespmem:s0+$0xFFFFFF80] =	vst v0  }
0xb3: {  	[tilespmem:s0+$0xFFFFFFB0] =	vst v1  }
0xb4: {  	[tilespmem:s0+$0xFFFFFFA0] =	vst v2  }
.Ltmp3:
0xb5: {  	[tilespmem:s0+$0xFFFFFF90] =	vst v3;
	(pc) =	sbr.rel @p0 .LBB2_9-.Ltmp3, $4  }
0xb6: {  	v3 =	vld [tilespmem:s30+$0x30]  }
0xb7: {  	v0 =	vld [tilespmem:s30+$0x20]  }
0xb8: {  	v1 =	vld [tilespmem:s30+$0x10]  }
0xb9: {  	v2 =	vld [tilespmem:s30+$0x0]  }
0xba: {  	_ = 	snop  }
0xbb: {  	[tilespmem:s31+$0x30] =	vst v3  }
0xbc: {  	s26 =	sadd.s32 $0x1, s26;
	[tilespmem:s31+$0x20] =	vst v0  }
0xbd: {  	p0 =	sne.s32 s26, $0x62;
	[tilespmem:s31+$0x10] =	vst v1  }
.Ltmp4:
0xbe: {  	s0 =	sadd.s32 $0x280, s29;
	[tilespmem:s31+$0x0] =	vst v2;
	s31 =	sadd.s32 s28, s9;
	(pc) =	sbr.rel @p0 .LBB2_6-.Ltmp4, $4  }
0xbf: {  	[tilespmem:s16], [sflag:$0x2] =	stream.indirect.gather [hbm4b:s3+s14], $0x80, s0, s14, $0xb8;
	[tilespmem:$0x16400] =	vst v63  }
0xc0: {  	s0 =	sshll.u32 s31, $0x4  }
0xc1: {  	s0 =	sadd.s32 s4, s0  }
0xc2: {  	[hbm4b:s0+s2] =	stream.linear.scatter [tilespmem:s22], [sflag:$0x4], $0x4000, $0x38;
	[tilespmem:$0x16400] =	vst v63  }
0xc3: {  	_ =	swait.ge [sflag:s17], $0x4000  }
0xc4: {  	[sflag:s17] =	ssyncset.done $0x0  }
0xc5: {  	[sflag:s17] =	ssyncadd.s32 $0xFFFFC000  }
0xc6: {  	_ =	swait.ge [sflag:s23], $0x4000  }
0xc7: {  	[sflag:s23] =	ssyncset.done $0x0  }
0xc8: {  	s26 =	simm.s32 $0x6480;
	[sflag:s23] =	ssyncadd.s32 $0xFFFFC000  }
0xc9: {  	v0 =	vld [tilespmem:s26+$0xFFFFFF80]  }
0xca: {  	v1 =	vld [tilespmem:s26+$0xFFFFFFB0]  }
0xcb: {  	v2 =	vld [tilespmem:s26+$0xFFFFFFA0]  }
0xcc: {  	v3 =	vld [tilespmem:s26+$0xFFFFFF90]  }
0xcd: {  	s28 =	simm.s32 $0xE480  }
0xce: {  	[tilespmem:s28+$0xFFFFFF80] =	vst v0  }
0xcf: {  	[tilespmem:s28+$0xFFFFFFB0] =	vst v1  }
0xd0: {  	[tilespmem:s28+$0xFFFFFFA0] =	vst v2  }
0xd1: {  	[tilespmem:s28+$0xFFFFFF90] =	vst v3  }
0xd2: {  	v3 =	vld [tilespmem:s26+$0x30]  }
0xd3: {  	v0 =	vld [tilespmem:s26+$0x20]  }
0xd4: {  	v1 =	vld [tilespmem:s26+$0x10]  }
0xd5: {  	s1 =	simm.s32 $0x0;
	s0 =	simm.s32 $0xE480;
	v2 =	vld [tilespmem:s26+$0x0]  }
.LBB2_12:
0xd6: {  	_ = 	snop  }
0xd7: {  	s1 =	sadd.s32 $0x2, s1;
	s0 =	sadd.s32 $0x100, s0;
	s26 =	sadd.s32 $0x100, s26;
	[tilespmem:s28+$0x30] =	vst v3  }
0xd8: {  	p0 =	slt.u32 s1, $0x7E;
	[tilespmem:s28+$0x20] =	vst v0  }
0xd9: {  	[tilespmem:s28+$0x10] =	vst v1  }
0xda: {  	[tilespmem:s28+$0x0] =	vst v2;
	s28 =	smov.u32 s0  }
0xdb: {  	v0 =	vld [tilespmem:s26+$0xFFFFFF80]  }
0xdc: {  	v1 =	vld [tilespmem:s26+$0xFFFFFFB0]  }
0xdd: {  	v2 =	vld [tilespmem:s26+$0xFFFFFFA0]  }
0xde: {  	v3 =	vld [tilespmem:s26+$0xFFFFFF90];
	_ =	sdelay $0x1  }
0xdf: {  	[tilespmem:s0+$0xFFFFFF80] =	vst v0  }
0xe0: {  	[tilespmem:s0+$0xFFFFFFB0] =	vst v1  }
0xe1: {  	[tilespmem:s0+$0xFFFFFFA0] =	vst v2  }
.Ltmp5:
0xe2: {  	[tilespmem:s0+$0xFFFFFF90] =	vst v3;
	(pc) =	sbr.rel @p0 .LBB2_12-.Ltmp5, $4  }
0xe3: {  	v3 =	vld [tilespmem:s26+$0x30]  }
0xe4: {  	v0 =	vld [tilespmem:s26+$0x20]  }
0xe5: {  	v1 =	vld [tilespmem:s26+$0x10]  }
0xe6: {  	v2 =	vld [tilespmem:s26+$0x0]  }
0xe7: {  	_ = 	snop  }
0xe8: {  	[tilespmem:s28+$0x30] =	vst v3  }
0xe9: {  	[tilespmem:s28+$0x20] =	vst v0  }
0xea: {  	[tilespmem:s28+$0x10] =	vst v1  }
0xeb: {  	[tilespmem:s28+$0x0] =	vst v2  }
0xec: {  	[hbm4b:s10+s2] =	stream.linear.scatter [tilespmem:s19], [sflag:$0x3], $0x4000, $0x38;
	[tilespmem:$0x16400] =	vst v63  }
0xed: {  	_ =	swait.ge [sflag:s20], $0x4000  }
0xee: {  	[sflag:s20] =	ssyncset.done $0x0  }
0xef: {  	[sflag:s20] =	ssyncadd.s32 $0xFFFFC000  }
0xf0: {  	_ =	swait.ge [sflag:s24], $0x4000  }
0xf1: {  	[sflag:s24] =	ssyncset.done $0x0  }
0xf2: {  	s26 =	simm.s32 $0xA480;
	[sflag:s24] =	ssyncadd.s32 $0xFFFFC000  }
0xf3: {  	v0 =	vld [tilespmem:s26+$0xFFFFFF80]  }
0xf4: {  	v1 =	vld [tilespmem:s26+$0xFFFFFFB0]  }
0xf5: {  	v2 =	vld [tilespmem:s26+$0xFFFFFFA0]  }
0xf6: {  	v3 =	vld [tilespmem:s26+$0xFFFFFF90]  }
0xf7: {  	s28 =	simm.s32 $0x12480  }
0xf8: {  	[tilespmem:s28+$0xFFFFFF80] =	vst v0  }
0xf9: {  	[tilespmem:s28+$0xFFFFFFB0] =	vst v1  }
0xfa: {  	[tilespmem:s28+$0xFFFFFFA0] =	vst v2  }
0xfb: {  	[tilespmem:s28+$0xFFFFFF90] =	vst v3  }
0xfc: {  	v3 =	vld [tilespmem:s26+$0x30]  }
0xfd: {  	v0 =	vld [tilespmem:s26+$0x20]  }
0xfe: {  	v1 =	vld [tilespmem:s26+$0x10]  }
0xff: {  	s1 =	simm.s32 $0x0;
	s0 =	simm.s32 $0x12480;
	v2 =	vld [tilespmem:s26+$0x0]  }
.LBB2_14:
0x100: {  	_ = 	snop  }
0x101: {  	s1 =	sadd.s32 $0x2, s1;
	s0 =	sadd.s32 $0x100, s0;
	s26 =	sadd.s32 $0x100, s26;
	[tilespmem:s28+$0x30] =	vst v3  }
0x102: {  	p0 =	slt.u32 s1, $0x7E;
	[tilespmem:s28+$0x20] =	vst v0  }
0x103: {  	[tilespmem:s28+$0x10] =	vst v1  }
0x104: {  	[tilespmem:s28+$0x0] =	vst v2;
	s28 =	smov.u32 s0  }
0x105: {  	v0 =	vld [tilespmem:s26+$0xFFFFFF80]  }
0x106: {  	v1 =	vld [tilespmem:s26+$0xFFFFFFB0]  }
0x107: {  	v2 =	vld [tilespmem:s26+$0xFFFFFFA0]  }
0x108: {  	v3 =	vld [tilespmem:s26+$0xFFFFFF90];
	_ =	sdelay $0x1  }
0x109: {  	[tilespmem:s0+$0xFFFFFF80] =	vst v0  }
0x10a: {  	[tilespmem:s0+$0xFFFFFFB0] =	vst v1  }
0x10b: {  	[tilespmem:s0+$0xFFFFFFA0] =	vst v2  }
.Ltmp6:
0x10c: {  	[tilespmem:s0+$0xFFFFFF90] =	vst v3;
	(pc) =	sbr.rel @p0 .LBB2_14-.Ltmp6, $4  }
0x10d: {  	v3 =	vld [tilespmem:s26+$0x30]  }
0x10e: {  	v0 =	vld [tilespmem:s26+$0x20]  }
0x10f: {  	v1 =	vld [tilespmem:s26+$0x10]  }
0x110: {  	v2 =	vld [tilespmem:s26+$0x0]  }
0x111: {  	_ = 	snop  }
0x112: {  	[tilespmem:s28+$0x30] =	vst v3  }
0x113: {  	[tilespmem:s28+$0x20] =	vst v0  }
0x114: {  	[tilespmem:s28+$0x10] =	vst v1  }
0x115: {  	s25 =	sadd.s32 $0x1, s25;
	[tilespmem:s28+$0x0] =	vst v2  }
0x116: {  	[hbm4b:s11+s2] =	stream.linear.scatter [tilespmem:s22], [sflag:$0x4], $0x4000, $0x38;
	[tilespmem:$0x16400] =	vst v63  }
0x117: {  	p0 =	sne.s32 s25, s12;
	_ =	swait.ge [sflag:s23], $0x4000  }
.Ltmp7:
0x118: {  	[sflag:s23] =	ssyncset.done $0x0;
	(pc) =	sbr.rel @p0 .LBB2_1-.Ltmp7, $4  }
0x119: {  	[sflag:s23] =	ssyncadd.s32 $0xFFFFC000  }
0x11a: {  	_ =	swait.ge [sflag:s24], $0x4000  }
0x11b: {  	[sflag:s24] =	ssyncset.done $0x0  }
0x11c: {  	[sflag:s24] =	ssyncadd.s32 $0xFFFFC000  }
0x11d: {  	_ =	sfence.sel $0x180000  }
0x11e: {  	[bflag:$0x0] =	sbarrier.arrive $0xFFFF  }
0x11f: {  	_ =	strace $0x9000004A  }
0x120: {  	s0 =	stileid.u32;
	[bflag:$0x2] =	sbarrier.arrive $0xFFFF  }
0x121: {  	p0 =	sne.s32 s0, $0x0;
	s0 =	rddreg [dreg:$0x2]  }
0x122: {  	s0 =	sadd.s32 @!p0 $0x100000, s0  }
0x123: {  	[sflag:s0] =	ssyncadd.tile.s32 @!p0 $0x1;
	_ =	shalt  }
.Lfunc_end2:
_tile_overlayer_lowered:
.L_overlay_start_2:
0x124: {  	(tag) =	ssettag $0x2  }
0x125: {  	s0 =	rddreg [dreg:$0x0];
	s2 =	stileid.u32  }
0x126: {  	s1 =	rddreg [dreg:$0x1];
	p0 =	sne.s32 s2, $0x0  }
0x127: {  	s3 =	rddreg [dreg:$0x2];
	[bflag:$0x3] =	sbarrier.arrive $0xFFFF;
	s2 =	simm.s32 @!p0 $0x1C05  }
0x128: {  	[timem:s3], [sflag:s2] =	dma.local @!p0 [hbm:s0], s1  }
0x129: {  	s0 =	simm.s32 @!p0 $0x5  }
0x12a: {  	_ =	swait.ge @!p0 [sflag:s0], s1  }
0x12b: {  	s1 =	ssub.s32 @!p0 $0x0, s1;
	[sflag:s0] =	ssyncset.done @!p0 $0x0  }
0x12c: {  	[sflag:s0] =	ssyncadd.s32 @!p0 s1  }
0x12d: {  	[bflag:$0x3] =	sbarrier.arrive $0xFFFF  }
0x12e: {  	_ =	shalt  }

// kernel: sparse-core-data-format-call.cloned.1.call-start
scs
called_computation_lowered:
.L_overlay_start_0:
0x0: {  	s2 =	sld [smem:$0x3FD9]  }
0x1: {  	s3 =	sld [smem:$0x3FFE];
	_ =	sdelay $0x1  }
0x2: {  	s1 =	srdreg.scid  }
0x3: {  	s0 =	sand.u32 $0x1, s1  }
0x4: {  	s18 =	sshll.u32 s0, $0xA;
	s2 =	sadd.s32 s3, s2  }
0x5: {  	s2 =	sadd.s32 s2, s18  }
0x6: {  	[smem:$0x3FC6] =	sst s2  }
0x7: {  	_ = 	snop  }
0x8: {  	s2 =	sld [smem:$0x3FD0];
	(tm) =	ssettm $0x1  }
0x9: {  	s19 =	sld [smem:$0x3FFB];
	_ =	sdelay $0x3  }
0xa: {  	_ =	strace s19  }
0xb: {  	s3 =	sld [smem:$0x3FFC];
	_ =	sdelay $0x3  }
0xc: {  	_ =	strace s3  }
0xd: {  	s3 =	sld [smem:$0x3FFD];
	_ =	sdelay $0x3  }
0xe: {  	_ =	strace s3  }
0xf: {  	_ =	strace $0x8FFFFFFF  }
0x10: {  	s20 =	sld [smem:$0x3FDB];
	_ =	sdelay $0x1  }
0x11: {  	s4 =	simm.s32 $_scs_section_size  }
0x12: {  	s5 =	simm.s32 $_size__tile_overlayer_lowered;
	s6 =	simm.s32 $_tile_overlayer_lowered  }
0x13: {  	s23 =	simm.s32 $0x1BFF;
	s22 =	sshll.u32 s6, $0x1;
	s3 =	sadd.s32 s4, s20  }
0x14: {  	s7 =	simm.s32 $0x0;
	s21 =	sshll.u32 s5, $0x1;
	s5 =	sadd.s32 s22, s3  }
0x15: {  	[timem:s7], [sflag:s23] =	dma.local [hbm:s5], s21  }
0x16: {  	_ =	swait.ge [sflag:s23], s21  }
0x17: {  	s4 =	ssub.s32 $0x0, s21;
	[sflag:s23] =	ssyncset.done $0x0  }
0x18: {  	[sflag:s23] =	ssyncadd.s32 s4;
	_ =	sdelay $0x1  }
0x19: {  	s24 =	simm.s32 $0x1B8B  }
0x1a: {  	_ =	swait.ge [sflag:s24], $0x1  }
0x1b: {  	[sflag:s24] =	ssyncset.done $0x0  }
0x1c: {  	s26 =	simm.s32 $0x1B8E;
	s25 =	sld [smem:$0x3FFE];
	[sflag:s24] =	ssyncadd.s32 $0xFFFFFFFF  }
0x1d: {  	s27 =	simm.s32 $execute0_lowered;
	[smem:$0x3FD2] =	sst s26  }
0x1e: {  	s5 =	sshll.u32 s27, $0x1;
	_ =	strace $0x8000004C;
	[dreg:$0x1] =	wrdreg $0xFFFFFFFF  }
0x1f: {  	s28 =	simm.s32 $_size_execute0_lowered;
	s3 =	sadd.s32 s3, s5;
	[dreg:$0x0] =	wrdreg $0x0  }
0x20: {  	s5 =	sshll.u32 s28, $0x1;
	[dreg:$0x2] =	wrdreg s3  }
0x21: {  	[dreg:$0x3] =	wrdreg s5  }
0x22: {  	[dreg:$0x4] =	wrdreg $0xC0  }
0x23: {  	_ =	task [dreg:s7], $0x5FFFF  }
0x24: {  	[dreg:$0x1] =	wrdreg $0xFFFFFFFF  }
0x25: {  	[dreg:$0x0] =	wrdreg $0x60  }
0x26: {  	[dreg:$0x2] =	wrdreg s25  }
0x27: {  	[dreg:$0x3] =	wrdreg s2  }
0x28: {  	[dreg:$0x4] =	wrdreg $0x9  }
0x29: {  	_ =	task.clear_ibuf [dreg:s7], $0x5FFFF;
	_ =	strace $0x9000004C  }
0x2a: {  	s29 =	simm.s32 $0x9;
	_ =	strace $0x8000004E  }
0x2b: {  	_ =	swait.ge [sflag:s29], $0x1  }
0x2c: {  	[sflag:s29] =	ssyncadd.s32 $0xFFFFFFFF  }
0x2d: {  	_ =	strace $0x9000004E  }
0x2e: {  	_ =	sfence  }
0x2f: {  	s30 =	sld [smem:$0x0];
	_ =	sdelay $0x2  }
0x30: {  	s31 =	sshll.u32 s1, $0xD;
	s1 =	sshrl.u32 s1, $0x2  }
0x31: {  	s3 =	sand.u32 $0x4000, s31;
	s1 =	sadd.s32 s1, s30  }
0x32: {  	s0 =	sor.u32 s3, s0;
	s1 =	sshll.u32 s1, $0x11  }
0x33: {  	s0 =	sor.u32 s1, s0  }
0x34: {  	s0 =	sadd.s32 $0x8F2B, s0  }
0x35: {  	[sflag:s0] =	ssyncadd.remote.s32 $0x1  }
0x36: {  	_ =	sfence.sel $0xFFFF  }
0x37: {  	[dreg:$0x0] =	wrdreg $0xFFFFFFFF;
	(pc) =	sbr.abs _section_cstart, $3  }
0x38: {  	[dreg:$0x1] =	wrdreg $0xFFFFFFFF  }
0x39: {  	_ =	task.clear_ibuf [dreg:s7], $0x2FFFF;
	_ =	strace $0x9FFFFFFF  }
0x3a: {  	(tm) =	ssettm $0x7FFFFFFF  }
0x3b: {  	_ =	shalt  }
tec
execute0_lowered:
.L_overlay_start_1:
0x0: {  	(tag) =	ssettag $0x1  }
0x1: {  	s0 =	srdreg.scid  }
0x2: {  	s1 =	sshll.u32 s0, $0x4  }
0x3: {  	s0 =	stileid.u32;
	s1 =	sand.u32 $0x10, s1  }
0x4: {  	s1 =	sor.u32 s0, s1  }
0x5: {  	s6 =	rddreg [dreg:$0x0];
	s4 =	simm.s32 $0x1;
	s2 =	sshll.u32 s1, $0x7  }
0x6: {  	s7 =	simm.s32 $0x2;
	s12 =	simm.s32 $0x0;
	s1 =	ssub.s32 $0x1000, s2  }
0x7: {  	s8 =	simm.s32 $0x8000;
	s13 =	simm.s32 $0x0;
	s3 =	sand.u32 $0xF80, s1  }
0x8: {  	s9 =	simm.s32 $0x0;
	s5 =	sshrl.u32 s1, $0xC;
	p0 =	sne.s32 s3, $0x0  }
.Ltmp0:
0x9: {  	s1 =	rddreg [dreg:$0x2];
	s4 =	simm.s32 @!p0 $0x0;
	(pc) =	sbr.rel .LBB1_1-.Ltmp0, $4  }
0xa: {  	s11 =	simm.s32 $0x0;
	s3 =	rddreg [dreg:$0x1];
	s5 =	sadd.s32 s4, s5  }
0xb: {  	_ =	strace $0x8000004D;
	s4 =	simm.s32 $0x1;
	s5 =	smul.u32 $0xC8, s5  }
0xc: {  	s6 =	sadd.s32 $0xE00, s6;
	s10 =	smov.u32 s2;
	[sflag:s4] =	ssyncpa.u1 $0x0  }
0xd: {  	p0 =	por $0x0, $0x0;
	[sflag:s7] =	ssyncpa.u1 $0x0;
	s7 =	sor.u32 $0x1, s5  }
.LBB1_4:
0xe: {  	s16 =	sshll.u32 s13, $0x3;
	s17 =	sand.u32 $0x78, s13  }
0xf: {  	s30 =	sand.u32 $0x7E00, s13;
	s12 =	sshll.u32 s12, $0xF;
	s16 =	sand.u32 $0xC00, s16  }
0x10: {  	[tilespmem:s15+$0x810 ss:$0x81] =	vst.msk $0xffff, v2;
	s31 =	sand.u32 $0x7, s13;
	s16 =	sor.u32 s17, s16;
	s17 =	sadd.s32 s3, s30  }
0x11: {  	[tilespmem:s15+$0x1020 ss:$0x81] =	vst.msk $0xffff, v0;
	s13 =	sshll.u32 s31, $0x12;
	s12 =	sadd.s32 s12, s17;
	s16 =	sshrl.u32 s16, $0x3  }
0x12: {  	[tilespmem:s15+$0x0 ss:$0x81] =	vst.msk $0xffff, v1;
	s13 =	sor.u32 $0x400, s13;
	s12 =	sadd.s32 s16, s12  }
0x13: {  	[hbm4b:s12+s13] =	stream.strided.scatter [tilespmem:s14], [sflag:$0x2], $0x2000, s8, s13, $0x20;
	[tilespmem:$0x8080] =	vst v63  }
.LBB1_5:
0x14: {  	s14 =	sadd.s32 $0x1, s9  }
0x15: {  	s12 =	sadd.s32 $0x1000, s10;
	s16 =	smov.u32 s10;
	p2 =	sgt.s32 s14, $0xC7  }
0x16: {  	s16 =	smov.u32 @p2 s12  }
0x17: {  	s14 =	simm.s32 @p2 $0x0;
	p2 =	sgt.s32 s16, $0xFFF  }
0x18: {  	s16 =	smov.u32 @p2 s2;
	p2 =	sne.s32 s11, s7  }
.Ltmp1:
0x19: {  	p1 =	slt.u32 s11, $0x2;
	(pc) =	sbr.rel @!p2 .LBB1_6-.Ltmp1, $4  }
0x1a: {  	s15 =	simm.s32 @!p1 $0x2  }
0x1b: {  	s13 =	smov.u32 s10;
	p0 =	por !p0, !p0;
	_ =	swait.ge @!p1 [sflag:s15], $0x2000  }
0x1c: {  	s12 =	smov.u32 s9;
	[sflag:s15] =	ssyncset.done @!p1 $0x0;
	s9 =	smov.u32 s14  }
0x1d: {  	s11 =	sadd.s32 $0x1, s11;
	[sflag:s15] =	ssyncadd.s32 @!p1 $0xFFFFE000;
	s10 =	smov.u32 s16  }
.LBB1_1:
0x1e: {  	p1 =	sge.u32 s11, s5  }
0x1f: {  	s14 =	sand.u32 @!p1 $0x1FFFFFF, s9  }
0x20: {  	s15 =	smulhi.u32 @!p1 $0x147AE15, s14;
	_ =	sdelay $0x1  }
0x21: {  	s15 =	smul.u32 @!p1 $0xC8, s15  }
0x22: {  	s16 =	sxor.u32 @!p1 $0xFFFFFFFF, s11;
	s17 =	smul.u32 @!p1 $0xC80, s10  }
0x23: {  	s31 =	sadd.s32 $0xFFFFFFFF, s11;
	s16 =	sshll.u32 @!p1 s16, $0xD;
	s14 =	ssub.s32 @!p1 s14, s15  }
0x24: {  	s15 =	sand.u32 @!p1 $0x2000, s16;
	s16 =	sadd.s32 @!p1 s6, s17;
	s14 =	sshll.u32 @!p1 s14, $0x4  }
0x25: {  	s17 =	simm.s32 @!p1 $0x6400;
	s14 =	sadd.s32 @!p1 s14, s16;
	s16 =	simm.s32 @!p1 $0x40  }
0x26: {  	[tilespmem:s15], [sflag:$0x1] =	stream.strided.gather @!p1 [hbm4b:s14+s16], $0x2000, s17, s16, $0x38;
	[tilespmem:$0x8080] =	vst v63  }
0x27: {  	p1 =	sge.u32 s31, s5  }
.Ltmp2:
0x28: {  	_ = 	snop;
	(pc) =	sbr.rel @p1 .LBB1_5-.Ltmp2, $1  }
0x29: {  	_ =	sdelay $0x3  }
0x2a: {  	s14 =	simm.s32 $0x1  }
0x2b: {  	_ =	swait.ge [sflag:s4], $0x2000;
	s14 =	simm.s32 @!p0 $0x0  }
0x2c: {  	[sflag:s4] =	ssyncset.done $0x0;
	s15 =	sshll.u32 s14, $0xD  }
0x2d: {  	[sflag:s4] =	ssyncadd.s32 $0xFFFFE000;
	s18 =	sor.u32 $0x20, s15  }
0x2e: {  	s14 =	smul.u32 $0x8100, s14;
	v3 =	vld [tilespmem:s18+$0x10]  }
0x2f: {  	s30 =	sand.u32 $0x1, s11;
	v2 =	vld [tilespmem:s18+$0xFFFFFFF0]  }
0x30: {  	s15 =	smul.u32 $0x8100, s30;
	s14 =	sshrl.u32 s14, $0x2;
	v0 =	vld [tilespmem:s18+$0x0]  }
0x31: {  	v1 =	vld [tilespmem:s18+$0xFFFFFFE0];
	s16 =	sor.u32 $0x4000, s14  }
0x32: {  	s31 =	sshrl.u32 s15, $0x2;
	s15 =	sadd.s32 $0x0, s16  }
0x33: {  	s17 =	simm.s32 $0x4;
	s18 =	sadd.s32 $0x40, s18;
	s14 =	sor.u32 $0x4000, s31;
	[tilespmem:s15+$0x1830 ss:$0x81] =	vst.msk $0xffff, v3  }
.LBB1_3:
0x34: {  	v3 =	vld [tilespmem:s18+$0x10];
	p1 =	sne.s32 s17, $0x1FC;
	[tilespmem:s15+$0x810 ss:$0x81] =	vst.msk $0xffff, v2;
	s19 =	smov.u32 s17;
	s17 =	sadd.s32 $0x4, s17  }
.Ltmp3:
0x35: {  	v2 =	vld [tilespmem:s18+$0xFFFFFFF0];
	[tilespmem:s15+$0x1020 ss:$0x81] =	vst.msk $0xffff, v0;
	(pc) =	sbr.rel @p1 .LBB1_3-.Ltmp3, $4  }
0x36: {  	v0 =	vld [tilespmem:s18+$0x0];
	[tilespmem:s15+$0x0 ss:$0x81] =	vst.msk $0xffff, v1  }
0x37: {  	s15 =	sshra.s32 s19, $0x2;
	v1 =	vld [tilespmem:s18+$0xFFFFFFE0]  }
0x38: {  	s15 =	sadd.s32 s15, s16  }
0x39: {  	s18 =	sadd.s32 $0x40, s18;
	[tilespmem:s15+$0x1830 ss:$0x81] =	vst.msk $0xffff, v3  }
.Ltmp4:
0x3a: {  	_ = 	snop;
	(pc) =	sbr.rel .LBB1_4-.Ltmp4, $1  }
0x3b: {  	_ =	sdelay $0x3  }
.LBB1_6:
0x3c: {  	_ =	sfence.sel $0x180000  }
0x3d: {  	s2 =	simm.s32 $0x1;
	[bflag:$0x0] =	sbarrier.arrive $0xFFFF  }
0x3e: {  	s31 =	simm.s32 $0x2;
	[sflag:s2] =	ssyncpa.u1 $0x1  }
0x3f: {  	[sflag:s31] =	ssyncpa.u1 $0x1  }
0x40: {  	p0 =	sne.s32 s0, $0x0;
	_ =	strace $0x9000004D  }
0x41: {  	s0 =	sadd.s32 @!p0 $0x100000, s1;
	[bflag:$0x2] =	sbarrier.arrive $0xFFFF  }
0x42: {  	[sflag:s0] =	ssyncadd.tile.s32 @!p0 $0x1;
	_ =	shalt  }
.Lfunc_end1:
_tile_overlayer_lowered:
.L_overlay_start_2:
0x43: {  	(tag) =	ssettag $0x2  }
0x44: {  	s0 =	rddreg [dreg:$0x0];
	s2 =	stileid.u32  }
0x45: {  	s1 =	rddreg [dreg:$0x1];
	p0 =	sne.s32 s2, $0x0  }
0x46: {  	s3 =	rddreg [dreg:$0x2];
	[bflag:$0x3] =	sbarrier.arrive $0xFFFF;
	s2 =	simm.s32 @!p0 $0x1C01  }
0x47: {  	[timem:s3], [sflag:s2] =	dma.local @!p0 [hbm:s0], s1  }
0x48: {  	s0 =	simm.s32 @!p0 $0x1  }
0x49: {  	_ =	swait.ge @!p0 [sflag:s0], s1  }
0x4a: {  	s1 =	ssub.s32 @!p0 $0x0, s1;
	[sflag:s0] =	ssyncset.done @!p0 $0x0  }
0x4b: {  	[sflag:s0] =	ssyncadd.s32 @!p0 s1  }
0x4c: {  	[bflag:$0x3] =	sbarrier.arrive $0xFFFF  }
0x4d: {  	_ =	shalt  }

</sc_bundles>
